<compile_context>
chip_gen: v7x
topology: tpu7x:2x2x1
jax: 0.10.2.dev20260603
libtpu: 0.0.44.dev20260713+nightly
codegen_flags: <defaults>
</compile_context>

<pallas_src>
import functools

import jax
import jax.numpy as jnp
from jax import lax
from jax.experimental import pallas as pl
from jax.experimental.pallas import tpu as pltpu
from jax.experimental.pallas import tpu_sc as plsc

N = 5000
M = 20000
N_PAD = 5120
M_PAD = 20480
R = 512
C = 4096
RS = 128
K = 8

NUM_WORKERS = 32
B_PER_W = N_PAD // NUM_WORKERS
LANES = 16


def _nn_idx_body(p_ref, tT_ref, p2_ref, idx_ref, rmin_ref, rchk_ref):
    j = pl.program_id(1)

    @pl.when(j == 0)
    def _():
        rmin_ref[...] = jnp.full((R, 128), jnp.inf, jnp.float32)
        rchk_ref[...] = jnp.zeros((R, 128), jnp.float32)

    p = p_ref[...]
    tT = tT_ref[...]
    t2 = jnp.sum(tT * tT, axis=0, keepdims=True)
    colr = j * C + lax.broadcasted_iota(jnp.int32, (1, C), 1)
    t2 = jnp.where(colr < M, t2, jnp.float32(1e30))
    dotr = jnp.dot(p, tT, preferred_element_type=jnp.float32)
    p2 = p2_ref[...]

    for sub in range(R // RS):
        rows = pl.ds(sub * RS, RS)
        rm = rmin_ref[rows, :]
        rc = rchk_ref[rows, :]
        p2s = p2[sub * RS:(sub + 1) * RS, :]
        for k in range(C // 128):
            cols = slice(k * 128, (k + 1) * 128)
            ch = (p2s + t2[:, cols]) - dotr[sub * RS:(sub + 1) * RS, cols]
            ck = jnp.float32(j * (C // 128) + k)
            cond = ch < rm
            rm = jnp.where(cond, ch, rm)
            rc = jnp.where(cond, ck, rc)
        rmin_ref[rows, :] = rm
        rchk_ref[rows, :] = rc

    @pl.when(j == pl.num_programs(1) - 1)
    def _():
        rmin_f = rmin_ref[...]
        lanef = lax.broadcasted_iota(jnp.int32, (R, 128), 1).astype(jnp.float32)
        col = rchk_ref[...] * 128.0 + lanef
        bmin = jnp.min(rmin_f, axis=1, keepdims=True)
        bidx = jnp.min(jnp.where(rmin_f == bmin, col, jnp.float32(2 ** 30)),
                       axis=1, keepdims=True)
        idx_ref[...] = bidx.astype(jnp.int32)


def _nn_indices(p_pad, tT_pad, p2_pad):
    call = pl.pallas_call(
        _nn_idx_body,
        grid=(N_PAD // R, M_PAD // C),
        in_specs=[
            pl.BlockSpec((R, K), lambda i, j: (i, 0)),
            pl.BlockSpec((K, C), lambda i, j: (0, j)),
            pl.BlockSpec((R, 1), lambda i, j: (i, 0)),
        ],
        out_specs=pl.BlockSpec((R, 1), lambda i, j: (i, 0)),
        out_shape=jax.ShapeDtypeStruct((N_PAD, 1), jnp.int32),
        scratch_shapes=[
            pltpu.VMEM((R, 128), jnp.float32),
            pltpu.VMEM((R, 128), jnp.float32),
        ],
        compiler_params=pltpu.CompilerParams(
            dimension_semantics=("parallel", "arbitrary"),
        ),
    )
    return call(p_pad, tT_pad, p2_pad)


def _sc_mse_body(idx_hbm, pint_hbm, tint_hbm, out_hbm,
                 idx_v, pint_v, tint_v, acc_v):
    wid = lax.axis_index("s") * 2 + lax.axis_index("c")
    base = wid * B_PER_W
    pltpu.sync_copy(idx_hbm.at[pl.ds(base, B_PER_W)], idx_v)
    pltpu.sync_copy(pint_hbm.at[pl.ds(base, B_PER_W)], pint_v)
    pltpu.sync_copy(tint_hbm, tint_v)

    lane = lax.iota(jnp.int32, LANES)
    acc = jnp.zeros((LANES,), jnp.float32)
    for i in range(B_PER_W // LANES):
        iv = idx_v[pl.ds(i * LANES, LANES)]
        g = plsc.load_gather(tint_v, [iv])
        pv = pint_v[pl.ds(i * LANES, LANES)]
        row = base + i * LANES + lane
        d = jnp.where(row < N, pv - g, 0.0)
        acc = acc + d * d
    acc_v[...] = acc
    pltpu.sync_copy(acc_v, out_hbm.at[wid])


@functools.lru_cache(maxsize=1)
def _sc_mse():
    return pl.kernel(
        _sc_mse_body,
        out_type=jax.ShapeDtypeStruct((NUM_WORKERS, LANES), jnp.float32),
        mesh=plsc.VectorSubcoreMesh(core_axis_name="c", subcore_axis_name="s"),
        compiler_params=pltpu.CompilerParams(needs_layout_passes=False),
        scratch_types=[
            pltpu.VMEM((B_PER_W,), jnp.int32),
            pltpu.VMEM((B_PER_W,), jnp.float32),
            pltpu.VMEM((M,), jnp.float32),
            pltpu.VMEM((LANES,), jnp.float32),
        ],
    )


@jax.jit
def kernel(pred, target):
    p = pred[:, :3]
    p2 = jnp.sum(p * p, axis=1, keepdims=True)
    p_pad = jnp.zeros((N_PAD, K), jnp.float32).at[:N, :3].set(2.0 * p)
    tT_pad = jnp.zeros((K, M_PAD), jnp.float32).at[:3, :M].set(target[:, :3].T)
    p2_pad = jnp.zeros((N_PAD, 1), jnp.float32).at[:N].set(p2)
    idx = _nn_indices(p_pad, tT_pad, p2_pad)[:, 0]

    pint_pad = jnp.zeros((N_PAD,), jnp.float32).at[:N].set(pred[:, 3])
    partials = _sc_mse()(idx, pint_pad, target[:, 3])
    return jnp.sum(partials) / N

# --- scband reference (transcript-rebuilt; emitter-appended) ---
"""Pipeline reference for scband-intensity-loss-63127429316929 (READ-ONLY COPY).

The authoritative reference and input builder live on the scoring server;
editing this copy changes nothing except your own understanding.
"""

import jax, jax.numpy as jnp
import numpy as np

LOSS_WEIGHT = 1.0

def setup_inputs(seed: int = 0) -> dict:
    key = jax.random.key(seed)
    k1, k2 = jax.random.split(key)
    pred = jax.random.normal(k1, (5000, 4), dtype=jnp.float32)
    target = jax.random.normal(k2, (20000, 4), dtype=jnp.float32)
    return {"pred": pred, "target": target}

def reference(pred, target):
    pred_intensity = pred[:, 3]
    target_intensity = target[:, 3]
    if pred.shape[0] != target.shape[0]:
        # cdist(p=2) nearest neighbor: argmin of squared distance equals argmin of distance
        p = pred[:, :3]
        t = target[:, :3]
        p2 = jnp.sum(p * p, axis=1, keepdims=True)          # (N, 1)
        t2 = jnp.sum(t * t, axis=1, keepdims=True).T        # (1, M)
        d2 = p2 + t2 - 2.0 * (p @ t.T)                      # (N, M)
        idx = jnp.argmin(d2, axis=1)                        # (N,)
        target_intensity = target_intensity[idx]
    diff = pred_intensity - target_intensity
    intensity_loss = jnp.mean(diff * diff)
    return intensity_loss * LOSS_WEIGHT

if __name__ == "__main__":
    import jax
    _d = setup_inputs()
    print(jax.jit(kernel)(*tuple(_d.values())))

</pallas_src>

<mosaic_0001>
#map = affine_map<(d0, d1) -> (0)>
#map1 = affine_map<(d0, d1) -> (0, 0)>
module attributes {stable_mosaic.version = 14 : i64} {
  func.func @_sc_mse_body(%arg0: i32, %arg1: i32, %arg2: memref<5120xi32, #tpu.memory_space<hbm>>, %arg3: memref<5120xf32, #tpu.memory_space<hbm>>, %arg4: memref<20000xf32, #tpu.memory_space<hbm>>, %arg5: memref<32x16xf32, #tpu.memory_space<hbm>>, %arg6: memref<160xi32, #tpu.memory_space<vmem>>, %arg7: memref<160xf32, #tpu.memory_space<vmem>>, %arg8: memref<20000xf32, #tpu.memory_space<vmem>>, %arg9: memref<16xf32, #tpu.memory_space<vmem>>) attributes {dimension_semantics = [#tpu.dimension_semantics<core_parallel>, #tpu.dimension_semantics<subcore_parallel>], iteration_bounds = array<i64: 2, 16>, scalar_prefetch = 0 : i64, scratch_operands = 4 : i64, tpu.core_type = #tpu.core_type<sc_vector_subcore>, window_params = [{transform_indices = #map}, {transform_indices = #map}, {transform_indices = #map}, {transform_indices = #map1}]} {
    %mul3A = arith.constant 2 : i32
    %mul3A_0 = arith.muli %arg1, %mul3A : i32
    %add3A = arith.addi %mul3A_0, %arg0 : i32
    %mul3A_1 = arith.constant 160 : i32
    %mul3A_2 = arith.muli %add3A, %mul3A_1 : i32
    "tpu.region"() ({
      %run_scoped3A = tpu.sem_alloc : memref<!tpu.dma_semaphore, #tpu.memory_space<semaphore_mem>>
      %dma_start3A = tpu.memref_slice %arg2[%mul3A_2] : memref<5120xi32, #tpu.memory_space<hbm>> -> memref<160xi32, #tpu.memory_space<hbm>>
      %dma_start3A_179 = tpu.memref_slice %arg2[%mul3A_2] : memref<5120xi32, #tpu.memory_space<hbm>> -> memref<160xi32, #tpu.memory_space<hbm>>
      tpu.enqueue_dma source(%dma_start3A_179 : memref<160xi32, #tpu.memory_space<hbm>>) target(%arg6 : memref<160xi32, #tpu.memory_space<vmem>>) target_semaphore(%run_scoped3A : memref<!tpu.dma_semaphore, #tpu.memory_space<semaphore_mem>>)
      %dma_wait3A = tpu.memref_slice %arg2[%mul3A_2] : memref<5120xi32, #tpu.memory_space<hbm>> -> memref<160xi32, #tpu.memory_space<hbm>>
      %dma_wait3A_180 = tpu.memref_slice %arg2[%mul3A_2] : memref<5120xi32, #tpu.memory_space<hbm>> -> memref<160xi32, #tpu.memory_space<hbm>>
      tpu.wait_dma2 semaphore(%run_scoped3A : memref<!tpu.dma_semaphore, #tpu.memory_space<semaphore_mem>>) src(%dma_wait3A_180 : memref<160xi32, #tpu.memory_space<hbm>>) dst(%arg6 : memref<160xi32, #tpu.memory_space<vmem>>)
      tpu.yield
    }) : () -> ()
    "tpu.region"() ({
      %run_scoped3A = tpu.sem_alloc : memref<!tpu.dma_semaphore, #tpu.memory_space<semaphore_mem>>
      %dma_start3A = tpu.memref_slice %arg3[%mul3A_2] : memref<5120xf32, #tpu.memory_space<hbm>> -> memref<160xf32, #tpu.memory_space<hbm>>
      %dma_start3A_179 = tpu.memref_slice %arg3[%mul3A_2] : memref<5120xf32, #tpu.memory_space<hbm>> -> memref<160xf32, #tpu.memory_space<hbm>>
      tpu.enqueue_dma source(%dma_start3A_179 : memref<160xf32, #tpu.memory_space<hbm>>) target(%arg7 : memref<160xf32, #tpu.memory_space<vmem>>) target_semaphore(%run_scoped3A : memref<!tpu.dma_semaphore, #tpu.memory_space<semaphore_mem>>)
      %dma_wait3A = tpu.memref_slice %arg3[%mul3A_2] : memref<5120xf32, #tpu.memory_space<hbm>> -> memref<160xf32, #tpu.memory_space<hbm>>
      %dma_wait3A_180 = tpu.memref_slice %arg3[%mul3A_2] : memref<5120xf32, #tpu.memory_space<hbm>> -> memref<160xf32, #tpu.memory_space<hbm>>
      tpu.wait_dma2 semaphore(%run_scoped3A : memref<!tpu.dma_semaphore, #tpu.memory_space<semaphore_mem>>) src(%dma_wait3A_180 : memref<160xf32, #tpu.memory_space<hbm>>) dst(%arg7 : memref<160xf32, #tpu.memory_space<vmem>>)
      tpu.yield
    }) : () -> ()
    "tpu.region"() ({
      %run_scoped3A = tpu.sem_alloc : memref<!tpu.dma_semaphore, #tpu.memory_space<semaphore_mem>>
      tpu.enqueue_dma source(%arg4 : memref<20000xf32, #tpu.memory_space<hbm>>) target(%arg8 : memref<20000xf32, #tpu.memory_space<vmem>>) target_semaphore(%run_scoped3A : memref<!tpu.dma_semaphore, #tpu.memory_space<semaphore_mem>>)
      tpu.wait_dma2 semaphore(%run_scoped3A : memref<!tpu.dma_semaphore, #tpu.memory_space<semaphore_mem>>) src(%arg4 : memref<20000xf32, #tpu.memory_space<hbm>>) dst(%arg8 : memref<20000xf32, #tpu.memory_space<vmem>>)
      tpu.yield
    }) : () -> ()
    %iota3A = tpu.iota {dimensions = array<i32: 0>} : vector<16xi32>
    %broadcast_in_dim3A = arith.constant 0.000000e+00 : f32
    %broadcast_in_dim3A_3 = vector.broadcast %broadcast_in_dim3A : f32 to vector<16xf32>
    %get3A = arith.constant 0 : index
    %get3A_4 = tpu.vector_load %arg6[%get3A] {strides = array<i32>} : memref<160xi32, #tpu.memory_space<vmem>>, vector<16xi32>,
    %gather3A = tpu.vector_load_idx %arg8[%get3A_4] : memref<20000xf32, #tpu.memory_space<vmem>>[vector<16xi32>], vector<16xf32>,
    %get3A_5 = arith.constant 0 : index
    %get3A_6 = tpu.vector_load %arg7[%get3A_5] {strides = array<i32>} : memref<160xf32, #tpu.memory_space<vmem>>, vector<16xf32>,
    %add3A_7 = arith.constant 0 : i32
    %add3A_8 = arith.addi %mul3A_2, %add3A_7 : i32
    %add3A_9 = vector.broadcast %add3A_8 : i32 to vector<16xi32>
    %add3A_10 = arith.addi %add3A_9, %iota3A : vector<16xi32>
    %lt3A = arith.constant 5000 : i32
    %lt3A_11 = vector.broadcast %lt3A : i32 to vector<16xi32>
    %lt3A_12 = arith.cmpi slt, %add3A_10, %lt3A_11 : vector<16xi32>
    %sub3A = arith.subf %get3A_6, %gather3A : vector<16xf32>
    %jit3A = arith.constant 0.000000e+00 : f32
    %broadcast_in_dim3A_13 = vector.broadcast %jit3A : f32 to vector<16xf32>
    %select_n3A = arith.select %lt3A_12, %sub3A, %broadcast_in_dim3A_13 : vector<16xi1>, vector<16xf32>
    %mul3A_14 = arith.mulf %select_n3A, %select_n3A : vector<16xf32>
    %add3A_15 = arith.addf %broadcast_in_dim3A_3, %mul3A_14 : vector<16xf32>
    %get3A_16 = arith.constant 16 : index
    %get3A_17 = tpu.vector_load %arg6[%get3A_16] {strides = array<i32>} : memref<160xi32, #tpu.memory_space<vmem>>, vector<16xi32>,
    %gather3A_18 = tpu.vector_load_idx %arg8[%get3A_17] : memref<20000xf32, #tpu.memory_space<vmem>>[vector<16xi32>], vector<16xf32>,
    %get3A_19 = arith.constant 16 : index
    %get3A_20 = tpu.vector_load %arg7[%get3A_19] {strides = array<i32>} : memref<160xf32, #tpu.memory_space<vmem>>, vector<16xf32>,
    %add3A_21 = arith.constant 16 : i32
    %add3A_22 = arith.addi %mul3A_2, %add3A_21 : i32
    %add3A_23 = vector.broadcast %add3A_22 : i32 to vector<16xi32>
    %add3A_24 = arith.addi %add3A_23, %iota3A : vector<16xi32>
    %lt3A_25 = arith.constant 5000 : i32
    %lt3A_26 = vector.broadcast %lt3A_25 : i32 to vector<16xi32>
    %lt3A_27 = arith.cmpi slt, %add3A_24, %lt3A_26 : vector<16xi32>
    %sub3A_28 = arith.subf %get3A_20, %gather3A_18 : vector<16xf32>
    %jit3A_29 = arith.constant 0.000000e+00 : f32
    %broadcast_in_dim3A_30 = vector.broadcast %jit3A_29 : f32 to vector<16xf32>
    %select_n3A_31 = arith.select %lt3A_27, %sub3A_28, %broadcast_in_dim3A_30 : vector<16xi1>, vector<16xf32>
    %mul3A_32 = arith.mulf %select_n3A_31, %select_n3A_31 : vector<16xf32>
    %add3A_33 = arith.addf %add3A_15, %mul3A_32 : vector<16xf32>
    %get3A_34 = arith.constant 32 : index
    %get3A_35 = tpu.vector_load %arg6[%get3A_34] {strides = array<i32>} : memref<160xi32, #tpu.memory_space<vmem>>, vector<16xi32>,
    %gather3A_36 = tpu.vector_load_idx %arg8[%get3A_35] : memref<20000xf32, #tpu.memory_space<vmem>>[vector<16xi32>], vector<16xf32>,
    %get3A_37 = arith.constant 32 : index
    %get3A_38 = tpu.vector_load %arg7[%get3A_37] {strides = array<i32>} : memref<160xf32, #tpu.memory_space<vmem>>, vector<16xf32>,
    %add3A_39 = arith.constant 32 : i32
    %add3A_40 = arith.addi %mul3A_2, %add3A_39 : i32
    %add3A_41 = vector.broadcast %add3A_40 : i32 to vector<16xi32>
    %add3A_42 = arith.addi %add3A_41, %iota3A : vector<16xi32>
    %lt3A_43 = arith.constant 5000 : i32
    %lt3A_44 = vector.broadcast %lt3A_43 : i32 to vector<16xi32>
    %lt3A_45 = arith.cmpi slt, %add3A_42, %lt3A_44 : vector<16xi32>
    %sub3A_46 = arith.subf %get3A_38, %gather3A_36 : vector<16xf32>
    %jit3A_47 = arith.constant 0.000000e+00 : f32
    %broadcast_in_dim3A_48 = vector.broadcast %jit3A_47 : f32 to vector<16xf32>
    %select_n3A_49 = arith.select %lt3A_45, %sub3A_46, %broadcast_in_dim3A_48 : vector<16xi1>, vector<16xf32>
    %mul3A_50 = arith.mulf %select_n3A_49, %select_n3A_49 : vector<16xf32>
    %add3A_51 = arith.addf %add3A_33, %mul3A_50 : vector<16xf32>
    %get3A_52 = arith.constant 48 : index
    %get3A_53 = tpu.vector_load %arg6[%get3A_52] {strides = array<i32>} : memref<160xi32, #tpu.memory_space<vmem>>, vector<16xi32>,
    %gather3A_54 = tpu.vector_load_idx %arg8[%get3A_53] : memref<20000xf32, #tpu.memory_space<vmem>>[vector<16xi32>], vector<16xf32>,
    %get3A_55 = arith.constant 48 : index
    %get3A_56 = tpu.vector_load %arg7[%get3A_55] {strides = array<i32>} : memref<160xf32, #tpu.memory_space<vmem>>, vector<16xf32>,
    %add3A_57 = arith.constant 48 : i32
    %add3A_58 = arith.addi %mul3A_2, %add3A_57 : i32
    %add3A_59 = vector.broadcast %add3A_58 : i32 to vector<16xi32>
    %add3A_60 = arith.addi %add3A_59, %iota3A : vector<16xi32>
    %lt3A_61 = arith.constant 5000 : i32
    %lt3A_62 = vector.broadcast %lt3A_61 : i32 to vector<16xi32>
    %lt3A_63 = arith.cmpi slt, %add3A_60, %lt3A_62 : vector<16xi32>
    %sub3A_64 = arith.subf %get3A_56, %gather3A_54 : vector<16xf32>
    %jit3A_65 = arith.constant 0.000000e+00 : f32
    %broadcast_in_dim3A_66 = vector.broadcast %jit3A_65 : f32 to vector<16xf32>
    %select_n3A_67 = arith.select %lt3A_63, %sub3A_64, %broadcast_in_dim3A_66 : vector<16xi1>, vector<16xf32>
    %mul3A_68 = arith.mulf %select_n3A_67, %select_n3A_67 : vector<16xf32>
    %add3A_69 = arith.addf %add3A_51, %mul3A_68 : vector<16xf32>
    %get3A_70 = arith.constant 64 : index
    %get3A_71 = tpu.vector_load %arg6[%get3A_70] {strides = array<i32>} : memref<160xi32, #tpu.memory_space<vmem>>, vector<16xi32>,
    %gather3A_72 = tpu.vector_load_idx %arg8[%get3A_71] : memref<20000xf32, #tpu.memory_space<vmem>>[vector<16xi32>], vector<16xf32>,
    %get3A_73 = arith.constant 64 : index
    %get3A_74 = tpu.vector_load %arg7[%get3A_73] {strides = array<i32>} : memref<160xf32, #tpu.memory_space<vmem>>, vector<16xf32>,
    %add3A_75 = arith.constant 64 : i32
    %add3A_76 = arith.addi %mul3A_2, %add3A_75 : i32
    %add3A_77 = vector.broadcast %add3A_76 : i32 to vector<16xi32>
    %add3A_78 = arith.addi %add3A_77, %iota3A : vector<16xi32>
    %lt3A_79 = arith.constant 5000 : i32
    %lt3A_80 = vector.broadcast %lt3A_79 : i32 to vector<16xi32>
    %lt3A_81 = arith.cmpi slt, %add3A_78, %lt3A_80 : vector<16xi32>
    %sub3A_82 = arith.subf %get3A_74, %gather3A_72 : vector<16xf32>
    %jit3A_83 = arith.constant 0.000000e+00 : f32
    %broadcast_in_dim3A_84 = vector.broadcast %jit3A_83 : f32 to vector<16xf32>
    %select_n3A_85 = arith.select %lt3A_81, %sub3A_82, %broadcast_in_dim3A_84 : vector<16xi1>, vector<16xf32>
    %mul3A_86 = arith.mulf %select_n3A_85, %select_n3A_85 : vector<16xf32>
    %add3A_87 = arith.addf %add3A_69, %mul3A_86 : vector<16xf32>
    %get3A_88 = arith.constant 80 : index
    %get3A_89 = tpu.vector_load %arg6[%get3A_88] {strides = array<i32>} : memref<160xi32, #tpu.memory_space<vmem>>, vector<16xi32>,
    %gather3A_90 = tpu.vector_load_idx %arg8[%get3A_89] : memref<20000xf32, #tpu.memory_space<vmem>>[vector<16xi32>], vector<16xf32>,
    %get3A_91 = arith.constant 80 : index
    %get3A_92 = tpu.vector_load %arg7[%get3A_91] {strides = array<i32>} : memref<160xf32, #tpu.memory_space<vmem>>, vector<16xf32>,
    %add3A_93 = arith.constant 80 : i32
    %add3A_94 = arith.addi %mul3A_2, %add3A_93 : i32
    %add3A_95 = vector.broadcast %add3A_94 : i32 to vector<16xi32>
    %add3A_96 = arith.addi %add3A_95, %iota3A : vector<16xi32>
    %lt3A_97 = arith.constant 5000 : i32
    %lt3A_98 = vector.broadcast %lt3A_97 : i32 to vector<16xi32>
    %lt3A_99 = arith.cmpi slt, %add3A_96, %lt3A_98 : vector<16xi32>
    %sub3A_100 = arith.subf %get3A_92, %gather3A_90 : vector<16xf32>
    %jit3A_101 = arith.constant 0.000000e+00 : f32
    %broadcast_in_dim3A_102 = vector.broadcast %jit3A_101 : f32 to vector<16xf32>
    %select_n3A_103 = arith.select %lt3A_99, %sub3A_100, %broadcast_in_dim3A_102 : vector<16xi1>, vector<16xf32>
    %mul3A_104 = arith.mulf %select_n3A_103, %select_n3A_103 : vector<16xf32>
    %add3A_105 = arith.addf %add3A_87, %mul3A_104 : vector<16xf32>
    %get3A_106 = arith.constant 96 : index
    %get3A_107 = tpu.vector_load %arg6[%get3A_106] {strides = array<i32>} : memref<160xi32, #tpu.memory_space<vmem>>, vector<16xi32>,
    %gather3A_108 = tpu.vector_load_idx %arg8[%get3A_107] : memref<20000xf32, #tpu.memory_space<vmem>>[vector<16xi32>], vector<16xf32>,
    %get3A_109 = arith.constant 96 : index
    %get3A_110 = tpu.vector_load %arg7[%get3A_109] {strides = array<i32>} : memref<160xf32, #tpu.memory_space<vmem>>, vector<16xf32>,
    %add3A_111 = arith.constant 96 : i32
    %add3A_112 = arith.addi %mul3A_2, %add3A_111 : i32
    %add3A_113 = vector.broadcast %add3A_112 : i32 to vector<16xi32>
    %add3A_114 = arith.addi %add3A_113, %iota3A : vector<16xi32>
    %lt3A_115 = arith.constant 5000 : i32
    %lt3A_116 = vector.broadcast %lt3A_115 : i32 to vector<16xi32>
    %lt3A_117 = arith.cmpi slt, %add3A_114, %lt3A_116 : vector<16xi32>
    %sub3A_118 = arith.subf %get3A_110, %gather3A_108 : vector<16xf32>
    %jit3A_119 = arith.constant 0.000000e+00 : f32
    %broadcast_in_dim3A_120 = vector.broadcast %jit3A_119 : f32 to vector<16xf32>
    %select_n3A_121 = arith.select %lt3A_117, %sub3A_118, %broadcast_in_dim3A_120 : vector<16xi1>, vector<16xf32>
    %mul3A_122 = arith.mulf %select_n3A_121, %select_n3A_121 : vector<16xf32>
    %add3A_123 = arith.addf %add3A_105, %mul3A_122 : vector<16xf32>
    %get3A_124 = arith.constant 112 : index
    %get3A_125 = tpu.vector_load %arg6[%get3A_124] {strides = array<i32>} : memref<160xi32, #tpu.memory_space<vmem>>, vector<16xi32>,
    %gather3A_126 = tpu.vector_load_idx %arg8[%get3A_125] : memref<20000xf32, #tpu.memory_space<vmem>>[vector<16xi32>], vector<16xf32>,
    %get3A_127 = arith.constant 112 : index
    %get3A_128 = tpu.vector_load %arg7[%get3A_127] {strides = array<i32>} : memref<160xf32, #tpu.memory_space<vmem>>, vector<16xf32>,
    %add3A_129 = arith.constant 112 : i32
    %add3A_130 = arith.addi %mul3A_2, %add3A_129 : i32
    %add3A_131 = vector.broadcast %add3A_130 : i32 to vector<16xi32>
    %add3A_132 = arith.addi %add3A_131, %iota3A : vector<16xi32>
    %lt3A_133 = arith.constant 5000 : i32
    %lt3A_134 = vector.broadcast %lt3A_133 : i32 to vector<16xi32>
    %lt3A_135 = arith.cmpi slt, %add3A_132, %lt3A_134 : vector<16xi32>
    %sub3A_136 = arith.subf %get3A_128, %gather3A_126 : vector<16xf32>
    %jit3A_137 = arith.constant 0.000000e+00 : f32
    %broadcast_in_dim3A_138 = vector.broadcast %jit3A_137 : f32 to vector<16xf32>
    %select_n3A_139 = arith.select %lt3A_135, %sub3A_136, %broadcast_in_dim3A_138 : vector<16xi1>, vector<16xf32>
    %mul3A_140 = arith.mulf %select_n3A_139, %select_n3A_139 : vector<16xf32>
    %add3A_141 = arith.addf %add3A_123, %mul3A_140 : vector<16xf32>
    %get3A_142 = arith.constant 128 : index
    %get3A_143 = tpu.vector_load %arg6[%get3A_142] {strides = array<i32>} : memref<160xi32, #tpu.memory_space<vmem>>, vector<16xi32>,
    %gather3A_144 = tpu.vector_load_idx %arg8[%get3A_143] : memref<20000xf32, #tpu.memory_space<vmem>>[vector<16xi32>], vector<16xf32>,
    %get3A_145 = arith.constant 128 : index
    %get3A_146 = tpu.vector_load %arg7[%get3A_145] {strides = array<i32>} : memref<160xf32, #tpu.memory_space<vmem>>, vector<16xf32>,
    %add3A_147 = arith.constant 128 : i32
    %add3A_148 = arith.addi %mul3A_2, %add3A_147 : i32
    %add3A_149 = vector.broadcast %add3A_148 : i32 to vector<16xi32>
    %add3A_150 = arith.addi %add3A_149, %iota3A : vector<16xi32>
    %lt3A_151 = arith.constant 5000 : i32
    %lt3A_152 = vector.broadcast %lt3A_151 : i32 to vector<16xi32>
    %lt3A_153 = arith.cmpi slt, %add3A_150, %lt3A_152 : vector<16xi32>
    %sub3A_154 = arith.subf %get3A_146, %gather3A_144 : vector<16xf32>
    %jit3A_155 = arith.constant 0.000000e+00 : f32
    %broadcast_in_dim3A_156 = vector.broadcast %jit3A_155 : f32 to vector<16xf32>
    %select_n3A_157 = arith.select %lt3A_153, %sub3A_154, %broadcast_in_dim3A_156 : vector<16xi1>, vector<16xf32>
    %mul3A_158 = arith.mulf %select_n3A_157, %select_n3A_157 : vector<16xf32>
    %add3A_159 = arith.addf %add3A_141, %mul3A_158 : vector<16xf32>
    %get3A_160 = arith.constant 144 : index
    %get3A_161 = tpu.vector_load %arg6[%get3A_160] {strides = array<i32>} : memref<160xi32, #tpu.memory_space<vmem>>, vector<16xi32>,
    %gather3A_162 = tpu.vector_load_idx %arg8[%get3A_161] : memref<20000xf32, #tpu.memory_space<vmem>>[vector<16xi32>], vector<16xf32>,
    %get3A_163 = arith.constant 144 : index
    %get3A_164 = tpu.vector_load %arg7[%get3A_163] {strides = array<i32>} : memref<160xf32, #tpu.memory_space<vmem>>, vector<16xf32>,
    %add3A_165 = arith.constant 144 : i32
    %add3A_166 = arith.addi %mul3A_2, %add3A_165 : i32
    %add3A_167 = vector.broadcast %add3A_166 : i32 to vector<16xi32>
    %add3A_168 = arith.addi %add3A_167, %iota3A : vector<16xi32>
    %lt3A_169 = arith.constant 5000 : i32
    %lt3A_170 = vector.broadcast %lt3A_169 : i32 to vector<16xi32>
    %lt3A_171 = arith.cmpi slt, %add3A_168, %lt3A_170 : vector<16xi32>
    %sub3A_172 = arith.subf %get3A_164, %gather3A_162 : vector<16xf32>
    %jit3A_173 = arith.constant 0.000000e+00 : f32
    %broadcast_in_dim3A_174 = vector.broadcast %jit3A_173 : f32 to vector<16xf32>
    %select_n3A_175 = arith.select %lt3A_171, %sub3A_172, %broadcast_in_dim3A_174 : vector<16xi1>, vector<16xf32>
    %mul3A_176 = arith.mulf %select_n3A_175, %select_n3A_175 : vector<16xf32>
    %add3A_177 = arith.addf %add3A_159, %mul3A_176 : vector<16xf32>
    %swap3A = arith.constant 0 : index
    %swap3A_178 = tpu.vector_load %arg9[%swap3A] {strides = array<i32>} : memref<16xf32, #tpu.memory_space<vmem>>, vector<16xf32>,
    tpu.vector_store %arg9[%swap3A], %add3A_177 {strides = array<i32>} : memref<16xf32, #tpu.memory_space<vmem>>, vector<16xf32>,
    "tpu.region"() ({
      %run_scoped3A = tpu.sem_alloc : memref<!tpu.dma_semaphore, #tpu.memory_space<semaphore_mem>>
      %dma_start3A = arith.constant 0 : i32
      %dma_start3A_179 = tpu.memref_slice %arg5[%add3A, %dma_start3A] : memref<32x16xf32, #tpu.memory_space<hbm>> -> memref<1x16xf32, #tpu.memory_space<hbm>>
      %dma_start3A_180 = tpu.memref_squeeze %dma_start3A_179 : memref<1x16xf32, #tpu.memory_space<hbm>> -> memref<16xf32, #tpu.memory_space<hbm>>
      %dma_start3A_181 = arith.constant 0 : i32
      %dma_start3A_182 = tpu.memref_slice %arg5[%add3A, %dma_start3A_181] : memref<32x16xf32, #tpu.memory_space<hbm>> -> memref<1x16xf32, #tpu.memory_space<hbm>>
      %dma_start3A_183 = tpu.memref_squeeze %dma_start3A_182 : memref<1x16xf32, #tpu.memory_space<hbm>> -> memref<16xf32, #tpu.memory_space<hbm>>
      tpu.enqueue_dma source(%arg9 : memref<16xf32, #tpu.memory_space<vmem>>) target(%dma_start3A_183 : memref<16xf32, #tpu.memory_space<hbm>>) target_semaphore(%run_scoped3A : memref<!tpu.dma_semaphore, #tpu.memory_space<semaphore_mem>>)
      %dma_wait3A = arith.constant 0 : i32
      %dma_wait3A_184 = tpu.memref_slice %arg5[%add3A, %dma_wait3A] : memref<32x16xf32, #tpu.memory_space<hbm>> -> memref<1x16xf32, #tpu.memory_space<hbm>>
      %dma_wait3A_185 = tpu.memref_squeeze %dma_wait3A_184 : memref<1x16xf32, #tpu.memory_space<hbm>> -> memref<16xf32, #tpu.memory_space<hbm>>
      %dma_wait3A_186 = arith.constant 0 : i32
      %dma_wait3A_187 = tpu.memref_slice %arg5[%add3A, %dma_wait3A_186] : memref<32x16xf32, #tpu.memory_space<hbm>> -> memref<1x16xf32, #tpu.memory_space<hbm>>
      %dma_wait3A_188 = tpu.memref_squeeze %dma_wait3A_187 : memref<1x16xf32, #tpu.memory_space<hbm>> -> memref<16xf32, #tpu.memory_space<hbm>>
      tpu.wait_dma2 semaphore(%run_scoped3A : memref<!tpu.dma_semaphore, #tpu.memory_space<semaphore_mem>>) src(%arg9 : memref<16xf32, #tpu.memory_space<vmem>>) dst(%dma_wait3A_188 : memref<16xf32, #tpu.memory_space<hbm>>)
      tpu.yield
    }) : () -> ()
    return
  }
}

module attributes {stable_mosaic.version = 14 : i64} {
  func.func @_nn_idx_body(%arg0: i32, %arg1: i32, %arg2: memref<512x8xf32, #tpu.memory_space<vmem>>, %arg3: memref<8x4096xf32, #tpu.memory_space<vmem>>, %arg4: memref<512x1xf32, #tpu.memory_space<vmem>>, %arg5: memref<512x1xi32, #tpu.memory_space<vmem>>, %arg6: memref<512x128xf32, #tpu.memory_space<vmem>>, %arg7: memref<512x128xf32, #tpu.memory_space<vmem>>) attributes {dimension_semantics = [#tpu.dimension_semantics<parallel>, #tpu.dimension_semantics<arbitrary>], iteration_bounds = array<i64: 10, 5>, scalar_prefetch = 0 : i64, scratch_operands = 2 : i64, tpu.core_type = #tpu.core_type<tc>, window_params = [{transform_indices = @transform_0, window_bounds = array<i64: 512, 8>}, {transform_indices = @transform_1, window_bounds = array<i64: 8, 4096>}, {transform_indices = @transform_2, window_bounds = array<i64: 512, 1>}, {transform_indices = @transform_3, window_bounds = array<i64: 512, 1>}]} {
    %eq3A = arith.constant 0 : i32
    %eq3A_0 = arith.cmpi eq, %arg1, %eq3A : i32
    %convert_element_type3A = arith.extui %eq3A_0 : i1 to i32
    %cond3A = arith.constant 0 : i32
    %cond3A_1 = arith.cmpi ne, %convert_element_type3A, %cond3A : i32
    scf.if %cond3A_1 {
      %broadcast_in_dim3A_1992 = arith.constant 0x7F800000 : f32
      %broadcast_in_dim3A_1993 = vector.broadcast %broadcast_in_dim3A_1992 : f32 to vector<512x128xf32>
      %swap3A_1994 = arith.constant 0 : index
      %swap3A_1995 = arith.constant 0 : index
      %swap3A_1996 = vector.load %arg6[%swap3A_1994, %swap3A_1995] : memref<512x128xf32, #tpu.memory_space<vmem>>, vector<512x128xf32>
      tpu.vector_store %arg6[%swap3A_1994, %swap3A_1995], %broadcast_in_dim3A_1993 {strides = array<i32>} : memref<512x128xf32, #tpu.memory_space<vmem>>, vector<512x128xf32>,
      %broadcast_in_dim3A_1997 = arith.constant 0.000000e+00 : f32
      %broadcast_in_dim3A_1998 = vector.broadcast %broadcast_in_dim3A_1997 : f32 to vector<512x128xf32>
      %swap3A_1999 = arith.constant 0 : index
      %swap3A_2000 = arith.constant 0 : index
      %swap3A_2001 = vector.load %arg7[%swap3A_1999, %swap3A_2000] : memref<512x128xf32, #tpu.memory_space<vmem>>, vector<512x128xf32>
      tpu.vector_store %arg7[%swap3A_1999, %swap3A_2000], %broadcast_in_dim3A_1998 {strides = array<i32>} : memref<512x128xf32, #tpu.memory_space<vmem>>, vector<512x128xf32>,
    } else {
    }
    %get3A = arith.constant 0 : index
    %get3A_2 = arith.constant 0 : index
    %get3A_3 = vector.load %arg2[%get3A, %get3A_2] : memref<512x8xf32, #tpu.memory_space<vmem>>, vector<512x8xf32>
    %get3A_4 = arith.constant 0 : index
    %get3A_5 = arith.constant 0 : index
    %get3A_6 = vector.load %arg3[%get3A_4, %get3A_5] : memref<8x4096xf32, #tpu.memory_space<vmem>>, vector<8x4096xf32>
    %mul3A = arith.mulf %get3A_6, %get3A_6 : vector<8x4096xf32>
    %reduce_sum3A = arith.constant dense<0.000000e+00> : vector<4096xf32>
    %reduce_sum3A_7 = vector.multi_reduction <add>, %mul3A, %reduce_sum3A [0] : vector<8x4096xf32> to vector<4096xf32>
    %broadcast_in_dim3A = vector.shape_cast %reduce_sum3A_7 : vector<4096xf32> to vector<1x4096xf32>
    %mul3A_8 = arith.constant 4096 : i32
    %mul3A_9 = arith.muli %arg1, %mul3A_8 : i32
    %iota3A = tpu.iota {dimensions = array<i32: 1>} : vector<1x4096xi32>
    %add3A = vector.broadcast %mul3A_9 : i32 to vector<1x4096xi32>
    %add3A_10 = arith.addi %add3A, %iota3A : vector<1x4096xi32>
    %lt3A = arith.constant 20000 : i32
    %lt3A_11 = vector.broadcast %lt3A : i32 to vector<1x4096xi32>
    %lt3A_12 = arith.cmpi slt, %add3A_10, %lt3A_11 : vector<1x4096xi32>
    %jit3A = arith.constant 1.000000e+30 : f32
    %broadcast_in_dim3A_13 = vector.broadcast %jit3A : f32 to vector<1x4096xf32>
    %select_n3A = arith.select %lt3A_12, %broadcast_in_dim3A, %broadcast_in_dim3A_13 : vector<1x4096xi1>, vector<1x4096xf32>
    %dot_general3A = arith.constant dense<0.000000e+00> : vector<512x4096xf32>
    %dot_general3A_14 = tpu.matmul %get3A_3, %get3A_6, %dot_general3A {dimension_numbers = #tpu.dot_dimension_numbers<[1], [0], [0], [1], [0, 0, 1, 1], [], []>, transpose_lhs_hint = false} : vector<512x8xf32>, vector<8x4096xf32>, vector<512x4096xf32> -> vector<512x4096xf32>
    %get3A_15 = arith.constant 0 : index
    %get3A_16 = arith.constant 0 : index
    %get3A_17 = vector.load %arg4[%get3A_15, %get3A_16] : memref<512x1xf32, #tpu.memory_space<vmem>>, vector<512x1xf32>
    %get3A_18 = arith.constant 0 : index
    %get3A_19 = arith.constant 0 : index
    %get3A_20 = vector.load %arg6[%get3A_18, %get3A_19] : memref<512x128xf32, #tpu.memory_space<vmem>>, vector<128x128xf32>
    %get3A_21 = arith.constant 0 : index
    %get3A_22 = arith.constant 0 : index
    %get3A_23 = vector.load %arg7[%get3A_21, %get3A_22] : memref<512x128xf32, #tpu.memory_space<vmem>>, vector<128x128xf32>
    %slice3A = vector.extract_strided_slice %get3A_17 {offsets = [0, 0], sizes = [128, 1], strides = [1, 1]} : vector<512x1xf32> to vector<128x1xf32>
    %slice3A_24 = vector.extract_strided_slice %select_n3A {offsets = [0, 0], sizes = [1, 128], strides = [1, 1]} : vector<1x4096xf32> to vector<1x128xf32>
    %add3A_25 = vector.broadcast %slice3A : vector<128x1xf32> to vector<128x128xf32>
    %add3A_26 = vector.broadcast %slice3A_24 : vector<1x128xf32> to vector<128x128xf32>
    %add3A_27 = arith.addf %add3A_25, %add3A_26 : vector<128x128xf32>
    %slice3A_28 = vector.extract_strided_slice %dot_general3A_14 {offsets = [0, 0], sizes = [128, 128], strides = [1, 1]} : vector<512x4096xf32> to vector<128x128xf32>
    %sub3A = arith.subf %add3A_27, %slice3A_28 : vector<128x128xf32>
    %mul3A_29 = arith.constant 32 : i32
    %mul3A_30 = arith.muli %arg1, %mul3A_29 : i32
    %add3A_31 = arith.constant 0 : i32
    %add3A_32 = arith.addi %mul3A_30, %add3A_31 : i32
    %convert_element_type3A_33 = arith.sitofp %add3A_32 : i32 to f32
    %lt3A_34 = arith.cmpf olt, %sub3A, %get3A_20 : vector<128x128xf32>
    %select_n3A_35 = arith.select %lt3A_34, %sub3A, %get3A_20 : vector<128x128xi1>, vector<128x128xf32>
    %broadcast_in_dim3A_36 = vector.broadcast %convert_element_type3A_33 : f32 to vector<128x128xf32>
    %select_n3A_37 = arith.select %lt3A_34, %broadcast_in_dim3A_36, %get3A_23 : vector<128x128xi1>, vector<128x128xf32>
    %slice3A_38 = vector.extract_strided_slice %select_n3A {offsets = [0, 128], sizes = [1, 128], strides = [1, 1]} : vector<1x4096xf32> to vector<1x128xf32>
    %add3A_39 = vector.broadcast %slice3A : vector<128x1xf32> to vector<128x128xf32>
    %add3A_40 = vector.broadcast %slice3A_38 : vector<1x128xf32> to vector<128x128xf32>
    %add3A_41 = arith.addf %add3A_39, %add3A_40 : vector<128x128xf32>
    %slice3A_42 = vector.extract_strided_slice %dot_general3A_14 {offsets = [0, 128], sizes = [128, 128], strides = [1, 1]} : vector<512x4096xf32> to vector<128x128xf32>
    %sub3A_43 = arith.subf %add3A_41, %slice3A_42 : vector<128x128xf32>
    %mul3A_44 = arith.constant 32 : i32
    %mul3A_45 = arith.muli %arg1, %mul3A_44 : i32
    %add3A_46 = arith.constant 1 : i32
    %add3A_47 = arith.addi %mul3A_45, %add3A_46 : i32
    %convert_element_type3A_48 = arith.sitofp %add3A_47 : i32 to f32
    %lt3A_49 = arith.cmpf olt, %sub3A_43, %select_n3A_35 : vector<128x128xf32>
    %select_n3A_50 = arith.select %lt3A_49, %sub3A_43, %select_n3A_35 : vector<128x128xi1>, vector<128x128xf32>
    %broadcast_in_dim3A_51 = vector.broadcast %convert_element_type3A_48 : f32 to vector<128x128xf32>
    %select_n3A_52 = arith.select %lt3A_49, %broadcast_in_dim3A_51, %select_n3A_37 : vector<128x128xi1>, vector<128x128xf32>
    %slice3A_53 = vector.extract_strided_slice %select_n3A {offsets = [0, 256], sizes = [1, 128], strides = [1, 1]} : vector<1x4096xf32> to vector<1x128xf32>
    %add3A_54 = vector.broadcast %slice3A : vector<128x1xf32> to vector<128x128xf32>
    %add3A_55 = vector.broadcast %slice3A_53 : vector<1x128xf32> to vector<128x128xf32>
    %add3A_56 = arith.addf %add3A_54, %add3A_55 : vector<128x128xf32>
    %slice3A_57 = vector.extract_strided_slice %dot_general3A_14 {offsets = [0, 256], sizes = [128, 128], strides = [1, 1]} : vector<512x4096xf32> to vector<128x128xf32>
    %sub3A_58 = arith.subf %add3A_56, %slice3A_57 : vector<128x128xf32>
    %mul3A_59 = arith.constant 32 : i32
    %mul3A_60 = arith.muli %arg1, %mul3A_59 : i32
    %add3A_61 = arith.constant 2 : i32
    %add3A_62 = arith.addi %mul3A_60, %add3A_61 : i32
    %convert_element_type3A_63 = arith.sitofp %add3A_62 : i32 to f32
    %lt3A_64 = arith.cmpf olt, %sub3A_58, %select_n3A_50 : vector<128x128xf32>
    %select_n3A_65 = arith.select %lt3A_64, %sub3A_58, %select_n3A_50 : vector<128x128xi1>, vector<128x128xf32>
    %broadcast_in_dim3A_66 = vector.broadcast %convert_element_type3A_63 : f32 to vector<128x128xf32>
    %select_n3A_67 = arith.select %lt3A_64, %broadcast_in_dim3A_66, %select_n3A_52 : vector<128x128xi1>, vector<128x128xf32>
    %slice3A_68 = vector.extract_strided_slice %select_n3A {offsets = [0, 384], sizes = [1, 128], strides = [1, 1]} : vector<1x4096xf32> to vector<1x128xf32>
    %add3A_69 = vector.broadcast %slice3A : vector<128x1xf32> to vector<128x128xf32>
    %add3A_70 = vector.broadcast %slice3A_68 : vector<1x128xf32> to vector<128x128xf32>
    %add3A_71 = arith.addf %add3A_69, %add3A_70 : vector<128x128xf32>
    %slice3A_72 = vector.extract_strided_slice %dot_general3A_14 {offsets = [0, 384], sizes = [128, 128], strides = [1, 1]} : vector<512x4096xf32> to vector<128x128xf32>
    %sub3A_73 = arith.subf %add3A_71, %slice3A_72 : vector<128x128xf32>
    %mul3A_74 = arith.constant 32 : i32
    %mul3A_75 = arith.muli %arg1, %mul3A_74 : i32
    %add3A_76 = arith.constant 3 : i32
    %add3A_77 = arith.addi %mul3A_75, %add3A_76 : i32
    %convert_element_type3A_78 = arith.sitofp %add3A_77 : i32 to f32
    %lt3A_79 = arith.cmpf olt, %sub3A_73, %select_n3A_65 : vector<128x128xf32>
    %select_n3A_80 = arith.select %lt3A_79, %sub3A_73, %select_n3A_65 : vector<128x128xi1>, vector<128x128xf32>
    %broadcast_in_dim3A_81 = vector.broadcast %convert_element_type3A_78 : f32 to vector<128x128xf32>
    %select_n3A_82 = arith.select %lt3A_79, %broadcast_in_dim3A_81, %select_n3A_67 : vector<128x128xi1>, vector<128x128xf32>
    %slice3A_83 = vector.extract_strided_slice %select_n3A {offsets = [0, 512], sizes = [1, 128], strides = [1, 1]} : vector<1x4096xf32> to vector<1x128xf32>
    %add3A_84 = vector.broadcast %slice3A : vector<128x1xf32> to vector<128x128xf32>
    %add3A_85 = vector.broadcast %slice3A_83 : vector<1x128xf32> to vector<128x128xf32>
    %add3A_86 = arith.addf %add3A_84, %add3A_85 : vector<128x128xf32>
    %slice3A_87 = vector.extract_strided_slice %dot_general3A_14 {offsets = [0, 512], sizes = [128, 128], strides = [1, 1]} : vector<512x4096xf32> to vector<128x128xf32>
    %sub3A_88 = arith.subf %add3A_86, %slice3A_87 : vector<128x128xf32>
    %mul3A_89 = arith.constant 32 : i32
    %mul3A_90 = arith.muli %arg1, %mul3A_89 : i32
    %add3A_91 = arith.constant 4 : i32
    %add3A_92 = arith.addi %mul3A_90, %add3A_91 : i32
    %convert_element_type3A_93 = arith.sitofp %add3A_92 : i32 to f32
    %lt3A_94 = arith.cmpf olt, %sub3A_88, %select_n3A_80 : vector<128x128xf32>
    %select_n3A_95 = arith.select %lt3A_94, %sub3A_88, %select_n3A_80 : vector<128x128xi1>, vector<128x128xf32>
    %broadcast_in_dim3A_96 = vector.broadcast %convert_element_type3A_93 : f32 to vector<128x128xf32>
    %select_n3A_97 = arith.select %lt3A_94, %broadcast_in_dim3A_96, %select_n3A_82 : vector<128x128xi1>, vector<128x128xf32>
    %slice3A_98 = vector.extract_strided_slice %select_n3A {offsets = [0, 640], sizes = [1, 128], strides = [1, 1]} : vector<1x4096xf32> to vector<1x128xf32>
    %add3A_99 = vector.broadcast %slice3A : vector<128x1xf32> to vector<128x128xf32>
    %add3A_100 = vector.broadcast %slice3A_98 : vector<1x128xf32> to vector<128x128xf32>
    %add3A_101 = arith.addf %add3A_99, %add3A_100 : vector<128x128xf32>
    %slice3A_102 = vector.extract_strided_slice %dot_general3A_14 {offsets = [0, 640], sizes = [128, 128], strides = [1, 1]} : vector<512x4096xf32> to vector<128x128xf32>
    %sub3A_103 = arith.subf %add3A_101, %slice3A_102 : vector<128x128xf32>
    %mul3A_104 = arith.constant 32 : i32
    %mul3A_105 = arith.muli %arg1, %mul3A_104 : i32
    %add3A_106 = arith.constant 5 : i32
    %add3A_107 = arith.addi %mul3A_105, %add3A_106 : i32
    %convert_element_type3A_108 = arith.sitofp %add3A_107 : i32 to f32
    %lt3A_109 = arith.cmpf olt, %sub3A_103, %select_n3A_95 : vector<128x128xf32>
    %select_n3A_110 = arith.select %lt3A_109, %sub3A_103, %select_n3A_95 : vector<128x128xi1>, vector<128x128xf32>
    %broadcast_in_dim3A_111 = vector.broadcast %convert_element_type3A_108 : f32 to vector<128x128xf32>
    %select_n3A_112 = arith.select %lt3A_109, %broadcast_in_dim3A_111, %select_n3A_97 : vector<128x128xi1>, vector<128x128xf32>
    %slice3A_113 = vector.extract_strided_slice %select_n3A {offsets = [0, 768], sizes = [1, 128], strides = [1, 1]} : vector<1x4096xf32> to vector<1x128xf32>
    %add3A_114 = vector.broadcast %slice3A : vector<128x1xf32> to vector<128x128xf32>
    %add3A_115 = vector.broadcast %slice3A_113 : vector<1x128xf32> to vector<128x128xf32>
    %add3A_116 = arith.addf %add3A_114, %add3A_115 : vector<128x128xf32>
    %slice3A_117 = vector.extract_strided_slice %dot_general3A_14 {offsets = [0, 768], sizes = [128, 128], strides = [1, 1]} : vector<512x4096xf32> to vector<128x128xf32>
    %sub3A_118 = arith.subf %add3A_116, %slice3A_117 : vector<128x128xf32>
    %mul3A_119 = arith.constant 32 : i32
    %mul3A_120 = arith.muli %arg1, %mul3A_119 : i32
    %add3A_121 = arith.constant 6 : i32
    %add3A_122 = arith.addi %mul3A_120, %add3A_121 : i32
    %convert_element_type3A_123 = arith.sitofp %add3A_122 : i32 to f32
    %lt3A_124 = arith.cmpf olt, %sub3A_118, %select_n3A_110 : vector<128x128xf32>
    %select_n3A_125 = arith.select %lt3A_124, %sub3A_118, %select_n3A_110 : vector<128x128xi1>, vector<128x128xf32>
    %broadcast_in_dim3A_126 = vector.broadcast %convert_element_type3A_123 : f32 to vector<128x128xf32>
    %select_n3A_127 = arith.select %lt3A_124, %broadcast_in_dim3A_126, %select_n3A_112 : vector<128x128xi1>, vector<128x128xf32>
    %slice3A_128 = vector.extract_strided_slice %select_n3A {offsets = [0, 896], sizes = [1, 128], strides = [1, 1]} : vector<1x4096xf32> to vector<1x128xf32>
    %add3A_129 = vector.broadcast %slice3A : vector<128x1xf32> to vector<128x128xf32>
    %add3A_130 = vector.broadcast %slice3A_128 : vector<1x128xf32> to vector<128x128xf32>
    %add3A_131 = arith.addf %add3A_129, %add3A_130 : vector<128x128xf32>
    %slice3A_132 = vector.extract_strided_slice %dot_general3A_14 {offsets = [0, 896], sizes = [128, 128], strides = [1, 1]} : vector<512x4096xf32> to vector<128x128xf32>
    %sub3A_133 = arith.subf %add3A_131, %slice3A_132 : vector<128x128xf32>
    %mul3A_134 = arith.constant 32 : i32
    %mul3A_135 = arith.muli %arg1, %mul3A_134 : i32
    %add3A_136 = arith.constant 7 : i32
    %add3A_137 = arith.addi %mul3A_135, %add3A_136 : i32
    %convert_element_type3A_138 = arith.sitofp %add3A_137 : i32 to f32
    %lt3A_139 = arith.cmpf olt, %sub3A_133, %select_n3A_125 : vector<128x128xf32>
    %select_n3A_140 = arith.select %lt3A_139, %sub3A_133, %select_n3A_125 : vector<128x128xi1>, vector<128x128xf32>
    %broadcast_in_dim3A_141 = vector.broadcast %convert_element_type3A_138 : f32 to vector<128x128xf32>
    %select_n3A_142 = arith.select %lt3A_139, %broadcast_in_dim3A_141, %select_n3A_127 : vector<128x128xi1>, vector<128x128xf32>
    %slice3A_143 = vector.extract_strided_slice %select_n3A {offsets = [0, 1024], sizes = [1, 128], strides = [1, 1]} : vector<1x4096xf32> to vector<1x128xf32>
    %add3A_144 = vector.broadcast %slice3A : vector<128x1xf32> to vector<128x128xf32>
    %add3A_145 = vector.broadcast %slice3A_143 : vector<1x128xf32> to vector<128x128xf32>
    %add3A_146 = arith.addf %add3A_144, %add3A_145 : vector<128x128xf32>
    %slice3A_147 = vector.extract_strided_slice %dot_general3A_14 {offsets = [0, 1024], sizes = [128, 128], strides = [1, 1]} : vector<512x4096xf32> to vector<128x128xf32>
    %sub3A_148 = arith.subf %add3A_146, %slice3A_147 : vector<128x128xf32>
    %mul3A_149 = arith.constant 32 : i32
    %mul3A_150 = arith.muli %arg1, %mul3A_149 : i32
    %add3A_151 = arith.constant 8 : i32
    %add3A_152 = arith.addi %mul3A_150, %add3A_151 : i32
    %convert_element_type3A_153 = arith.sitofp %add3A_152 : i32 to f32
    %lt3A_154 = arith.cmpf olt, %sub3A_148, %select_n3A_140 : vector<128x128xf32>
    %select_n3A_155 = arith.select %lt3A_154, %sub3A_148, %select_n3A_140 : vector<128x128xi1>, vector<128x128xf32>
    %broadcast_in_dim3A_156 = vector.broadcast %convert_element_type3A_153 : f32 to vector<128x128xf32>
    %select_n3A_157 = arith.select %lt3A_154, %broadcast_in_dim3A_156, %select_n3A_142 : vector<128x128xi1>, vector<128x128xf32>
    %slice3A_158 = vector.extract_strided_slice %select_n3A {offsets = [0, 1152], sizes = [1, 128], strides = [1, 1]} : vector<1x4096xf32> to vector<1x128xf32>
    %add3A_159 = vector.broadcast %slice3A : vector<128x1xf32> to vector<128x128xf32>
    %add3A_160 = vector.broadcast %slice3A_158 : vector<1x128xf32> to vector<128x128xf32>
    %add3A_161 = arith.addf %add3A_159, %add3A_160 : vector<128x128xf32>
    %slice3A_162 = vector.extract_strided_slice %dot_general3A_14 {offsets = [0, 1152], sizes = [128, 128], strides = [1, 1]} : vector<512x4096xf32> to vector<128x128xf32>
    %sub3A_163 = arith.subf %add3A_161, %slice3A_162 : vector<128x128xf32>
    %mul3A_164 = arith.constant 32 : i32
    %mul3A_165 = arith.muli %arg1, %mul3A_164 : i32
    %add3A_166 = arith.constant 9 : i32
    %add3A_167 = arith.addi %mul3A_165, %add3A_166 : i32
    %convert_element_type3A_168 = arith.sitofp %add3A_167 : i32 to f32
    %lt3A_169 = arith.cmpf olt, %sub3A_163, %select_n3A_155 : vector<128x128xf32>
    %select_n3A_170 = arith.select %lt3A_169, %sub3A_163, %select_n3A_155 : vector<128x128xi1>, vector<128x128xf32>
    %broadcast_in_dim3A_171 = vector.broadcast %convert_element_type3A_168 : f32 to vector<128x128xf32>
    %select_n3A_172 = arith.select %lt3A_169, %broadcast_in_dim3A_171, %select_n3A_157 : vector<128x128xi1>, vector<128x128xf32>
    %slice3A_173 = vector.extract_strided_slice %select_n3A {offsets = [0, 1280], sizes = [1, 128], strides = [1, 1]} : vector<1x4096xf32> to vector<1x128xf32>
    %add3A_174 = vector.broadcast %slice3A : vector<128x1xf32> to vector<128x128xf32>
    %add3A_175 = vector.broadcast %slice3A_173 : vector<1x128xf32> to vector<128x128xf32>
    %add3A_176 = arith.addf %add3A_174, %add3A_175 : vector<128x128xf32>
    %slice3A_177 = vector.extract_strided_slice %dot_general3A_14 {offsets = [0, 1280], sizes = [128, 128], strides = [1, 1]} : vector<512x4096xf32> to vector<128x128xf32>
    %sub3A_178 = arith.subf %add3A_176, %slice3A_177 : vector<128x128xf32>
    %mul3A_179 = arith.constant 32 : i32
    %mul3A_180 = arith.muli %arg1, %mul3A_179 : i32
    %add3A_181 = arith.constant 10 : i32
    %add3A_182 = arith.addi %mul3A_180, %add3A_181 : i32
    %convert_element_type3A_183 = arith.sitofp %add3A_182 : i32 to f32
    %lt3A_184 = arith.cmpf olt, %sub3A_178, %select_n3A_170 : vector<128x128xf32>
    %select_n3A_185 = arith.select %lt3A_184, %sub3A_178, %select_n3A_170 : vector<128x128xi1>, vector<128x128xf32>
    %broadcast_in_dim3A_186 = vector.broadcast %convert_element_type3A_183 : f32 to vector<128x128xf32>
    %select_n3A_187 = arith.select %lt3A_184, %broadcast_in_dim3A_186, %select_n3A_172 : vector<128x128xi1>, vector<128x128xf32>
    %slice3A_188 = vector.extract_strided_slice %select_n3A {offsets = [0, 1408], sizes = [1, 128], strides = [1, 1]} : vector<1x4096xf32> to vector<1x128xf32>
    %add3A_189 = vector.broadcast %slice3A : vector<128x1xf32> to vector<128x128xf32>
    %add3A_190 = vector.broadcast %slice3A_188 : vector<1x128xf32> to vector<128x128xf32>
    %add3A_191 = arith.addf %add3A_189, %add3A_190 : vector<128x128xf32>
    %slice3A_192 = vector.extract_strided_slice %dot_general3A_14 {offsets = [0, 1408], sizes = [128, 128], strides = [1, 1]} : vector<512x4096xf32> to vector<128x128xf32>
    %sub3A_193 = arith.subf %add3A_191, %slice3A_192 : vector<128x128xf32>
    %mul3A_194 = arith.constant 32 : i32
    %mul3A_195 = arith.muli %arg1, %mul3A_194 : i32
    %add3A_196 = arith.constant 11 : i32
    %add3A_197 = arith.addi %mul3A_195, %add3A_196 : i32
    %convert_element_type3A_198 = arith.sitofp %add3A_197 : i32 to f32
    %lt3A_199 = arith.cmpf olt, %sub3A_193, %select_n3A_185 : vector<128x128xf32>
    %select_n3A_200 = arith.select %lt3A_199, %sub3A_193, %select_n3A_185 : vector<128x128xi1>, vector<128x128xf32>
    %broadcast_in_dim3A_201 = vector.broadcast %convert_element_type3A_198 : f32 to vector<128x128xf32>
    %select_n3A_202 = arith.select %lt3A_199, %broadcast_in_dim3A_201, %select_n3A_187 : vector<128x128xi1>, vector<128x128xf32>
    %slice3A_203 = vector.extract_strided_slice %select_n3A {offsets = [0, 1536], sizes = [1, 128], strides = [1, 1]} : vector<1x4096xf32> to vector<1x128xf32>
    %add3A_204 = vector.broadcast %slice3A : vector<128x1xf32> to vector<128x128xf32>
    %add3A_205 = vector.broadcast %slice3A_203 : vector<1x128xf32> to vector<128x128xf32>
    %add3A_206 = arith.addf %add3A_204, %add3A_205 : vector<128x128xf32>
    %slice3A_207 = vector.extract_strided_slice %dot_general3A_14 {offsets = [0, 1536], sizes = [128, 128], strides = [1, 1]} : vector<512x4096xf32> to vector<128x128xf32>
    %sub3A_208 = arith.subf %add3A_206, %slice3A_207 : vector<128x128xf32>
    %mul3A_209 = arith.constant 32 : i32
    %mul3A_210 = arith.muli %arg1, %mul3A_209 : i32
    %add3A_211 = arith.constant 12 : i32
    %add3A_212 = arith.addi %mul3A_210, %add3A_211 : i32
    %convert_element_type3A_213 = arith.sitofp %add3A_212 : i32 to f32
    %lt3A_214 = arith.cmpf olt, %sub3A_208, %select_n3A_200 : vector<128x128xf32>
    %select_n3A_215 = arith.select %lt3A_214, %sub3A_208, %select_n3A_200 : vector<128x128xi1>, vector<128x128xf32>
    %broadcast_in_dim3A_216 = vector.broadcast %convert_element_type3A_213 : f32 to vector<128x128xf32>
    %select_n3A_217 = arith.select %lt3A_214, %broadcast_in_dim3A_216, %select_n3A_202 : vector<128x128xi1>, vector<128x128xf32>
    %slice3A_218 = vector.extract_strided_slice %select_n3A {offsets = [0, 1664], sizes = [1, 128], strides = [1, 1]} : vector<1x4096xf32> to vector<1x128xf32>
    %add3A_219 = vector.broadcast %slice3A : vector<128x1xf32> to vector<128x128xf32>
    %add3A_220 = vector.broadcast %slice3A_218 : vector<1x128xf32> to vector<128x128xf32>
    %add3A_221 = arith.addf %add3A_219, %add3A_220 : vector<128x128xf32>
    %slice3A_222 = vector.extract_strided_slice %dot_general3A_14 {offsets = [0, 1664], sizes = [128, 128], strides = [1, 1]} : vector<512x4096xf32> to vector<128x128xf32>
    %sub3A_223 = arith.subf %add3A_221, %slice3A_222 : vector<128x128xf32>
    %mul3A_224 = arith.constant 32 : i32
    %mul3A_225 = arith.muli %arg1, %mul3A_224 : i32
    %add3A_226 = arith.constant 13 : i32
    %add3A_227 = arith.addi %mul3A_225, %add3A_226 : i32
    %convert_element_type3A_228 = arith.sitofp %add3A_227 : i32 to f32
    %lt3A_229 = arith.cmpf olt, %sub3A_223, %select_n3A_215 : vector<128x128xf32>
    %select_n3A_230 = arith.select %lt3A_229, %sub3A_223, %select_n3A_215 : vector<128x128xi1>, vector<128x128xf32>
    %broadcast_in_dim3A_231 = vector.broadcast %convert_element_type3A_228 : f32 to vector<128x128xf32>
    %select_n3A_232 = arith.select %lt3A_229, %broadcast_in_dim3A_231, %select_n3A_217 : vector<128x128xi1>, vector<128x128xf32>
    %slice3A_233 = vector.extract_strided_slice %select_n3A {offsets = [0, 1792], sizes = [1, 128], strides = [1, 1]} : vector<1x4096xf32> to vector<1x128xf32>
    %add3A_234 = vector.broadcast %slice3A : vector<128x1xf32> to vector<128x128xf32>
    %add3A_235 = vector.broadcast %slice3A_233 : vector<1x128xf32> to vector<128x128xf32>
    %add3A_236 = arith.addf %add3A_234, %add3A_235 : vector<128x128xf32>
    %slice3A_237 = vector.extract_strided_slice %dot_general3A_14 {offsets = [0, 1792], sizes = [128, 128], strides = [1, 1]} : vector<512x4096xf32> to vector<128x128xf32>
    %sub3A_238 = arith.subf %add3A_236, %slice3A_237 : vector<128x128xf32>
    %mul3A_239 = arith.constant 32 : i32
    %mul3A_240 = arith.muli %arg1, %mul3A_239 : i32
    %add3A_241 = arith.constant 14 : i32
    %add3A_242 = arith.addi %mul3A_240, %add3A_241 : i32
    %convert_element_type3A_243 = arith.sitofp %add3A_242 : i32 to f32
    %lt3A_244 = arith.cmpf olt, %sub3A_238, %select_n3A_230 : vector<128x128xf32>
    %select_n3A_245 = arith.select %lt3A_244, %sub3A_238, %select_n3A_230 : vector<128x128xi1>, vector<128x128xf32>
    %broadcast_in_dim3A_246 = vector.broadcast %convert_element_type3A_243 : f32 to vector<128x128xf32>
    %select_n3A_247 = arith.select %lt3A_244, %broadcast_in_dim3A_246, %select_n3A_232 : vector<128x128xi1>, vector<128x128xf32>
    %slice3A_248 = vector.extract_strided_slice %select_n3A {offsets = [0, 1920], sizes = [1, 128], strides = [1, 1]} : vector<1x4096xf32> to vector<1x128xf32>
    %add3A_249 = vector.broadcast %slice3A : vector<128x1xf32> to vector<128x128xf32>
    %add3A_250 = vector.broadcast %slice3A_248 : vector<1x128xf32> to vector<128x128xf32>
    %add3A_251 = arith.addf %add3A_249, %add3A_250 : vector<128x128xf32>
    %slice3A_252 = vector.extract_strided_slice %dot_general3A_14 {offsets = [0, 1920], sizes = [128, 128], strides = [1, 1]} : vector<512x4096xf32> to vector<128x128xf32>
    %sub3A_253 = arith.subf %add3A_251, %slice3A_252 : vector<128x128xf32>
    %mul3A_254 = arith.constant 32 : i32
    %mul3A_255 = arith.muli %arg1, %mul3A_254 : i32
    %add3A_256 = arith.constant 15 : i32
    %add3A_257 = arith.addi %mul3A_255, %add3A_256 : i32
    %convert_element_type3A_258 = arith.sitofp %add3A_257 : i32 to f32
    %lt3A_259 = arith.cmpf olt, %sub3A_253, %select_n3A_245 : vector<128x128xf32>
    %select_n3A_260 = arith.select %lt3A_259, %sub3A_253, %select_n3A_245 : vector<128x128xi1>, vector<128x128xf32>
    %broadcast_in_dim3A_261 = vector.broadcast %convert_element_type3A_258 : f32 to vector<128x128xf32>
    %select_n3A_262 = arith.select %lt3A_259, %broadcast_in_dim3A_261, %select_n3A_247 : vector<128x128xi1>, vector<128x128xf32>
    %slice3A_263 = vector.extract_strided_slice %select_n3A {offsets = [0, 2048], sizes = [1, 128], strides = [1, 1]} : vector<1x4096xf32> to vector<1x128xf32>
    %add3A_264 = vector.broadcast %slice3A : vector<128x1xf32> to vector<128x128xf32>
    %add3A_265 = vector.broadcast %slice3A_263 : vector<1x128xf32> to vector<128x128xf32>
    %add3A_266 = arith.addf %add3A_264, %add3A_265 : vector<128x128xf32>
    %slice3A_267 = vector.extract_strided_slice %dot_general3A_14 {offsets = [0, 2048], sizes = [128, 128], strides = [1, 1]} : vector<512x4096xf32> to vector<128x128xf32>
    %sub3A_268 = arith.subf %add3A_266, %slice3A_267 : vector<128x128xf32>
    %mul3A_269 = arith.constant 32 : i32
    %mul3A_270 = arith.muli %arg1, %mul3A_269 : i32
    %add3A_271 = arith.constant 16 : i32
    %add3A_272 = arith.addi %mul3A_270, %add3A_271 : i32
    %convert_element_type3A_273 = arith.sitofp %add3A_272 : i32 to f32
    %lt3A_274 = arith.cmpf olt, %sub3A_268, %select_n3A_260 : vector<128x128xf32>
    %select_n3A_275 = arith.select %lt3A_274, %sub3A_268, %select_n3A_260 : vector<128x128xi1>, vector<128x128xf32>
    %broadcast_in_dim3A_276 = vector.broadcast %convert_element_type3A_273 : f32 to vector<128x128xf32>
    %select_n3A_277 = arith.select %lt3A_274, %broadcast_in_dim3A_276, %select_n3A_262 : vector<128x128xi1>, vector<128x128xf32>
    %slice3A_278 = vector.extract_strided_slice %select_n3A {offsets = [0, 2176], sizes = [1, 128], strides = [1, 1]} : vector<1x4096xf32> to vector<1x128xf32>
    %add3A_279 = vector.broadcast %slice3A : vector<128x1xf32> to vector<128x128xf32>
    %add3A_280 = vector.broadcast %slice3A_278 : vector<1x128xf32> to vector<128x128xf32>
    %add3A_281 = arith.addf %add3A_279, %add3A_280 : vector<128x128xf32>
    %slice3A_282 = vector.extract_strided_slice %dot_general3A_14 {offsets = [0, 2176], sizes = [128, 128], strides = [1, 1]} : vector<512x4096xf32> to vector<128x128xf32>
    %sub3A_283 = arith.subf %add3A_281, %slice3A_282 : vector<128x128xf32>
    %mul3A_284 = arith.constant 32 : i32
    %mul3A_285 = arith.muli %arg1, %mul3A_284 : i32
    %add3A_286 = arith.constant 17 : i32
    %add3A_287 = arith.addi %mul3A_285, %add3A_286 : i32
    %convert_element_type3A_288 = arith.sitofp %add3A_287 : i32 to f32
    %lt3A_289 = arith.cmpf olt, %sub3A_283, %select_n3A_275 : vector<128x128xf32>
    %select_n3A_290 = arith.select %lt3A_289, %sub3A_283, %select_n3A_275 : vector<128x128xi1>, vector<128x128xf32>
    %broadcast_in_dim3A_291 = vector.broadcast %convert_element_type3A_288 : f32 to vector<128x128xf32>
    %select_n3A_292 = arith.select %lt3A_289, %broadcast_in_dim3A_291, %select_n3A_277 : vector<128x128xi1>, vector<128x128xf32>
    %slice3A_293 = vector.extract_strided_slice %select_n3A {offsets = [0, 2304], sizes = [1, 128], strides = [1, 1]} : vector<1x4096xf32> to vector<1x128xf32>
    %add3A_294 = vector.broadcast %slice3A : vector<128x1xf32> to vector<128x128xf32>
    %add3A_295 = vector.broadcast %slice3A_293 : vector<1x128xf32> to vector<128x128xf32>
    %add3A_296 = arith.addf %add3A_294, %add3A_295 : vector<128x128xf32>
    %slice3A_297 = vector.extract_strided_slice %dot_general3A_14 {offsets = [0, 2304], sizes = [128, 128], strides = [1, 1]} : vector<512x4096xf32> to vector<128x128xf32>
    %sub3A_298 = arith.subf %add3A_296, %slice3A_297 : vector<128x128xf32>
    %mul3A_299 = arith.constant 32 : i32
    %mul3A_300 = arith.muli %arg1, %mul3A_299 : i32
    %add3A_301 = arith.constant 18 : i32
    %add3A_302 = arith.addi %mul3A_300, %add3A_301 : i32
    %convert_element_type3A_303 = arith.sitofp %add3A_302 : i32 to f32
    %lt3A_304 = arith.cmpf olt, %sub3A_298, %select_n3A_290 : vector<128x128xf32>
    %select_n3A_305 = arith.select %lt3A_304, %sub3A_298, %select_n3A_290 : vector<128x128xi1>, vector<128x128xf32>
    %broadcast_in_dim3A_306 = vector.broadcast %convert_element_type3A_303 : f32 to vector<128x128xf32>
    %select_n3A_307 = arith.select %lt3A_304, %broadcast_in_dim3A_306, %select_n3A_292 : vector<128x128xi1>, vector<128x128xf32>
    %slice3A_308 = vector.extract_strided_slice %select_n3A {offsets = [0, 2432], sizes = [1, 128], strides = [1, 1]} : vector<1x4096xf32> to vector<1x128xf32>
    %add3A_309 = vector.broadcast %slice3A : vector<128x1xf32> to vector<128x128xf32>
    %add3A_310 = vector.broadcast %slice3A_308 : vector<1x128xf32> to vector<128x128xf32>
    %add3A_311 = arith.addf %add3A_309, %add3A_310 : vector<128x128xf32>
    %slice3A_312 = vector.extract_strided_slice %dot_general3A_14 {offsets = [0, 2432], sizes = [128, 128], strides = [1, 1]} : vector<512x4096xf32> to vector<128x128xf32>
    %sub3A_313 = arith.subf %add3A_311, %slice3A_312 : vector<128x128xf32>
    %mul3A_314 = arith.constant 32 : i32
    %mul3A_315 = arith.muli %arg1, %mul3A_314 : i32
    %add3A_316 = arith.constant 19 : i32
    %add3A_317 = arith.addi %mul3A_315, %add3A_316 : i32
    %convert_element_type3A_318 = arith.sitofp %add3A_317 : i32 to f32
    %lt3A_319 = arith.cmpf olt, %sub3A_313, %select_n3A_305 : vector<128x128xf32>
    %select_n3A_320 = arith.select %lt3A_319, %sub3A_313, %select_n3A_305 : vector<128x128xi1>, vector<128x128xf32>
    %broadcast_in_dim3A_321 = vector.broadcast %convert_element_type3A_318 : f32 to vector<128x128xf32>
    %select_n3A_322 = arith.select %lt3A_319, %broadcast_in_dim3A_321, %select_n3A_307 : vector<128x128xi1>, vector<128x128xf32>
    %slice3A_323 = vector.extract_strided_slice %select_n3A {offsets = [0, 2560], sizes = [1, 128], strides = [1, 1]} : vector<1x4096xf32> to vector<1x128xf32>
    %add3A_324 = vector.broadcast %slice3A : vector<128x1xf32> to vector<128x128xf32>
    %add3A_325 = vector.broadcast %slice3A_323 : vector<1x128xf32> to vector<128x128xf32>
    %add3A_326 = arith.addf %add3A_324, %add3A_325 : vector<128x128xf32>
    %slice3A_327 = vector.extract_strided_slice %dot_general3A_14 {offsets = [0, 2560], sizes = [128, 128], strides = [1, 1]} : vector<512x4096xf32> to vector<128x128xf32>
    %sub3A_328 = arith.subf %add3A_326, %slice3A_327 : vector<128x128xf32>
    %mul3A_329 = arith.constant 32 : i32
    %mul3A_330 = arith.muli %arg1, %mul3A_329 : i32
    %add3A_331 = arith.constant 20 : i32
    %add3A_332 = arith.addi %mul3A_330, %add3A_331 : i32
    %convert_element_type3A_333 = arith.sitofp %add3A_332 : i32 to f32
    %lt3A_334 = arith.cmpf olt, %sub3A_328, %select_n3A_320 : vector<128x128xf32>
    %select_n3A_335 = arith.select %lt3A_334, %sub3A_328, %select_n3A_320 : vector<128x128xi1>, vector<128x128xf32>
    %broadcast_in_dim3A_336 = vector.broadcast %convert_element_type3A_333 : f32 to vector<128x128xf32>
    %select_n3A_337 = arith.select %lt3A_334, %broadcast_in_dim3A_336, %select_n3A_322 : vector<128x128xi1>, vector<128x128xf32>
    %slice3A_338 = vector.extract_strided_slice %select_n3A {offsets = [0, 2688], sizes = [1, 128], strides = [1, 1]} : vector<1x4096xf32> to vector<1x128xf32>
    %add3A_339 = vector.broadcast %slice3A : vector<128x1xf32> to vector<128x128xf32>
    %add3A_340 = vector.broadcast %slice3A_338 : vector<1x128xf32> to vector<128x128xf32>
    %add3A_341 = arith.addf %add3A_339, %add3A_340 : vector<128x128xf32>
    %slice3A_342 = vector.extract_strided_slice %dot_general3A_14 {offsets = [0, 2688], sizes = [128, 128], strides = [1, 1]} : vector<512x4096xf32> to vector<128x128xf32>
    %sub3A_343 = arith.subf %add3A_341, %slice3A_342 : vector<128x128xf32>
    %mul3A_344 = arith.constant 32 : i32
    %mul3A_345 = arith.muli %arg1, %mul3A_344 : i32
    %add3A_346 = arith.constant 21 : i32
    %add3A_347 = arith.addi %mul3A_345, %add3A_346 : i32
    %convert_element_type3A_348 = arith.sitofp %add3A_347 : i32 to f32
    %lt3A_349 = arith.cmpf olt, %sub3A_343, %select_n3A_335 : vector<128x128xf32>
    %select_n3A_350 = arith.select %lt3A_349, %sub3A_343, %select_n3A_335 : vector<128x128xi1>, vector<128x128xf32>
    %broadcast_in_dim3A_351 = vector.broadcast %convert_element_type3A_348 : f32 to vector<128x128xf32>
    %select_n3A_352 = arith.select %lt3A_349, %broadcast_in_dim3A_351, %select_n3A_337 : vector<128x128xi1>, vector<128x128xf32>
    %slice3A_353 = vector.extract_strided_slice %select_n3A {offsets = [0, 2816], sizes = [1, 128], strides = [1, 1]} : vector<1x4096xf32> to vector<1x128xf32>
    %add3A_354 = vector.broadcast %slice3A : vector<128x1xf32> to vector<128x128xf32>
    %add3A_355 = vector.broadcast %slice3A_353 : vector<1x128xf32> to vector<128x128xf32>
    %add3A_356 = arith.addf %add3A_354, %add3A_355 : vector<128x128xf32>
    %slice3A_357 = vector.extract_strided_slice %dot_general3A_14 {offsets = [0, 2816], sizes = [128, 128], strides = [1, 1]} : vector<512x4096xf32> to vector<128x128xf32>
    %sub3A_358 = arith.subf %add3A_356, %slice3A_357 : vector<128x128xf32>
    %mul3A_359 = arith.constant 32 : i32
    %mul3A_360 = arith.muli %arg1, %mul3A_359 : i32
    %add3A_361 = arith.constant 22 : i32
    %add3A_362 = arith.addi %mul3A_360, %add3A_361 : i32
    %convert_element_type3A_363 = arith.sitofp %add3A_362 : i32 to f32
    %lt3A_364 = arith.cmpf olt, %sub3A_358, %select_n3A_350 : vector<128x128xf32>
    %select_n3A_365 = arith.select %lt3A_364, %sub3A_358, %select_n3A_350 : vector<128x128xi1>, vector<128x128xf32>
    %broadcast_in_dim3A_366 = vector.broadcast %convert_element_type3A_363 : f32 to vector<128x128xf32>
    %select_n3A_367 = arith.select %lt3A_364, %broadcast_in_dim3A_366, %select_n3A_352 : vector<128x128xi1>, vector<128x128xf32>
    %slice3A_368 = vector.extract_strided_slice %select_n3A {offsets = [0, 2944], sizes = [1, 128], strides = [1, 1]} : vector<1x4096xf32> to vector<1x128xf32>
    %add3A_369 = vector.broadcast %slice3A : vector<128x1xf32> to vector<128x128xf32>
    %add3A_370 = vector.broadcast %slice3A_368 : vector<1x128xf32> to vector<128x128xf32>
    %add3A_371 = arith.addf %add3A_369, %add3A_370 : vector<128x128xf32>
    %slice3A_372 = vector.extract_strided_slice %dot_general3A_14 {offsets = [0, 2944], sizes = [128, 128], strides = [1, 1]} : vector<512x4096xf32> to vector<128x128xf32>
    %sub3A_373 = arith.subf %add3A_371, %slice3A_372 : vector<128x128xf32>
    %mul3A_374 = arith.constant 32 : i32
    %mul3A_375 = arith.muli %arg1, %mul3A_374 : i32
    %add3A_376 = arith.constant 23 : i32
    %add3A_377 = arith.addi %mul3A_375, %add3A_376 : i32
    %convert_element_type3A_378 = arith.sitofp %add3A_377 : i32 to f32
    %lt3A_379 = arith.cmpf olt, %sub3A_373, %select_n3A_365 : vector<128x128xf32>
    %select_n3A_380 = arith.select %lt3A_379, %sub3A_373, %select_n3A_365 : vector<128x128xi1>, vector<128x128xf32>
    %broadcast_in_dim3A_381 = vector.broadcast %convert_element_type3A_378 : f32 to vector<128x128xf32>
    %select_n3A_382 = arith.select %lt3A_379, %broadcast_in_dim3A_381, %select_n3A_367 : vector<128x128xi1>, vector<128x128xf32>
    %slice3A_383 = vector.extract_strided_slice %select_n3A {offsets = [0, 3072], sizes = [1, 128], strides = [1, 1]} : vector<1x4096xf32> to vector<1x128xf32>
    %add3A_384 = vector.broadcast %slice3A : vector<128x1xf32> to vector<128x128xf32>
    %add3A_385 = vector.broadcast %slice3A_383 : vector<1x128xf32> to vector<128x128xf32>
    %add3A_386 = arith.addf %add3A_384, %add3A_385 : vector<128x128xf32>
    %slice3A_387 = vector.extract_strided_slice %dot_general3A_14 {offsets = [0, 3072], sizes = [128, 128], strides = [1, 1]} : vector<512x4096xf32> to vector<128x128xf32>
    %sub3A_388 = arith.subf %add3A_386, %slice3A_387 : vector<128x128xf32>
    %mul3A_389 = arith.constant 32 : i32
    %mul3A_390 = arith.muli %arg1, %mul3A_389 : i32
    %add3A_391 = arith.constant 24 : i32
    %add3A_392 = arith.addi %mul3A_390, %add3A_391 : i32
    %convert_element_type3A_393 = arith.sitofp %add3A_392 : i32 to f32
    %lt3A_394 = arith.cmpf olt, %sub3A_388, %select_n3A_380 : vector<128x128xf32>
    %select_n3A_395 = arith.select %lt3A_394, %sub3A_388, %select_n3A_380 : vector<128x128xi1>, vector<128x128xf32>
    %broadcast_in_dim3A_396 = vector.broadcast %convert_element_type3A_393 : f32 to vector<128x128xf32>
    %select_n3A_397 = arith.select %lt3A_394, %broadcast_in_dim3A_396, %select_n3A_382 : vector<128x128xi1>, vector<128x128xf32>
    %slice3A_398 = vector.extract_strided_slice %select_n3A {offsets = [0, 3200], sizes = [1, 128], strides = [1, 1]} : vector<1x4096xf32> to vector<1x128xf32>
    %add3A_399 = vector.broadcast %slice3A : vector<128x1xf32> to vector<128x128xf32>
    %add3A_400 = vector.broadcast %slice3A_398 : vector<1x128xf32> to vector<128x128xf32>
    %add3A_401 = arith.addf %add3A_399, %add3A_400 : vector<128x128xf32>
    %slice3A_402 = vector.extract_strided_slice %dot_general3A_14 {offsets = [0, 3200], sizes = [128, 128], strides = [1, 1]} : vector<512x4096xf32> to vector<128x128xf32>
    %sub3A_403 = arith.subf %add3A_401, %slice3A_402 : vector<128x128xf32>
    %mul3A_404 = arith.constant 32 : i32
    %mul3A_405 = arith.muli %arg1, %mul3A_404 : i32
    %add3A_406 = arith.constant 25 : i32
    %add3A_407 = arith.addi %mul3A_405, %add3A_406 : i32
    %convert_element_type3A_408 = arith.sitofp %add3A_407 : i32 to f32
    %lt3A_409 = arith.cmpf olt, %sub3A_403, %select_n3A_395 : vector<128x128xf32>
    %select_n3A_410 = arith.select %lt3A_409, %sub3A_403, %select_n3A_395 : vector<128x128xi1>, vector<128x128xf32>
    %broadcast_in_dim3A_411 = vector.broadcast %convert_element_type3A_408 : f32 to vector<128x128xf32>
    %select_n3A_412 = arith.select %lt3A_409, %broadcast_in_dim3A_411, %select_n3A_397 : vector<128x128xi1>, vector<128x128xf32>
    %slice3A_413 = vector.extract_strided_slice %select_n3A {offsets = [0, 3328], sizes = [1, 128], strides = [1, 1]} : vector<1x4096xf32> to vector<1x128xf32>
    %add3A_414 = vector.broadcast %slice3A : vector<128x1xf32> to vector<128x128xf32>
    %add3A_415 = vector.broadcast %slice3A_413 : vector<1x128xf32> to vector<128x128xf32>
    %add3A_416 = arith.addf %add3A_414, %add3A_415 : vector<128x128xf32>
    %slice3A_417 = vector.extract_strided_slice %dot_general3A_14 {offsets = [0, 3328], sizes = [128, 128], strides = [1, 1]} : vector<512x4096xf32> to vector<128x128xf32>
    %sub3A_418 = arith.subf %add3A_416, %slice3A_417 : vector<128x128xf32>
    %mul3A_419 = arith.constant 32 : i32
    %mul3A_420 = arith.muli %arg1, %mul3A_419 : i32
    %add3A_421 = arith.constant 26 : i32
    %add3A_422 = arith.addi %mul3A_420, %add3A_421 : i32
    %convert_element_type3A_423 = arith.sitofp %add3A_422 : i32 to f32
    %lt3A_424 = arith.cmpf olt, %sub3A_418, %select_n3A_410 : vector<128x128xf32>
    %select_n3A_425 = arith.select %lt3A_424, %sub3A_418, %select_n3A_410 : vector<128x128xi1>, vector<128x128xf32>
    %broadcast_in_dim3A_426 = vector.broadcast %convert_element_type3A_423 : f32 to vector<128x128xf32>
    %select_n3A_427 = arith.select %lt3A_424, %broadcast_in_dim3A_426, %select_n3A_412 : vector<128x128xi1>, vector<128x128xf32>
    %slice3A_428 = vector.extract_strided_slice %select_n3A {offsets = [0, 3456], sizes = [1, 128], strides = [1, 1]} : vector<1x4096xf32> to vector<1x128xf32>
    %add3A_429 = vector.broadcast %slice3A : vector<128x1xf32> to vector<128x128xf32>
    %add3A_430 = vector.broadcast %slice3A_428 : vector<1x128xf32> to vector<128x128xf32>
    %add3A_431 = arith.addf %add3A_429, %add3A_430 : vector<128x128xf32>
    %slice3A_432 = vector.extract_strided_slice %dot_general3A_14 {offsets = [0, 3456], sizes = [128, 128], strides = [1, 1]} : vector<512x4096xf32> to vector<128x128xf32>
    %sub3A_433 = arith.subf %add3A_431, %slice3A_432 : vector<128x128xf32>
    %mul3A_434 = arith.constant 32 : i32
    %mul3A_435 = arith.muli %arg1, %mul3A_434 : i32
    %add3A_436 = arith.constant 27 : i32
    %add3A_437 = arith.addi %mul3A_435, %add3A_436 : i32
    %convert_element_type3A_438 = arith.sitofp %add3A_437 : i32 to f32
    %lt3A_439 = arith.cmpf olt, %sub3A_433, %select_n3A_425 : vector<128x128xf32>
    %select_n3A_440 = arith.select %lt3A_439, %sub3A_433, %select_n3A_425 : vector<128x128xi1>, vector<128x128xf32>
    %broadcast_in_dim3A_441 = vector.broadcast %convert_element_type3A_438 : f32 to vector<128x128xf32>
    %select_n3A_442 = arith.select %lt3A_439, %broadcast_in_dim3A_441, %select_n3A_427 : vector<128x128xi1>, vector<128x128xf32>
    %slice3A_443 = vector.extract_strided_slice %select_n3A {offsets = [0, 3584], sizes = [1, 128], strides = [1, 1]} : vector<1x4096xf32> to vector<1x128xf32>
    %add3A_444 = vector.broadcast %slice3A : vector<128x1xf32> to vector<128x128xf32>
    %add3A_445 = vector.broadcast %slice3A_443 : vector<1x128xf32> to vector<128x128xf32>
    %add3A_446 = arith.addf %add3A_444, %add3A_445 : vector<128x128xf32>
    %slice3A_447 = vector.extract_strided_slice %dot_general3A_14 {offsets = [0, 3584], sizes = [128, 128], strides = [1, 1]} : vector<512x4096xf32> to vector<128x128xf32>
    %sub3A_448 = arith.subf %add3A_446, %slice3A_447 : vector<128x128xf32>
    %mul3A_449 = arith.constant 32 : i32
    %mul3A_450 = arith.muli %arg1, %mul3A_449 : i32
    %add3A_451 = arith.constant 28 : i32
    %add3A_452 = arith.addi %mul3A_450, %add3A_451 : i32
    %convert_element_type3A_453 = arith.sitofp %add3A_452 : i32 to f32
    %lt3A_454 = arith.cmpf olt, %sub3A_448, %select_n3A_440 : vector<128x128xf32>
    %select_n3A_455 = arith.select %lt3A_454, %sub3A_448, %select_n3A_440 : vector<128x128xi1>, vector<128x128xf32>
    %broadcast_in_dim3A_456 = vector.broadcast %convert_element_type3A_453 : f32 to vector<128x128xf32>
    %select_n3A_457 = arith.select %lt3A_454, %broadcast_in_dim3A_456, %select_n3A_442 : vector<128x128xi1>, vector<128x128xf32>
    %slice3A_458 = vector.extract_strided_slice %select_n3A {offsets = [0, 3712], sizes = [1, 128], strides = [1, 1]} : vector<1x4096xf32> to vector<1x128xf32>
    %add3A_459 = vector.broadcast %slice3A : vector<128x1xf32> to vector<128x128xf32>
    %add3A_460 = vector.broadcast %slice3A_458 : vector<1x128xf32> to vector<128x128xf32>
    %add3A_461 = arith.addf %add3A_459, %add3A_460 : vector<128x128xf32>
    %slice3A_462 = vector.extract_strided_slice %dot_general3A_14 {offsets = [0, 3712], sizes = [128, 128], strides = [1, 1]} : vector<512x4096xf32> to vector<128x128xf32>
    %sub3A_463 = arith.subf %add3A_461, %slice3A_462 : vector<128x128xf32>
    %mul3A_464 = arith.constant 32 : i32
    %mul3A_465 = arith.muli %arg1, %mul3A_464 : i32
    %add3A_466 = arith.constant 29 : i32
    %add3A_467 = arith.addi %mul3A_465, %add3A_466 : i32
    %convert_element_type3A_468 = arith.sitofp %add3A_467 : i32 to f32
    %lt3A_469 = arith.cmpf olt, %sub3A_463, %select_n3A_455 : vector<128x128xf32>
    %select_n3A_470 = arith.select %lt3A_469, %sub3A_463, %select_n3A_455 : vector<128x128xi1>, vector<128x128xf32>
    %broadcast_in_dim3A_471 = vector.broadcast %convert_element_type3A_468 : f32 to vector<128x128xf32>
    %select_n3A_472 = arith.select %lt3A_469, %broadcast_in_dim3A_471, %select_n3A_457 : vector<128x128xi1>, vector<128x128xf32>
    %slice3A_473 = vector.extract_strided_slice %select_n3A {offsets = [0, 3840], sizes = [1, 128], strides = [1, 1]} : vector<1x4096xf32> to vector<1x128xf32>
    %add3A_474 = vector.broadcast %slice3A : vector<128x1xf32> to vector<128x128xf32>
    %add3A_475 = vector.broadcast %slice3A_473 : vector<1x128xf32> to vector<128x128xf32>
    %add3A_476 = arith.addf %add3A_474, %add3A_475 : vector<128x128xf32>
    %slice3A_477 = vector.extract_strided_slice %dot_general3A_14 {offsets = [0, 3840], sizes = [128, 128], strides = [1, 1]} : vector<512x4096xf32> to vector<128x128xf32>
    %sub3A_478 = arith.subf %add3A_476, %slice3A_477 : vector<128x128xf32>
    %mul3A_479 = arith.constant 32 : i32
    %mul3A_480 = arith.muli %arg1, %mul3A_479 : i32
    %add3A_481 = arith.constant 30 : i32
    %add3A_482 = arith.addi %mul3A_480, %add3A_481 : i32
    %convert_element_type3A_483 = arith.sitofp %add3A_482 : i32 to f32
    %lt3A_484 = arith.cmpf olt, %sub3A_478, %select_n3A_470 : vector<128x128xf32>
    %select_n3A_485 = arith.select %lt3A_484, %sub3A_478, %select_n3A_470 : vector<128x128xi1>, vector<128x128xf32>
    %broadcast_in_dim3A_486 = vector.broadcast %convert_element_type3A_483 : f32 to vector<128x128xf32>
    %select_n3A_487 = arith.select %lt3A_484, %broadcast_in_dim3A_486, %select_n3A_472 : vector<128x128xi1>, vector<128x128xf32>
    %slice3A_488 = vector.extract_strided_slice %select_n3A {offsets = [0, 3968], sizes = [1, 128], strides = [1, 1]} : vector<1x4096xf32> to vector<1x128xf32>
    %add3A_489 = vector.broadcast %slice3A : vector<128x1xf32> to vector<128x128xf32>
    %add3A_490 = vector.broadcast %slice3A_488 : vector<1x128xf32> to vector<128x128xf32>
    %add3A_491 = arith.addf %add3A_489, %add3A_490 : vector<128x128xf32>
    %slice3A_492 = vector.extract_strided_slice %dot_general3A_14 {offsets = [0, 3968], sizes = [128, 128], strides = [1, 1]} : vector<512x4096xf32> to vector<128x128xf32>
    %sub3A_493 = arith.subf %add3A_491, %slice3A_492 : vector<128x128xf32>
    %mul3A_494 = arith.constant 32 : i32
    %mul3A_495 = arith.muli %arg1, %mul3A_494 : i32
    %add3A_496 = arith.constant 31 : i32
    %add3A_497 = arith.addi %mul3A_495, %add3A_496 : i32
    %convert_element_type3A_498 = arith.sitofp %add3A_497 : i32 to f32
    %lt3A_499 = arith.cmpf olt, %sub3A_493, %select_n3A_485 : vector<128x128xf32>
    %select_n3A_500 = arith.select %lt3A_499, %sub3A_493, %select_n3A_485 : vector<128x128xi1>, vector<128x128xf32>
    %broadcast_in_dim3A_501 = vector.broadcast %convert_element_type3A_498 : f32 to vector<128x128xf32>
    %select_n3A_502 = arith.select %lt3A_499, %broadcast_in_dim3A_501, %select_n3A_487 : vector<128x128xi1>, vector<128x128xf32>
    %swap3A = arith.constant 0 : index
    %swap3A_503 = arith.constant 0 : index
    %swap3A_504 = vector.load %arg6[%swap3A, %swap3A_503] : memref<512x128xf32, #tpu.memory_space<vmem>>, vector<128x128xf32>
    tpu.vector_store %arg6[%swap3A, %swap3A_503], %select_n3A_500 {strides = array<i32>} : memref<512x128xf32, #tpu.memory_space<vmem>>, vector<128x128xf32>,
    %swap3A_505 = arith.constant 0 : index
    %swap3A_506 = arith.constant 0 : index
    %swap3A_507 = vector.load %arg7[%swap3A_505, %swap3A_506] : memref<512x128xf32, #tpu.memory_space<vmem>>, vector<128x128xf32>
    tpu.vector_store %arg7[%swap3A_505, %swap3A_506], %select_n3A_502 {strides = array<i32>} : memref<512x128xf32, #tpu.memory_space<vmem>>, vector<128x128xf32>,
    %get3A_508 = arith.constant 128 : index
    %get3A_509 = arith.constant 0 : index
    %get3A_510 = vector.load %arg6[%get3A_508, %get3A_509] : memref<512x128xf32, #tpu.memory_space<vmem>>, vector<128x128xf32>
    %get3A_511 = arith.constant 128 : index
    %get3A_512 = arith.constant 0 : index
    %get3A_513 = vector.load %arg7[%get3A_511, %get3A_512] : memref<512x128xf32, #tpu.memory_space<vmem>>, vector<128x128xf32>
    %slice3A_514 = vector.extract_strided_slice %get3A_17 {offsets = [128, 0], sizes = [128, 1], strides = [1, 1]} : vector<512x1xf32> to vector<128x1xf32>
    %slice3A_515 = vector.extract_strided_slice %select_n3A {offsets = [0, 0], sizes = [1, 128], strides = [1, 1]} : vector<1x4096xf32> to vector<1x128xf32>
    %add3A_516 = vector.broadcast %slice3A_514 : vector<128x1xf32> to vector<128x128xf32>
    %add3A_517 = vector.broadcast %slice3A_515 : vector<1x128xf32> to vector<128x128xf32>
    %add3A_518 = arith.addf %add3A_516, %add3A_517 : vector<128x128xf32>
    %slice3A_519 = vector.extract_strided_slice %dot_general3A_14 {offsets = [128, 0], sizes = [128, 128], strides = [1, 1]} : vector<512x4096xf32> to vector<128x128xf32>
    %sub3A_520 = arith.subf %add3A_518, %slice3A_519 : vector<128x128xf32>
    %mul3A_521 = arith.constant 32 : i32
    %mul3A_522 = arith.muli %arg1, %mul3A_521 : i32
    %add3A_523 = arith.constant 0 : i32
    %add3A_524 = arith.addi %mul3A_522, %add3A_523 : i32
    %convert_element_type3A_525 = arith.sitofp %add3A_524 : i32 to f32
    %lt3A_526 = arith.cmpf olt, %sub3A_520, %get3A_510 : vector<128x128xf32>
    %select_n3A_527 = arith.select %lt3A_526, %sub3A_520, %get3A_510 : vector<128x128xi1>, vector<128x128xf32>
    %broadcast_in_dim3A_528 = vector.broadcast %convert_element_type3A_525 : f32 to vector<128x128xf32>
    %select_n3A_529 = arith.select %lt3A_526, %broadcast_in_dim3A_528, %get3A_513 : vector<128x128xi1>, vector<128x128xf32>
    %slice3A_530 = vector.extract_strided_slice %select_n3A {offsets = [0, 128], sizes = [1, 128], strides = [1, 1]} : vector<1x4096xf32> to vector<1x128xf32>
    %add3A_531 = vector.broadcast %slice3A_514 : vector<128x1xf32> to vector<128x128xf32>
    %add3A_532 = vector.broadcast %slice3A_530 : vector<1x128xf32> to vector<128x128xf32>
    %add3A_533 = arith.addf %add3A_531, %add3A_532 : vector<128x128xf32>
    %slice3A_534 = vector.extract_strided_slice %dot_general3A_14 {offsets = [128, 128], sizes = [128, 128], strides = [1, 1]} : vector<512x4096xf32> to vector<128x128xf32>
    %sub3A_535 = arith.subf %add3A_533, %slice3A_534 : vector<128x128xf32>
    %mul3A_536 = arith.constant 32 : i32
    %mul3A_537 = arith.muli %arg1, %mul3A_536 : i32
    %add3A_538 = arith.constant 1 : i32
    %add3A_539 = arith.addi %mul3A_537, %add3A_538 : i32
    %convert_element_type3A_540 = arith.sitofp %add3A_539 : i32 to f32
    %lt3A_541 = arith.cmpf olt, %sub3A_535, %select_n3A_527 : vector<128x128xf32>
    %select_n3A_542 = arith.select %lt3A_541, %sub3A_535, %select_n3A_527 : vector<128x128xi1>, vector<128x128xf32>
    %broadcast_in_dim3A_543 = vector.broadcast %convert_element_type3A_540 : f32 to vector<128x128xf32>
    %select_n3A_544 = arith.select %lt3A_541, %broadcast_in_dim3A_543, %select_n3A_529 : vector<128x128xi1>, vector<128x128xf32>
    %slice3A_545 = vector.extract_strided_slice %select_n3A {offsets = [0, 256], sizes = [1, 128], strides = [1, 1]} : vector<1x4096xf32> to vector<1x128xf32>
    %add3A_546 = vector.broadcast %slice3A_514 : vector<128x1xf32> to vector<128x128xf32>
    %add3A_547 = vector.broadcast %slice3A_545 : vector<1x128xf32> to vector<128x128xf32>
    %add3A_548 = arith.addf %add3A_546, %add3A_547 : vector<128x128xf32>
    %slice3A_549 = vector.extract_strided_slice %dot_general3A_14 {offsets = [128, 256], sizes = [128, 128], strides = [1, 1]} : vector<512x4096xf32> to vector<128x128xf32>
    %sub3A_550 = arith.subf %add3A_548, %slice3A_549 : vector<128x128xf32>
    %mul3A_551 = arith.constant 32 : i32
    %mul3A_552 = arith.muli %arg1, %mul3A_551 : i32
    %add3A_553 = arith.constant 2 : i32
    %add3A_554 = arith.addi %mul3A_552, %add3A_553 : i32
    %convert_element_type3A_555 = arith.sitofp %add3A_554 : i32 to f32
    %lt3A_556 = arith.cmpf olt, %sub3A_550, %select_n3A_542 : vector<128x128xf32>
    %select_n3A_557 = arith.select %lt3A_556, %sub3A_550, %select_n3A_542 : vector<128x128xi1>, vector<128x128xf32>
    %broadcast_in_dim3A_558 = vector.broadcast %convert_element_type3A_555 : f32 to vector<128x128xf32>
    %select_n3A_559 = arith.select %lt3A_556, %broadcast_in_dim3A_558, %select_n3A_544 : vector<128x128xi1>, vector<128x128xf32>
    %slice3A_560 = vector.extract_strided_slice %select_n3A {offsets = [0, 384], sizes = [1, 128], strides = [1, 1]} : vector<1x4096xf32> to vector<1x128xf32>
    %add3A_561 = vector.broadcast %slice3A_514 : vector<128x1xf32> to vector<128x128xf32>
    %add3A_562 = vector.broadcast %slice3A_560 : vector<1x128xf32> to vector<128x128xf32>
    %add3A_563 = arith.addf %add3A_561, %add3A_562 : vector<128x128xf32>
    %slice3A_564 = vector.extract_strided_slice %dot_general3A_14 {offsets = [128, 384], sizes = [128, 128], strides = [1, 1]} : vector<512x4096xf32> to vector<128x128xf32>
    %sub3A_565 = arith.subf %add3A_563, %slice3A_564 : vector<128x128xf32>
    %mul3A_566 = arith.constant 32 : i32
    %mul3A_567 = arith.muli %arg1, %mul3A_566 : i32
    %add3A_568 = arith.constant 3 : i32
    %add3A_569 = arith.addi %mul3A_567, %add3A_568 : i32
    %convert_element_type3A_570 = arith.sitofp %add3A_569 : i32 to f32
    %lt3A_571 = arith.cmpf olt, %sub3A_565, %select_n3A_557 : vector<128x128xf32>
    %select_n3A_572 = arith.select %lt3A_571, %sub3A_565, %select_n3A_557 : vector<128x128xi1>, vector<128x128xf32>
    %broadcast_in_dim3A_573 = vector.broadcast %convert_element_type3A_570 : f32 to vector<128x128xf32>
    %select_n3A_574 = arith.select %lt3A_571, %broadcast_in_dim3A_573, %select_n3A_559 : vector<128x128xi1>, vector<128x128xf32>
    %slice3A_575 = vector.extract_strided_slice %select_n3A {offsets = [0, 512], sizes = [1, 128], strides = [1, 1]} : vector<1x4096xf32> to vector<1x128xf32>
    %add3A_576 = vector.broadcast %slice3A_514 : vector<128x1xf32> to vector<128x128xf32>
    %add3A_577 = vector.broadcast %slice3A_575 : vector<1x128xf32> to vector<128x128xf32>
    %add3A_578 = arith.addf %add3A_576, %add3A_577 : vector<128x128xf32>
    %slice3A_579 = vector.extract_strided_slice %dot_general3A_14 {offsets = [128, 512], sizes = [128, 128], strides = [1, 1]} : vector<512x4096xf32> to vector<128x128xf32>
    %sub3A_580 = arith.subf %add3A_578, %slice3A_579 : vector<128x128xf32>
    %mul3A_581 = arith.constant 32 : i32
    %mul3A_582 = arith.muli %arg1, %mul3A_581 : i32
    %add3A_583 = arith.constant 4 : i32
    %add3A_584 = arith.addi %mul3A_582, %add3A_583 : i32
    %convert_element_type3A_585 = arith.sitofp %add3A_584 : i32 to f32
    %lt3A_586 = arith.cmpf olt, %sub3A_580, %select_n3A_572 : vector<128x128xf32>
    %select_n3A_587 = arith.select %lt3A_586, %sub3A_580, %select_n3A_572 : vector<128x128xi1>, vector<128x128xf32>
    %broadcast_in_dim3A_588 = vector.broadcast %convert_element_type3A_585 : f32 to vector<128x128xf32>
    %select_n3A_589 = arith.select %lt3A_586, %broadcast_in_dim3A_588, %select_n3A_574 : vector<128x128xi1>, vector<128x128xf32>
    %slice3A_590 = vector.extract_strided_slice %select_n3A {offsets = [0, 640], sizes = [1, 128], strides = [1, 1]} : vector<1x4096xf32> to vector<1x128xf32>
    %add3A_591 = vector.broadcast %slice3A_514 : vector<128x1xf32> to vector<128x128xf32>
    %add3A_592 = vector.broadcast %slice3A_590 : vector<1x128xf32> to vector<128x128xf32>
    %add3A_593 = arith.addf %add3A_591, %add3A_592 : vector<128x128xf32>
    %slice3A_594 = vector.extract_strided_slice %dot_general3A_14 {offsets = [128, 640], sizes = [128, 128], strides = [1, 1]} : vector<512x4096xf32> to vector<128x128xf32>
    %sub3A_595 = arith.subf %add3A_593, %slice3A_594 : vector<128x128xf32>
    %mul3A_596 = arith.constant 32 : i32
    %mul3A_597 = arith.muli %arg1, %mul3A_596 : i32
    %add3A_598 = arith.constant 5 : i32
    %add3A_599 = arith.addi %mul3A_597, %add3A_598 : i32
    %convert_element_type3A_600 = arith.sitofp %add3A_599 : i32 to f32
    %lt3A_601 = arith.cmpf olt, %sub3A_595, %select_n3A_587 : vector<128x128xf32>
    %select_n3A_602 = arith.select %lt3A_601, %sub3A_595, %select_n3A_587 : vector<128x128xi1>, vector<128x128xf32>
    %broadcast_in_dim3A_603 = vector.broadcast %convert_element_type3A_600 : f32 to vector<128x128xf32>
    %select_n3A_604 = arith.select %lt3A_601, %broadcast_in_dim3A_603, %select_n3A_589 : vector<128x128xi1>, vector<128x128xf32>
    %slice3A_605 = vector.extract_strided_slice %select_n3A {offsets = [0, 768], sizes = [1, 128], strides = [1, 1]} : vector<1x4096xf32> to vector<1x128xf32>
    %add3A_606 = vector.broadcast %slice3A_514 : vector<128x1xf32> to vector<128x128xf32>
    %add3A_607 = vector.broadcast %slice3A_605 : vector<1x128xf32> to vector<128x128xf32>
    %add3A_608 = arith.addf %add3A_606, %add3A_607 : vector<128x128xf32>
    %slice3A_609 = vector.extract_strided_slice %dot_general3A_14 {offsets = [128, 768], sizes = [128, 128], strides = [1, 1]} : vector<512x4096xf32> to vector<128x128xf32>
    %sub3A_610 = arith.subf %add3A_608, %slice3A_609 : vector<128x128xf32>
    %mul3A_611 = arith.constant 32 : i32
    %mul3A_612 = arith.muli %arg1, %mul3A_611 : i32
    %add3A_613 = arith.constant 6 : i32
    %add3A_614 = arith.addi %mul3A_612, %add3A_613 : i32
    %convert_element_type3A_615 = arith.sitofp %add3A_614 : i32 to f32
    %lt3A_616 = arith.cmpf olt, %sub3A_610, %select_n3A_602 : vector<128x128xf32>
    %select_n3A_617 = arith.select %lt3A_616, %sub3A_610, %select_n3A_602 : vector<128x128xi1>, vector<128x128xf32>
    %broadcast_in_dim3A_618 = vector.broadcast %convert_element_type3A_615 : f32 to vector<128x128xf32>
    %select_n3A_619 = arith.select %lt3A_616, %broadcast_in_dim3A_618, %select_n3A_604 : vector<128x128xi1>, vector<128x128xf32>
    %slice3A_620 = vector.extract_strided_slice %select_n3A {offsets = [0, 896], sizes = [1, 128], strides = [1, 1]} : vector<1x4096xf32> to vector<1x128xf32>
    %add3A_621 = vector.broadcast %slice3A_514 : vector<128x1xf32> to vector<128x128xf32>
    %add3A_622 = vector.broadcast %slice3A_620 : vector<1x128xf32> to vector<128x128xf32>
    %add3A_623 = arith.addf %add3A_621, %add3A_622 : vector<128x128xf32>
    %slice3A_624 = vector.extract_strided_slice %dot_general3A_14 {offsets = [128, 896], sizes = [128, 128], strides = [1, 1]} : vector<512x4096xf32> to vector<128x128xf32>
    %sub3A_625 = arith.subf %add3A_623, %slice3A_624 : vector<128x128xf32>
    %mul3A_626 = arith.constant 32 : i32
    %mul3A_627 = arith.muli %arg1, %mul3A_626 : i32
    %add3A_628 = arith.constant 7 : i32
    %add3A_629 = arith.addi %mul3A_627, %add3A_628 : i32
    %convert_element_type3A_630 = arith.sitofp %add3A_629 : i32 to f32
    %lt3A_631 = arith.cmpf olt, %sub3A_625, %select_n3A_617 : vector<128x128xf32>
    %select_n3A_632 = arith.select %lt3A_631, %sub3A_625, %select_n3A_617 : vector<128x128xi1>, vector<128x128xf32>
    %broadcast_in_dim3A_633 = vector.broadcast %convert_element_type3A_630 : f32 to vector<128x128xf32>
    %select_n3A_634 = arith.select %lt3A_631, %broadcast_in_dim3A_633, %select_n3A_619 : vector<128x128xi1>, vector<128x128xf32>
    %slice3A_635 = vector.extract_strided_slice %select_n3A {offsets = [0, 1024], sizes = [1, 128], strides = [1, 1]} : vector<1x4096xf32> to vector<1x128xf32>
    %add3A_636 = vector.broadcast %slice3A_514 : vector<128x1xf32> to vector<128x128xf32>
    %add3A_637 = vector.broadcast %slice3A_635 : vector<1x128xf32> to vector<128x128xf32>
    %add3A_638 = arith.addf %add3A_636, %add3A_637 : vector<128x128xf32>
    %slice3A_639 = vector.extract_strided_slice %dot_general3A_14 {offsets = [128, 1024], sizes = [128, 128], strides = [1, 1]} : vector<512x4096xf32> to vector<128x128xf32>
    %sub3A_640 = arith.subf %add3A_638, %slice3A_639 : vector<128x128xf32>
    %mul3A_641 = arith.constant 32 : i32
    %mul3A_642 = arith.muli %arg1, %mul3A_641 : i32
    %add3A_643 = arith.constant 8 : i32
    %add3A_644 = arith.addi %mul3A_642, %add3A_643 : i32
    %convert_element_type3A_645 = arith.sitofp %add3A_644 : i32 to f32
    %lt3A_646 = arith.cmpf olt, %sub3A_640, %select_n3A_632 : vector<128x128xf32>
    %select_n3A_647 = arith.select %lt3A_646, %sub3A_640, %select_n3A_632 : vector<128x128xi1>, vector<128x128xf32>
    %broadcast_in_dim3A_648 = vector.broadcast %convert_element_type3A_645 : f32 to vector<128x128xf32>
    %select_n3A_649 = arith.select %lt3A_646, %broadcast_in_dim3A_648, %select_n3A_634 : vector<128x128xi1>, vector<128x128xf32>
    %slice3A_650 = vector.extract_strided_slice %select_n3A {offsets = [0, 1152], sizes = [1, 128], strides = [1, 1]} : vector<1x4096xf32> to vector<1x128xf32>
    %add3A_651 = vector.broadcast %slice3A_514 : vector<128x1xf32> to vector<128x128xf32>
    %add3A_652 = vector.broadcast %slice3A_650 : vector<1x128xf32> to vector<128x128xf32>
    %add3A_653 = arith.addf %add3A_651, %add3A_652 : vector<128x128xf32>
    %slice3A_654 = vector.extract_strided_slice %dot_general3A_14 {offsets = [128, 1152], sizes = [128, 128], strides = [1, 1]} : vector<512x4096xf32> to vector<128x128xf32>
    %sub3A_655 = arith.subf %add3A_653, %slice3A_654 : vector<128x128xf32>
    %mul3A_656 = arith.constant 32 : i32
    %mul3A_657 = arith.muli %arg1, %mul3A_656 : i32
    %add3A_658 = arith.constant 9 : i32
    %add3A_659 = arith.addi %mul3A_657, %add3A_658 : i32
    %convert_element_type3A_660 = arith.sitofp %add3A_659 : i32 to f32
    %lt3A_661 = arith.cmpf olt, %sub3A_655, %select_n3A_647 : vector<128x128xf32>
    %select_n3A_662 = arith.select %lt3A_661, %sub3A_655, %select_n3A_647 : vector<128x128xi1>, vector<128x128xf32>
    %broadcast_in_dim3A_663 = vector.broadcast %convert_element_type3A_660 : f32 to vector<128x128xf32>
    %select_n3A_664 = arith.select %lt3A_661, %broadcast_in_dim3A_663, %select_n3A_649 : vector<128x128xi1>, vector<128x128xf32>
    %slice3A_665 = vector.extract_strided_slice %select_n3A {offsets = [0, 1280], sizes = [1, 128], strides = [1, 1]} : vector<1x4096xf32> to vector<1x128xf32>
    %add3A_666 = vector.broadcast %slice3A_514 : vector<128x1xf32> to vector<128x128xf32>
    %add3A_667 = vector.broadcast %slice3A_665 : vector<1x128xf32> to vector<128x128xf32>
    %add3A_668 = arith.addf %add3A_666, %add3A_667 : vector<128x128xf32>
    %slice3A_669 = vector.extract_strided_slice %dot_general3A_14 {offsets = [128, 1280], sizes = [128, 128], strides = [1, 1]} : vector<512x4096xf32> to vector<128x128xf32>
    %sub3A_670 = arith.subf %add3A_668, %slice3A_669 : vector<128x128xf32>
    %mul3A_671 = arith.constant 32 : i32
    %mul3A_672 = arith.muli %arg1, %mul3A_671 : i32
    %add3A_673 = arith.constant 10 : i32
    %add3A_674 = arith.addi %mul3A_672, %add3A_673 : i32
    %convert_element_type3A_675 = arith.sitofp %add3A_674 : i32 to f32
    %lt3A_676 = arith.cmpf olt, %sub3A_670, %select_n3A_662 : vector<128x128xf32>
    %select_n3A_677 = arith.select %lt3A_676, %sub3A_670, %select_n3A_662 : vector<128x128xi1>, vector<128x128xf32>
    %broadcast_in_dim3A_678 = vector.broadcast %convert_element_type3A_675 : f32 to vector<128x128xf32>
    %select_n3A_679 = arith.select %lt3A_676, %broadcast_in_dim3A_678, %select_n3A_664 : vector<128x128xi1>, vector<128x128xf32>
    %slice3A_680 = vector.extract_strided_slice %select_n3A {offsets = [0, 1408], sizes = [1, 128], strides = [1, 1]} : vector<1x4096xf32> to vector<1x128xf32>
    %add3A_681 = vector.broadcast %slice3A_514 : vector<128x1xf32> to vector<128x128xf32>
    %add3A_682 = vector.broadcast %slice3A_680 : vector<1x128xf32> to vector<128x128xf32>
    %add3A_683 = arith.addf %add3A_681, %add3A_682 : vector<128x128xf32>
    %slice3A_684 = vector.extract_strided_slice %dot_general3A_14 {offsets = [128, 1408], sizes = [128, 128], strides = [1, 1]} : vector<512x4096xf32> to vector<128x128xf32>
    %sub3A_685 = arith.subf %add3A_683, %slice3A_684 : vector<128x128xf32>
    %mul3A_686 = arith.constant 32 : i32
    %mul3A_687 = arith.muli %arg1, %mul3A_686 : i32
    %add3A_688 = arith.constant 11 : i32
    %add3A_689 = arith.addi %mul3A_687, %add3A_688 : i32
    %convert_element_type3A_690 = arith.sitofp %add3A_689 : i32 to f32
    %lt3A_691 = arith.cmpf olt, %sub3A_685, %select_n3A_677 : vector<128x128xf32>
    %select_n3A_692 = arith.select %lt3A_691, %sub3A_685, %select_n3A_677 : vector<128x128xi1>, vector<128x128xf32>
    %broadcast_in_dim3A_693 = vector.broadcast %convert_element_type3A_690 : f32 to vector<128x128xf32>
    %select_n3A_694 = arith.select %lt3A_691, %broadcast_in_dim3A_693, %select_n3A_679 : vector<128x128xi1>, vector<128x128xf32>
    %slice3A_695 = vector.extract_strided_slice %select_n3A {offsets = [0, 1536], sizes = [1, 128], strides = [1, 1]} : vector<1x4096xf32> to vector<1x128xf32>
    %add3A_696 = vector.broadcast %slice3A_514 : vector<128x1xf32> to vector<128x128xf32>
    %add3A_697 = vector.broadcast %slice3A_695 : vector<1x128xf32> to vector<128x128xf32>
    %add3A_698 = arith.addf %add3A_696, %add3A_697 : vector<128x128xf32>
    %slice3A_699 = vector.extract_strided_slice %dot_general3A_14 {offsets = [128, 1536], sizes = [128, 128], strides = [1, 1]} : vector<512x4096xf32> to vector<128x128xf32>
    %sub3A_700 = arith.subf %add3A_698, %slice3A_699 : vector<128x128xf32>
    %mul3A_701 = arith.constant 32 : i32
    %mul3A_702 = arith.muli %arg1, %mul3A_701 : i32
    %add3A_703 = arith.constant 12 : i32
    %add3A_704 = arith.addi %mul3A_702, %add3A_703 : i32
    %convert_element_type3A_705 = arith.sitofp %add3A_704 : i32 to f32
    %lt3A_706 = arith.cmpf olt, %sub3A_700, %select_n3A_692 : vector<128x128xf32>
    %select_n3A_707 = arith.select %lt3A_706, %sub3A_700, %select_n3A_692 : vector<128x128xi1>, vector<128x128xf32>
    %broadcast_in_dim3A_708 = vector.broadcast %convert_element_type3A_705 : f32 to vector<128x128xf32>
    %select_n3A_709 = arith.select %lt3A_706, %broadcast_in_dim3A_708, %select_n3A_694 : vector<128x128xi1>, vector<128x128xf32>
    %slice3A_710 = vector.extract_strided_slice %select_n3A {offsets = [0, 1664], sizes = [1, 128], strides = [1, 1]} : vector<1x4096xf32> to vector<1x128xf32>
    %add3A_711 = vector.broadcast %slice3A_514 : vector<128x1xf32> to vector<128x128xf32>
    %add3A_712 = vector.broadcast %slice3A_710 : vector<1x128xf32> to vector<128x128xf32>
    %add3A_713 = arith.addf %add3A_711, %add3A_712 : vector<128x128xf32>
    %slice3A_714 = vector.extract_strided_slice %dot_general3A_14 {offsets = [128, 1664], sizes = [128, 128], strides = [1, 1]} : vector<512x4096xf32> to vector<128x128xf32>
    %sub3A_715 = arith.subf %add3A_713, %slice3A_714 : vector<128x128xf32>
    %mul3A_716 = arith.constant 32 : i32
    %mul3A_717 = arith.muli %arg1, %mul3A_716 : i32
    %add3A_718 = arith.constant 13 : i32
    %add3A_719 = arith.addi %mul3A_717, %add3A_718 : i32
    %convert_element_type3A_720 = arith.sitofp %add3A_719 : i32 to f32
    %lt3A_721 = arith.cmpf olt, %sub3A_715, %select_n3A_707 : vector<128x128xf32>
    %select_n3A_722 = arith.select %lt3A_721, %sub3A_715, %select_n3A_707 : vector<128x128xi1>, vector<128x128xf32>
    %broadcast_in_dim3A_723 = vector.broadcast %convert_element_type3A_720 : f32 to vector<128x128xf32>
    %select_n3A_724 = arith.select %lt3A_721, %broadcast_in_dim3A_723, %select_n3A_709 : vector<128x128xi1>, vector<128x128xf32>
    %slice3A_725 = vector.extract_strided_slice %select_n3A {offsets = [0, 1792], sizes = [1, 128], strides = [1, 1]} : vector<1x4096xf32> to vector<1x128xf32>
    %add3A_726 = vector.broadcast %slice3A_514 : vector<128x1xf32> to vector<128x128xf32>
    %add3A_727 = vector.broadcast %slice3A_725 : vector<1x128xf32> to vector<128x128xf32>
    %add3A_728 = arith.addf %add3A_726, %add3A_727 : vector<128x128xf32>
    %slice3A_729 = vector.extract_strided_slice %dot_general3A_14 {offsets = [128, 1792], sizes = [128, 128], strides = [1, 1]} : vector<512x4096xf32> to vector<128x128xf32>
    %sub3A_730 = arith.subf %add3A_728, %slice3A_729 : vector<128x128xf32>
    %mul3A_731 = arith.constant 32 : i32
    %mul3A_732 = arith.muli %arg1, %mul3A_731 : i32
    %add3A_733 = arith.constant 14 : i32
    %add3A_734 = arith.addi %mul3A_732, %add3A_733 : i32
    %convert_element_type3A_735 = arith.sitofp %add3A_734 : i32 to f32
    %lt3A_736 = arith.cmpf olt, %sub3A_730, %select_n3A_722 : vector<128x128xf32>
    %select_n3A_737 = arith.select %lt3A_736, %sub3A_730, %select_n3A_722 : vector<128x128xi1>, vector<128x128xf32>
    %broadcast_in_dim3A_738 = vector.broadcast %convert_element_type3A_735 : f32 to vector<128x128xf32>
    %select_n3A_739 = arith.select %lt3A_736, %broadcast_in_dim3A_738, %select_n3A_724 : vector<128x128xi1>, vector<128x128xf32>
    %slice3A_740 = vector.extract_strided_slice %select_n3A {offsets = [0, 1920], sizes = [1, 128], strides = [1, 1]} : vector<1x4096xf32> to vector<1x128xf32>
    %add3A_741 = vector.broadcast %slice3A_514 : vector<128x1xf32> to vector<128x128xf32>
    %add3A_742 = vector.broadcast %slice3A_740 : vector<1x128xf32> to vector<128x128xf32>
    %add3A_743 = arith.addf %add3A_741, %add3A_742 : vector<128x128xf32>
    %slice3A_744 = vector.extract_strided_slice %dot_general3A_14 {offsets = [128, 1920], sizes = [128, 128], strides = [1, 1]} : vector<512x4096xf32> to vector<128x128xf32>
    %sub3A_745 = arith.subf %add3A_743, %slice3A_744 : vector<128x128xf32>
    %mul3A_746 = arith.constant 32 : i32
    %mul3A_747 = arith.muli %arg1, %mul3A_746 : i32
    %add3A_748 = arith.constant 15 : i32
    %add3A_749 = arith.addi %mul3A_747, %add3A_748 : i32
    %convert_element_type3A_750 = arith.sitofp %add3A_749 : i32 to f32
    %lt3A_751 = arith.cmpf olt, %sub3A_745, %select_n3A_737 : vector<128x128xf32>
    %select_n3A_752 = arith.select %lt3A_751, %sub3A_745, %select_n3A_737 : vector<128x128xi1>, vector<128x128xf32>
    %broadcast_in_dim3A_753 = vector.broadcast %convert_element_type3A_750 : f32 to vector<128x128xf32>
    %select_n3A_754 = arith.select %lt3A_751, %broadcast_in_dim3A_753, %select_n3A_739 : vector<128x128xi1>, vector<128x128xf32>
    %slice3A_755 = vector.extract_strided_slice %select_n3A {offsets = [0, 2048], sizes = [1, 128], strides = [1, 1]} : vector<1x4096xf32> to vector<1x128xf32>
    %add3A_756 = vector.broadcast %slice3A_514 : vector<128x1xf32> to vector<128x128xf32>
    %add3A_757 = vector.broadcast %slice3A_755 : vector<1x128xf32> to vector<128x128xf32>
    %add3A_758 = arith.addf %add3A_756, %add3A_757 : vector<128x128xf32>
    %slice3A_759 = vector.extract_strided_slice %dot_general3A_14 {offsets = [128, 2048], sizes = [128, 128], strides = [1, 1]} : vector<512x4096xf32> to vector<128x128xf32>
    %sub3A_760 = arith.subf %add3A_758, %slice3A_759 : vector<128x128xf32>
    %mul3A_761 = arith.constant 32 : i32
    %mul3A_762 = arith.muli %arg1, %mul3A_761 : i32
    %add3A_763 = arith.constant 16 : i32
    %add3A_764 = arith.addi %mul3A_762, %add3A_763 : i32
    %convert_element_type3A_765 = arith.sitofp %add3A_764 : i32 to f32
    %lt3A_766 = arith.cmpf olt, %sub3A_760, %select_n3A_752 : vector<128x128xf32>
    %select_n3A_767 = arith.select %lt3A_766, %sub3A_760, %select_n3A_752 : vector<128x128xi1>, vector<128x128xf32>
    %broadcast_in_dim3A_768 = vector.broadcast %convert_element_type3A_765 : f32 to vector<128x128xf32>
    %select_n3A_769 = arith.select %lt3A_766, %broadcast_in_dim3A_768, %select_n3A_754 : vector<128x128xi1>, vector<128x128xf32>
    %slice3A_770 = vector.extract_strided_slice %select_n3A {offsets = [0, 2176], sizes = [1, 128], strides = [1, 1]} : vector<1x4096xf32> to vector<1x128xf32>
    %add3A_771 = vector.broadcast %slice3A_514 : vector<128x1xf32> to vector<128x128xf32>
    %add3A_772 = vector.broadcast %slice3A_770 : vector<1x128xf32> to vector<128x128xf32>
    %add3A_773 = arith.addf %add3A_771, %add3A_772 : vector<128x128xf32>
    %slice3A_774 = vector.extract_strided_slice %dot_general3A_14 {offsets = [128, 2176], sizes = [128, 128], strides = [1, 1]} : vector<512x4096xf32> to vector<128x128xf32>
    %sub3A_775 = arith.subf %add3A_773, %slice3A_774 : vector<128x128xf32>
    %mul3A_776 = arith.constant 32 : i32
    %mul3A_777 = arith.muli %arg1, %mul3A_776 : i32
    %add3A_778 = arith.constant 17 : i32
    %add3A_779 = arith.addi %mul3A_777, %add3A_778 : i32
    %convert_element_type3A_780 = arith.sitofp %add3A_779 : i32 to f32
    %lt3A_781 = arith.cmpf olt, %sub3A_775, %select_n3A_767 : vector<128x128xf32>
    %select_n3A_782 = arith.select %lt3A_781, %sub3A_775, %select_n3A_767 : vector<128x128xi1>, vector<128x128xf32>
    %broadcast_in_dim3A_783 = vector.broadcast %convert_element_type3A_780 : f32 to vector<128x128xf32>
    %select_n3A_784 = arith.select %lt3A_781, %broadcast_in_dim3A_783, %select_n3A_769 : vector<128x128xi1>, vector<128x128xf32>
    %slice3A_785 = vector.extract_strided_slice %select_n3A {offsets = [0, 2304], sizes = [1, 128], strides = [1, 1]} : vector<1x4096xf32> to vector<1x128xf32>
    %add3A_786 = vector.broadcast %slice3A_514 : vector<128x1xf32> to vector<128x128xf32>
    %add3A_787 = vector.broadcast %slice3A_785 : vector<1x128xf32> to vector<128x128xf32>
    %add3A_788 = arith.addf %add3A_786, %add3A_787 : vector<128x128xf32>
    %slice3A_789 = vector.extract_strided_slice %dot_general3A_14 {offsets = [128, 2304], sizes = [128, 128], strides = [1, 1]} : vector<512x4096xf32> to vector<128x128xf32>
    %sub3A_790 = arith.subf %add3A_788, %slice3A_789 : vector<128x128xf32>
    %mul3A_791 = arith.constant 32 : i32
    %mul3A_792 = arith.muli %arg1, %mul3A_791 : i32
    %add3A_793 = arith.constant 18 : i32
    %add3A_794 = arith.addi %mul3A_792, %add3A_793 : i32
    %convert_element_type3A_795 = arith.sitofp %add3A_794 : i32 to f32
    %lt3A_796 = arith.cmpf olt, %sub3A_790, %select_n3A_782 : vector<128x128xf32>
    %select_n3A_797 = arith.select %lt3A_796, %sub3A_790, %select_n3A_782 : vector<128x128xi1>, vector<128x128xf32>
    %broadcast_in_dim3A_798 = vector.broadcast %convert_element_type3A_795 : f32 to vector<128x128xf32>
    %select_n3A_799 = arith.select %lt3A_796, %broadcast_in_dim3A_798, %select_n3A_784 : vector<128x128xi1>, vector<128x128xf32>
    %slice3A_800 = vector.extract_strided_slice %select_n3A {offsets = [0, 2432], sizes = [1, 128], strides = [1, 1]} : vector<1x4096xf32> to vector<1x128xf32>
    %add3A_801 = vector.broadcast %slice3A_514 : vector<128x1xf32> to vector<128x128xf32>
    %add3A_802 = vector.broadcast %slice3A_800 : vector<1x128xf32> to vector<128x128xf32>
    %add3A_803 = arith.addf %add3A_801, %add3A_802 : vector<128x128xf32>
    %slice3A_804 = vector.extract_strided_slice %dot_general3A_14 {offsets = [128, 2432], sizes = [128, 128], strides = [1, 1]} : vector<512x4096xf32> to vector<128x128xf32>
    %sub3A_805 = arith.subf %add3A_803, %slice3A_804 : vector<128x128xf32>
    %mul3A_806 = arith.constant 32 : i32
    %mul3A_807 = arith.muli %arg1, %mul3A_806 : i32
    %add3A_808 = arith.constant 19 : i32
    %add3A_809 = arith.addi %mul3A_807, %add3A_808 : i32
    %convert_element_type3A_810 = arith.sitofp %add3A_809 : i32 to f32
    %lt3A_811 = arith.cmpf olt, %sub3A_805, %select_n3A_797 : vector<128x128xf32>
    %select_n3A_812 = arith.select %lt3A_811, %sub3A_805, %select_n3A_797 : vector<128x128xi1>, vector<128x128xf32>
    %broadcast_in_dim3A_813 = vector.broadcast %convert_element_type3A_810 : f32 to vector<128x128xf32>
    %select_n3A_814 = arith.select %lt3A_811, %broadcast_in_dim3A_813, %select_n3A_799 : vector<128x128xi1>, vector<128x128xf32>
    %slice3A_815 = vector.extract_strided_slice %select_n3A {offsets = [0, 2560], sizes = [1, 128], strides = [1, 1]} : vector<1x4096xf32> to vector<1x128xf32>
    %add3A_816 = vector.broadcast %slice3A_514 : vector<128x1xf32> to vector<128x128xf32>
    %add3A_817 = vector.broadcast %slice3A_815 : vector<1x128xf32> to vector<128x128xf32>
    %add3A_818 = arith.addf %add3A_816, %add3A_817 : vector<128x128xf32>
    %slice3A_819 = vector.extract_strided_slice %dot_general3A_14 {offsets = [128, 2560], sizes = [128, 128], strides = [1, 1]} : vector<512x4096xf32> to vector<128x128xf32>
    %sub3A_820 = arith.subf %add3A_818, %slice3A_819 : vector<128x128xf32>
    %mul3A_821 = arith.constant 32 : i32
    %mul3A_822 = arith.muli %arg1, %mul3A_821 : i32
    %add3A_823 = arith.constant 20 : i32
    %add3A_824 = arith.addi %mul3A_822, %add3A_823 : i32
    %convert_element_type3A_825 = arith.sitofp %add3A_824 : i32 to f32
    %lt3A_826 = arith.cmpf olt, %sub3A_820, %select_n3A_812 : vector<128x128xf32>
    %select_n3A_827 = arith.select %lt3A_826, %sub3A_820, %select_n3A_812 : vector<128x128xi1>, vector<128x128xf32>
    %broadcast_in_dim3A_828 = vector.broadcast %convert_element_type3A_825 : f32 to vector<128x128xf32>
    %select_n3A_829 = arith.select %lt3A_826, %broadcast_in_dim3A_828, %select_n3A_814 : vector<128x128xi1>, vector<128x128xf32>
    %slice3A_830 = vector.extract_strided_slice %select_n3A {offsets = [0, 2688], sizes = [1, 128], strides = [1, 1]} : vector<1x4096xf32> to vector<1x128xf32>
    %add3A_831 = vector.broadcast %slice3A_514 : vector<128x1xf32> to vector<128x128xf32>
    %add3A_832 = vector.broadcast %slice3A_830 : vector<1x128xf32> to vector<128x128xf32>
    %add3A_833 = arith.addf %add3A_831, %add3A_832 : vector<128x128xf32>
    %slice3A_834 = vector.extract_strided_slice %dot_general3A_14 {offsets = [128, 2688], sizes = [128, 128], strides = [1, 1]} : vector<512x4096xf32> to vector<128x128xf32>
    %sub3A_835 = arith.subf %add3A_833, %slice3A_834 : vector<128x128xf32>
    %mul3A_836 = arith.constant 32 : i32
    %mul3A_837 = arith.muli %arg1, %mul3A_836 : i32
    %add3A_838 = arith.constant 21 : i32
    %add3A_839 = arith.addi %mul3A_837, %add3A_838 : i32
    %convert_element_type3A_840 = arith.sitofp %add3A_839 : i32 to f32
    %lt3A_841 = arith.cmpf olt, %sub3A_835, %select_n3A_827 : vector<128x128xf32>
    %select_n3A_842 = arith.select %lt3A_841, %sub3A_835, %select_n3A_827 : vector<128x128xi1>, vector<128x128xf32>
    %broadcast_in_dim3A_843 = vector.broadcast %convert_element_type3A_840 : f32 to vector<128x128xf32>
    %select_n3A_844 = arith.select %lt3A_841, %broadcast_in_dim3A_843, %select_n3A_829 : vector<128x128xi1>, vector<128x128xf32>
    %slice3A_845 = vector.extract_strided_slice %select_n3A {offsets = [0, 2816], sizes = [1, 128], strides = [1, 1]} : vector<1x4096xf32> to vector<1x128xf32>
    %add3A_846 = vector.broadcast %slice3A_514 : vector<128x1xf32> to vector<128x128xf32>
    %add3A_847 = vector.broadcast %slice3A_845 : vector<1x128xf32> to vector<128x128xf32>
    %add3A_848 = arith.addf %add3A_846, %add3A_847 : vector<128x128xf32>
    %slice3A_849 = vector.extract_strided_slice %dot_general3A_14 {offsets = [128, 2816], sizes = [128, 128], strides = [1, 1]} : vector<512x4096xf32> to vector<128x128xf32>
    %sub3A_850 = arith.subf %add3A_848, %slice3A_849 : vector<128x128xf32>
    %mul3A_851 = arith.constant 32 : i32
    %mul3A_852 = arith.muli %arg1, %mul3A_851 : i32
    %add3A_853 = arith.constant 22 : i32
    %add3A_854 = arith.addi %mul3A_852, %add3A_853 : i32
    %convert_element_type3A_855 = arith.sitofp %add3A_854 : i32 to f32
    %lt3A_856 = arith.cmpf olt, %sub3A_850, %select_n3A_842 : vector<128x128xf32>
    %select_n3A_857 = arith.select %lt3A_856, %sub3A_850, %select_n3A_842 : vector<128x128xi1>, vector<128x128xf32>
    %broadcast_in_dim3A_858 = vector.broadcast %convert_element_type3A_855 : f32 to vector<128x128xf32>
    %select_n3A_859 = arith.select %lt3A_856, %broadcast_in_dim3A_858, %select_n3A_844 : vector<128x128xi1>, vector<128x128xf32>
    %slice3A_860 = vector.extract_strided_slice %select_n3A {offsets = [0, 2944], sizes = [1, 128], strides = [1, 1]} : vector<1x4096xf32> to vector<1x128xf32>
    %add3A_861 = vector.broadcast %slice3A_514 : vector<128x1xf32> to vector<128x128xf32>
    %add3A_862 = vector.broadcast %slice3A_860 : vector<1x128xf32> to vector<128x128xf32>
    %add3A_863 = arith.addf %add3A_861, %add3A_862 : vector<128x128xf32>
    %slice3A_864 = vector.extract_strided_slice %dot_general3A_14 {offsets = [128, 2944], sizes = [128, 128], strides = [1, 1]} : vector<512x4096xf32> to vector<128x128xf32>
    %sub3A_865 = arith.subf %add3A_863, %slice3A_864 : vector<128x128xf32>
    %mul3A_866 = arith.constant 32 : i32
    %mul3A_867 = arith.muli %arg1, %mul3A_866 : i32
    %add3A_868 = arith.constant 23 : i32
    %add3A_869 = arith.addi %mul3A_867, %add3A_868 : i32
    %convert_element_type3A_870 = arith.sitofp %add3A_869 : i32 to f32
    %lt3A_871 = arith.cmpf olt, %sub3A_865, %select_n3A_857 : vector<128x128xf32>
    %select_n3A_872 = arith.select %lt3A_871, %sub3A_865, %select_n3A_857 : vector<128x128xi1>, vector<128x128xf32>
    %broadcast_in_dim3A_873 = vector.broadcast %convert_element_type3A_870 : f32 to vector<128x128xf32>
    %select_n3A_874 = arith.select %lt3A_871, %broadcast_in_dim3A_873, %select_n3A_859 : vector<128x128xi1>, vector<128x128xf32>
    %slice3A_875 = vector.extract_strided_slice %select_n3A {offsets = [0, 3072], sizes = [1, 128], strides = [1, 1]} : vector<1x4096xf32> to vector<1x128xf32>
    %add3A_876 = vector.broadcast %slice3A_514 : vector<128x1xf32> to vector<128x128xf32>
    %add3A_877 = vector.broadcast %slice3A_875 : vector<1x128xf32> to vector<128x128xf32>
    %add3A_878 = arith.addf %add3A_876, %add3A_877 : vector<128x128xf32>
    %slice3A_879 = vector.extract_strided_slice %dot_general3A_14 {offsets = [128, 3072], sizes = [128, 128], strides = [1, 1]} : vector<512x4096xf32> to vector<128x128xf32>
    %sub3A_880 = arith.subf %add3A_878, %slice3A_879 : vector<128x128xf32>
    %mul3A_881 = arith.constant 32 : i32
    %mul3A_882 = arith.muli %arg1, %mul3A_881 : i32
    %add3A_883 = arith.constant 24 : i32
    %add3A_884 = arith.addi %mul3A_882, %add3A_883 : i32
    %convert_element_type3A_885 = arith.sitofp %add3A_884 : i32 to f32
    %lt3A_886 = arith.cmpf olt, %sub3A_880, %select_n3A_872 : vector<128x128xf32>
    %select_n3A_887 = arith.select %lt3A_886, %sub3A_880, %select_n3A_872 : vector<128x128xi1>, vector<128x128xf32>
    %broadcast_in_dim3A_888 = vector.broadcast %convert_element_type3A_885 : f32 to vector<128x128xf32>
    %select_n3A_889 = arith.select %lt3A_886, %broadcast_in_dim3A_888, %select_n3A_874 : vector<128x128xi1>, vector<128x128xf32>
    %slice3A_890 = vector.extract_strided_slice %select_n3A {offsets = [0, 3200], sizes = [1, 128], strides = [1, 1]} : vector<1x4096xf32> to vector<1x128xf32>
    %add3A_891 = vector.broadcast %slice3A_514 : vector<128x1xf32> to vector<128x128xf32>
    %add3A_892 = vector.broadcast %slice3A_890 : vector<1x128xf32> to vector<128x128xf32>
    %add3A_893 = arith.addf %add3A_891, %add3A_892 : vector<128x128xf32>
    %slice3A_894 = vector.extract_strided_slice %dot_general3A_14 {offsets = [128, 3200], sizes = [128, 128], strides = [1, 1]} : vector<512x4096xf32> to vector<128x128xf32>
    %sub3A_895 = arith.subf %add3A_893, %slice3A_894 : vector<128x128xf32>
    %mul3A_896 = arith.constant 32 : i32
    %mul3A_897 = arith.muli %arg1, %mul3A_896 : i32
    %add3A_898 = arith.constant 25 : i32
    %add3A_899 = arith.addi %mul3A_897, %add3A_898 : i32
    %convert_element_type3A_900 = arith.sitofp %add3A_899 : i32 to f32
    %lt3A_901 = arith.cmpf olt, %sub3A_895, %select_n3A_887 : vector<128x128xf32>
    %select_n3A_902 = arith.select %lt3A_901, %sub3A_895, %select_n3A_887 : vector<128x128xi1>, vector<128x128xf32>
    %broadcast_in_dim3A_903 = vector.broadcast %convert_element_type3A_900 : f32 to vector<128x128xf32>
    %select_n3A_904 = arith.select %lt3A_901, %broadcast_in_dim3A_903, %select_n3A_889 : vector<128x128xi1>, vector<128x128xf32>
    %slice3A_905 = vector.extract_strided_slice %select_n3A {offsets = [0, 3328], sizes = [1, 128], strides = [1, 1]} : vector<1x4096xf32> to vector<1x128xf32>
    %add3A_906 = vector.broadcast %slice3A_514 : vector<128x1xf32> to vector<128x128xf32>
    %add3A_907 = vector.broadcast %slice3A_905 : vector<1x128xf32> to vector<128x128xf32>
    %add3A_908 = arith.addf %add3A_906, %add3A_907 : vector<128x128xf32>
    %slice3A_909 = vector.extract_strided_slice %dot_general3A_14 {offsets = [128, 3328], sizes = [128, 128], strides = [1, 1]} : vector<512x4096xf32> to vector<128x128xf32>
    %sub3A_910 = arith.subf %add3A_908, %slice3A_909 : vector<128x128xf32>
    %mul3A_911 = arith.constant 32 : i32
    %mul3A_912 = arith.muli %arg1, %mul3A_911 : i32
    %add3A_913 = arith.constant 26 : i32
    %add3A_914 = arith.addi %mul3A_912, %add3A_913 : i32
    %convert_element_type3A_915 = arith.sitofp %add3A_914 : i32 to f32
    %lt3A_916 = arith.cmpf olt, %sub3A_910, %select_n3A_902 : vector<128x128xf32>
    %select_n3A_917 = arith.select %lt3A_916, %sub3A_910, %select_n3A_902 : vector<128x128xi1>, vector<128x128xf32>
    %broadcast_in_dim3A_918 = vector.broadcast %convert_element_type3A_915 : f32 to vector<128x128xf32>
    %select_n3A_919 = arith.select %lt3A_916, %broadcast_in_dim3A_918, %select_n3A_904 : vector<128x128xi1>, vector<128x128xf32>
    %slice3A_920 = vector.extract_strided_slice %select_n3A {offsets = [0, 3456], sizes = [1, 128], strides = [1, 1]} : vector<1x4096xf32> to vector<1x128xf32>
    %add3A_921 = vector.broadcast %slice3A_514 : vector<128x1xf32> to vector<128x128xf32>
    %add3A_922 = vector.broadcast %slice3A_920 : vector<1x128xf32> to vector<128x128xf32>
    %add3A_923 = arith.addf %add3A_921, %add3A_922 : vector<128x128xf32>
    %slice3A_924 = vector.extract_strided_slice %dot_general3A_14 {offsets = [128, 3456], sizes = [128, 128], strides = [1, 1]} : vector<512x4096xf32> to vector<128x128xf32>
    %sub3A_925 = arith.subf %add3A_923, %slice3A_924 : vector<128x128xf32>
    %mul3A_926 = arith.constant 32 : i32
    %mul3A_927 = arith.muli %arg1, %mul3A_926 : i32
    %add3A_928 = arith.constant 27 : i32
    %add3A_929 = arith.addi %mul3A_927, %add3A_928 : i32
    %convert_element_type3A_930 = arith.sitofp %add3A_929 : i32 to f32
    %lt3A_931 = arith.cmpf olt, %sub3A_925, %select_n3A_917 : vector<128x128xf32>
    %select_n3A_932 = arith.select %lt3A_931, %sub3A_925, %select_n3A_917 : vector<128x128xi1>, vector<128x128xf32>
    %broadcast_in_dim3A_933 = vector.broadcast %convert_element_type3A_930 : f32 to vector<128x128xf32>
    %select_n3A_934 = arith.select %lt3A_931, %broadcast_in_dim3A_933, %select_n3A_919 : vector<128x128xi1>, vector<128x128xf32>
    %slice3A_935 = vector.extract_strided_slice %select_n3A {offsets = [0, 3584], sizes = [1, 128], strides = [1, 1]} : vector<1x4096xf32> to vector<1x128xf32>
    %add3A_936 = vector.broadcast %slice3A_514 : vector<128x1xf32> to vector<128x128xf32>
    %add3A_937 = vector.broadcast %slice3A_935 : vector<1x128xf32> to vector<128x128xf32>
    %add3A_938 = arith.addf %add3A_936, %add3A_937 : vector<128x128xf32>
    %slice3A_939 = vector.extract_strided_slice %dot_general3A_14 {offsets = [128, 3584], sizes = [128, 128], strides = [1, 1]} : vector<512x4096xf32> to vector<128x128xf32>
    %sub3A_940 = arith.subf %add3A_938, %slice3A_939 : vector<128x128xf32>
    %mul3A_941 = arith.constant 32 : i32
    %mul3A_942 = arith.muli %arg1, %mul3A_941 : i32
    %add3A_943 = arith.constant 28 : i32
    %add3A_944 = arith.addi %mul3A_942, %add3A_943 : i32
    %convert_element_type3A_945 = arith.sitofp %add3A_944 : i32 to f32
    %lt3A_946 = arith.cmpf olt, %sub3A_940, %select_n3A_932 : vector<128x128xf32>
    %select_n3A_947 = arith.select %lt3A_946, %sub3A_940, %select_n3A_932 : vector<128x128xi1>, vector<128x128xf32>
    %broadcast_in_dim3A_948 = vector.broadcast %convert_element_type3A_945 : f32 to vector<128x128xf32>
    %select_n3A_949 = arith.select %lt3A_946, %broadcast_in_dim3A_948, %select_n3A_934 : vector<128x128xi1>, vector<128x128xf32>
    %slice3A_950 = vector.extract_strided_slice %select_n3A {offsets = [0, 3712], sizes = [1, 128], strides = [1, 1]} : vector<1x4096xf32> to vector<1x128xf32>
    %add3A_951 = vector.broadcast %slice3A_514 : vector<128x1xf32> to vector<128x128xf32>
    %add3A_952 = vector.broadcast %slice3A_950 : vector<1x128xf32> to vector<128x128xf32>
    %add3A_953 = arith.addf %add3A_951, %add3A_952 : vector<128x128xf32>
    %slice3A_954 = vector.extract_strided_slice %dot_general3A_14 {offsets = [128, 3712], sizes = [128, 128], strides = [1, 1]} : vector<512x4096xf32> to vector<128x128xf32>
    %sub3A_955 = arith.subf %add3A_953, %slice3A_954 : vector<128x128xf32>
    %mul3A_956 = arith.constant 32 : i32
    %mul3A_957 = arith.muli %arg1, %mul3A_956 : i32
    %add3A_958 = arith.constant 29 : i32
    %add3A_959 = arith.addi %mul3A_957, %add3A_958 : i32
    %convert_element_type3A_960 = arith.sitofp %add3A_959 : i32 to f32
    %lt3A_961 = arith.cmpf olt, %sub3A_955, %select_n3A_947 : vector<128x128xf32>
    %select_n3A_962 = arith.select %lt3A_961, %sub3A_955, %select_n3A_947 : vector<128x128xi1>, vector<128x128xf32>
    %broadcast_in_dim3A_963 = vector.broadcast %convert_element_type3A_960 : f32 to vector<128x128xf32>
    %select_n3A_964 = arith.select %lt3A_961, %broadcast_in_dim3A_963, %select_n3A_949 : vector<128x128xi1>, vector<128x128xf32>
    %slice3A_965 = vector.extract_strided_slice %select_n3A {offsets = [0, 3840], sizes = [1, 128], strides = [1, 1]} : vector<1x4096xf32> to vector<1x128xf32>
    %add3A_966 = vector.broadcast %slice3A_514 : vector<128x1xf32> to vector<128x128xf32>
    %add3A_967 = vector.broadcast %slice3A_965 : vector<1x128xf32> to vector<128x128xf32>
    %add3A_968 = arith.addf %add3A_966, %add3A_967 : vector<128x128xf32>
    %slice3A_969 = vector.extract_strided_slice %dot_general3A_14 {offsets = [128, 3840], sizes = [128, 128], strides = [1, 1]} : vector<512x4096xf32> to vector<128x128xf32>
    %sub3A_970 = arith.subf %add3A_968, %slice3A_969 : vector<128x128xf32>
    %mul3A_971 = arith.constant 32 : i32
    %mul3A_972 = arith.muli %arg1, %mul3A_971 : i32
    %add3A_973 = arith.constant 30 : i32
    %add3A_974 = arith.addi %mul3A_972, %add3A_973 : i32
    %convert_element_type3A_975 = arith.sitofp %add3A_974 : i32 to f32
    %lt3A_976 = arith.cmpf olt, %sub3A_970, %select_n3A_962 : vector<128x128xf32>
    %select_n3A_977 = arith.select %lt3A_976, %sub3A_970, %select_n3A_962 : vector<128x128xi1>, vector<128x128xf32>
    %broadcast_in_dim3A_978 = vector.broadcast %convert_element_type3A_975 : f32 to vector<128x128xf32>
    %select_n3A_979 = arith.select %lt3A_976, %broadcast_in_dim3A_978, %select_n3A_964 : vector<128x128xi1>, vector<128x128xf32>
    %slice3A_980 = vector.extract_strided_slice %select_n3A {offsets = [0, 3968], sizes = [1, 128], strides = [1, 1]} : vector<1x4096xf32> to vector<1x128xf32>
    %add3A_981 = vector.broadcast %slice3A_514 : vector<128x1xf32> to vector<128x128xf32>
    %add3A_982 = vector.broadcast %slice3A_980 : vector<1x128xf32> to vector<128x128xf32>
    %add3A_983 = arith.addf %add3A_981, %add3A_982 : vector<128x128xf32>
    %slice3A_984 = vector.extract_strided_slice %dot_general3A_14 {offsets = [128, 3968], sizes = [128, 128], strides = [1, 1]} : vector<512x4096xf32> to vector<128x128xf32>
    %sub3A_985 = arith.subf %add3A_983, %slice3A_984 : vector<128x128xf32>
    %mul3A_986 = arith.constant 32 : i32
    %mul3A_987 = arith.muli %arg1, %mul3A_986 : i32
    %add3A_988 = arith.constant 31 : i32
    %add3A_989 = arith.addi %mul3A_987, %add3A_988 : i32
    %convert_element_type3A_990 = arith.sitofp %add3A_989 : i32 to f32
    %lt3A_991 = arith.cmpf olt, %sub3A_985, %select_n3A_977 : vector<128x128xf32>
    %select_n3A_992 = arith.select %lt3A_991, %sub3A_985, %select_n3A_977 : vector<128x128xi1>, vector<128x128xf32>
    %broadcast_in_dim3A_993 = vector.broadcast %convert_element_type3A_990 : f32 to vector<128x128xf32>
    %select_n3A_994 = arith.select %lt3A_991, %broadcast_in_dim3A_993, %select_n3A_979 : vector<128x128xi1>, vector<128x128xf32>
    %swap3A_995 = arith.constant 128 : index
    %swap3A_996 = arith.constant 0 : index
    %swap3A_997 = vector.load %arg6[%swap3A_995, %swap3A_996] : memref<512x128xf32, #tpu.memory_space<vmem>>, vector<128x128xf32>
    tpu.vector_store %arg6[%swap3A_995, %swap3A_996], %select_n3A_992 {strides = array<i32>} : memref<512x128xf32, #tpu.memory_space<vmem>>, vector<128x128xf32>,
    %swap3A_998 = arith.constant 128 : index
    %swap3A_999 = arith.constant 0 : index
    %swap3A_1000 = vector.load %arg7[%swap3A_998, %swap3A_999] : memref<512x128xf32, #tpu.memory_space<vmem>>, vector<128x128xf32>
    tpu.vector_store %arg7[%swap3A_998, %swap3A_999], %select_n3A_994 {strides = array<i32>} : memref<512x128xf32, #tpu.memory_space<vmem>>, vector<128x128xf32>,
    %get3A_1001 = arith.constant 256 : index
    %get3A_1002 = arith.constant 0 : index
    %get3A_1003 = vector.load %arg6[%get3A_1001, %get3A_1002] : memref<512x128xf32, #tpu.memory_space<vmem>>, vector<128x128xf32>
    %get3A_1004 = arith.constant 256 : index
    %get3A_1005 = arith.constant 0 : index
    %get3A_1006 = vector.load %arg7[%get3A_1004, %get3A_1005] : memref<512x128xf32, #tpu.memory_space<vmem>>, vector<128x128xf32>
    %slice3A_1007 = vector.extract_strided_slice %get3A_17 {offsets = [256, 0], sizes = [128, 1], strides = [1, 1]} : vector<512x1xf32> to vector<128x1xf32>
    %slice3A_1008 = vector.extract_strided_slice %select_n3A {offsets = [0, 0], sizes = [1, 128], strides = [1, 1]} : vector<1x4096xf32> to vector<1x128xf32>
    %add3A_1009 = vector.broadcast %slice3A_1007 : vector<128x1xf32> to vector<128x128xf32>
    %add3A_1010 = vector.broadcast %slice3A_1008 : vector<1x128xf32> to vector<128x128xf32>
    %add3A_1011 = arith.addf %add3A_1009, %add3A_1010 : vector<128x128xf32>
    %slice3A_1012 = vector.extract_strided_slice %dot_general3A_14 {offsets = [256, 0], sizes = [128, 128], strides = [1, 1]} : vector<512x4096xf32> to vector<128x128xf32>
    %sub3A_1013 = arith.subf %add3A_1011, %slice3A_1012 : vector<128x128xf32>
    %mul3A_1014 = arith.constant 32 : i32
    %mul3A_1015 = arith.muli %arg1, %mul3A_1014 : i32
    %add3A_1016 = arith.constant 0 : i32
    %add3A_1017 = arith.addi %mul3A_1015, %add3A_1016 : i32
    %convert_element_type3A_1018 = arith.sitofp %add3A_1017 : i32 to f32
    %lt3A_1019 = arith.cmpf olt, %sub3A_1013, %get3A_1003 : vector<128x128xf32>
    %select_n3A_1020 = arith.select %lt3A_1019, %sub3A_1013, %get3A_1003 : vector<128x128xi1>, vector<128x128xf32>
    %broadcast_in_dim3A_1021 = vector.broadcast %convert_element_type3A_1018 : f32 to vector<128x128xf32>
    %select_n3A_1022 = arith.select %lt3A_1019, %broadcast_in_dim3A_1021, %get3A_1006 : vector<128x128xi1>, vector<128x128xf32>
    %slice3A_1023 = vector.extract_strided_slice %select_n3A {offsets = [0, 128], sizes = [1, 128], strides = [1, 1]} : vector<1x4096xf32> to vector<1x128xf32>
    %add3A_1024 = vector.broadcast %slice3A_1007 : vector<128x1xf32> to vector<128x128xf32>
    %add3A_1025 = vector.broadcast %slice3A_1023 : vector<1x128xf32> to vector<128x128xf32>
    %add3A_1026 = arith.addf %add3A_1024, %add3A_1025 : vector<128x128xf32>
    %slice3A_1027 = vector.extract_strided_slice %dot_general3A_14 {offsets = [256, 128], sizes = [128, 128], strides = [1, 1]} : vector<512x4096xf32> to vector<128x128xf32>
    %sub3A_1028 = arith.subf %add3A_1026, %slice3A_1027 : vector<128x128xf32>
    %mul3A_1029 = arith.constant 32 : i32
    %mul3A_1030 = arith.muli %arg1, %mul3A_1029 : i32
    %add3A_1031 = arith.constant 1 : i32
    %add3A_1032 = arith.addi %mul3A_1030, %add3A_1031 : i32
    %convert_element_type3A_1033 = arith.sitofp %add3A_1032 : i32 to f32
    %lt3A_1034 = arith.cmpf olt, %sub3A_1028, %select_n3A_1020 : vector<128x128xf32>
    %select_n3A_1035 = arith.select %lt3A_1034, %sub3A_1028, %select_n3A_1020 : vector<128x128xi1>, vector<128x128xf32>
    %broadcast_in_dim3A_1036 = vector.broadcast %convert_element_type3A_1033 : f32 to vector<128x128xf32>
    %select_n3A_1037 = arith.select %lt3A_1034, %broadcast_in_dim3A_1036, %select_n3A_1022 : vector<128x128xi1>, vector<128x128xf32>
    %slice3A_1038 = vector.extract_strided_slice %select_n3A {offsets = [0, 256], sizes = [1, 128], strides = [1, 1]} : vector<1x4096xf32> to vector<1x128xf32>
    %add3A_1039 = vector.broadcast %slice3A_1007 : vector<128x1xf32> to vector<128x128xf32>
    %add3A_1040 = vector.broadcast %slice3A_1038 : vector<1x128xf32> to vector<128x128xf32>
    %add3A_1041 = arith.addf %add3A_1039, %add3A_1040 : vector<128x128xf32>
    %slice3A_1042 = vector.extract_strided_slice %dot_general3A_14 {offsets = [256, 256], sizes = [128, 128], strides = [1, 1]} : vector<512x4096xf32> to vector<128x128xf32>
    %sub3A_1043 = arith.subf %add3A_1041, %slice3A_1042 : vector<128x128xf32>
    %mul3A_1044 = arith.constant 32 : i32
    %mul3A_1045 = arith.muli %arg1, %mul3A_1044 : i32
    %add3A_1046 = arith.constant 2 : i32
    %add3A_1047 = arith.addi %mul3A_1045, %add3A_1046 : i32
    %convert_element_type3A_1048 = arith.sitofp %add3A_1047 : i32 to f32
    %lt3A_1049 = arith.cmpf olt, %sub3A_1043, %select_n3A_1035 : vector<128x128xf32>
    %select_n3A_1050 = arith.select %lt3A_1049, %sub3A_1043, %select_n3A_1035 : vector<128x128xi1>, vector<128x128xf32>
    %broadcast_in_dim3A_1051 = vector.broadcast %convert_element_type3A_1048 : f32 to vector<128x128xf32>
    %select_n3A_1052 = arith.select %lt3A_1049, %broadcast_in_dim3A_1051, %select_n3A_1037 : vector<128x128xi1>, vector<128x128xf32>
    %slice3A_1053 = vector.extract_strided_slice %select_n3A {offsets = [0, 384], sizes = [1, 128], strides = [1, 1]} : vector<1x4096xf32> to vector<1x128xf32>
    %add3A_1054 = vector.broadcast %slice3A_1007 : vector<128x1xf32> to vector<128x128xf32>
    %add3A_1055 = vector.broadcast %slice3A_1053 : vector<1x128xf32> to vector<128x128xf32>
    %add3A_1056 = arith.addf %add3A_1054, %add3A_1055 : vector<128x128xf32>
    %slice3A_1057 = vector.extract_strided_slice %dot_general3A_14 {offsets = [256, 384], sizes = [128, 128], strides = [1, 1]} : vector<512x4096xf32> to vector<128x128xf32>
    %sub3A_1058 = arith.subf %add3A_1056, %slice3A_1057 : vector<128x128xf32>
    %mul3A_1059 = arith.constant 32 : i32
    %mul3A_1060 = arith.muli %arg1, %mul3A_1059 : i32
    %add3A_1061 = arith.constant 3 : i32
    %add3A_1062 = arith.addi %mul3A_1060, %add3A_1061 : i32
    %convert_element_type3A_1063 = arith.sitofp %add3A_1062 : i32 to f32
    %lt3A_1064 = arith.cmpf olt, %sub3A_1058, %select_n3A_1050 : vector<128x128xf32>
    %select_n3A_1065 = arith.select %lt3A_1064, %sub3A_1058, %select_n3A_1050 : vector<128x128xi1>, vector<128x128xf32>
    %broadcast_in_dim3A_1066 = vector.broadcast %convert_element_type3A_1063 : f32 to vector<128x128xf32>
    %select_n3A_1067 = arith.select %lt3A_1064, %broadcast_in_dim3A_1066, %select_n3A_1052 : vector<128x128xi1>, vector<128x128xf32>
    %slice3A_1068 = vector.extract_strided_slice %select_n3A {offsets = [0, 512], sizes = [1, 128], strides = [1, 1]} : vector<1x4096xf32> to vector<1x128xf32>
    %add3A_1069 = vector.broadcast %slice3A_1007 : vector<128x1xf32> to vector<128x128xf32>
    %add3A_1070 = vector.broadcast %slice3A_1068 : vector<1x128xf32> to vector<128x128xf32>
    %add3A_1071 = arith.addf %add3A_1069, %add3A_1070 : vector<128x128xf32>
    %slice3A_1072 = vector.extract_strided_slice %dot_general3A_14 {offsets = [256, 512], sizes = [128, 128], strides = [1, 1]} : vector<512x4096xf32> to vector<128x128xf32>
    %sub3A_1073 = arith.subf %add3A_1071, %slice3A_1072 : vector<128x128xf32>
    %mul3A_1074 = arith.constant 32 : i32
    %mul3A_1075 = arith.muli %arg1, %mul3A_1074 : i32
    %add3A_1076 = arith.constant 4 : i32
    %add3A_1077 = arith.addi %mul3A_1075, %add3A_1076 : i32
    %convert_element_type3A_1078 = arith.sitofp %add3A_1077 : i32 to f32
    %lt3A_1079 = arith.cmpf olt, %sub3A_1073, %select_n3A_1065 : vector<128x128xf32>
    %select_n3A_1080 = arith.select %lt3A_1079, %sub3A_1073, %select_n3A_1065 : vector<128x128xi1>, vector<128x128xf32>
    %broadcast_in_dim3A_1081 = vector.broadcast %convert_element_type3A_1078 : f32 to vector<128x128xf32>
    %select_n3A_1082 = arith.select %lt3A_1079, %broadcast_in_dim3A_1081, %select_n3A_1067 : vector<128x128xi1>, vector<128x128xf32>
    %slice3A_1083 = vector.extract_strided_slice %select_n3A {offsets = [0, 640], sizes = [1, 128], strides = [1, 1]} : vector<1x4096xf32> to vector<1x128xf32>
    %add3A_1084 = vector.broadcast %slice3A_1007 : vector<128x1xf32> to vector<128x128xf32>
    %add3A_1085 = vector.broadcast %slice3A_1083 : vector<1x128xf32> to vector<128x128xf32>
    %add3A_1086 = arith.addf %add3A_1084, %add3A_1085 : vector<128x128xf32>
    %slice3A_1087 = vector.extract_strided_slice %dot_general3A_14 {offsets = [256, 640], sizes = [128, 128], strides = [1, 1]} : vector<512x4096xf32> to vector<128x128xf32>
    %sub3A_1088 = arith.subf %add3A_1086, %slice3A_1087 : vector<128x128xf32>
    %mul3A_1089 = arith.constant 32 : i32
    %mul3A_1090 = arith.muli %arg1, %mul3A_1089 : i32
    %add3A_1091 = arith.constant 5 : i32
    %add3A_1092 = arith.addi %mul3A_1090, %add3A_1091 : i32
    %convert_element_type3A_1093 = arith.sitofp %add3A_1092 : i32 to f32
    %lt3A_1094 = arith.cmpf olt, %sub3A_1088, %select_n3A_1080 : vector<128x128xf32>
    %select_n3A_1095 = arith.select %lt3A_1094, %sub3A_1088, %select_n3A_1080 : vector<128x128xi1>, vector<128x128xf32>
    %broadcast_in_dim3A_1096 = vector.broadcast %convert_element_type3A_1093 : f32 to vector<128x128xf32>
    %select_n3A_1097 = arith.select %lt3A_1094, %broadcast_in_dim3A_1096, %select_n3A_1082 : vector<128x128xi1>, vector<128x128xf32>
    %slice3A_1098 = vector.extract_strided_slice %select_n3A {offsets = [0, 768], sizes = [1, 128], strides = [1, 1]} : vector<1x4096xf32> to vector<1x128xf32>
    %add3A_1099 = vector.broadcast %slice3A_1007 : vector<128x1xf32> to vector<128x128xf32>
    %add3A_1100 = vector.broadcast %slice3A_1098 : vector<1x128xf32> to vector<128x128xf32>
    %add3A_1101 = arith.addf %add3A_1099, %add3A_1100 : vector<128x128xf32>
    %slice3A_1102 = vector.extract_strided_slice %dot_general3A_14 {offsets = [256, 768], sizes = [128, 128], strides = [1, 1]} : vector<512x4096xf32> to vector<128x128xf32>
    %sub3A_1103 = arith.subf %add3A_1101, %slice3A_1102 : vector<128x128xf32>
    %mul3A_1104 = arith.constant 32 : i32
    %mul3A_1105 = arith.muli %arg1, %mul3A_1104 : i32
    %add3A_1106 = arith.constant 6 : i32
    %add3A_1107 = arith.addi %mul3A_1105, %add3A_1106 : i32
    %convert_element_type3A_1108 = arith.sitofp %add3A_1107 : i32 to f32
    %lt3A_1109 = arith.cmpf olt, %sub3A_1103, %select_n3A_1095 : vector<128x128xf32>
    %select_n3A_1110 = arith.select %lt3A_1109, %sub3A_1103, %select_n3A_1095 : vector<128x128xi1>, vector<128x128xf32>
    %broadcast_in_dim3A_1111 = vector.broadcast %convert_element_type3A_1108 : f32 to vector<128x128xf32>
    %select_n3A_1112 = arith.select %lt3A_1109, %broadcast_in_dim3A_1111, %select_n3A_1097 : vector<128x128xi1>, vector<128x128xf32>
    %slice3A_1113 = vector.extract_strided_slice %select_n3A {offsets = [0, 896], sizes = [1, 128], strides = [1, 1]} : vector<1x4096xf32> to vector<1x128xf32>
    %add3A_1114 = vector.broadcast %slice3A_1007 : vector<128x1xf32> to vector<128x128xf32>
    %add3A_1115 = vector.broadcast %slice3A_1113 : vector<1x128xf32> to vector<128x128xf32>
    %add3A_1116 = arith.addf %add3A_1114, %add3A_1115 : vector<128x128xf32>
    %slice3A_1117 = vector.extract_strided_slice %dot_general3A_14 {offsets = [256, 896], sizes = [128, 128], strides = [1, 1]} : vector<512x4096xf32> to vector<128x128xf32>
    %sub3A_1118 = arith.subf %add3A_1116, %slice3A_1117 : vector<128x128xf32>
    %mul3A_1119 = arith.constant 32 : i32
    %mul3A_1120 = arith.muli %arg1, %mul3A_1119 : i32
    %add3A_1121 = arith.constant 7 : i32
    %add3A_1122 = arith.addi %mul3A_1120, %add3A_1121 : i32
    %convert_element_type3A_1123 = arith.sitofp %add3A_1122 : i32 to f32
    %lt3A_1124 = arith.cmpf olt, %sub3A_1118, %select_n3A_1110 : vector<128x128xf32>
    %select_n3A_1125 = arith.select %lt3A_1124, %sub3A_1118, %select_n3A_1110 : vector<128x128xi1>, vector<128x128xf32>
    %broadcast_in_dim3A_1126 = vector.broadcast %convert_element_type3A_1123 : f32 to vector<128x128xf32>
    %select_n3A_1127 = arith.select %lt3A_1124, %broadcast_in_dim3A_1126, %select_n3A_1112 : vector<128x128xi1>, vector<128x128xf32>
    %slice3A_1128 = vector.extract_strided_slice %select_n3A {offsets = [0, 1024], sizes = [1, 128], strides = [1, 1]} : vector<1x4096xf32> to vector<1x128xf32>
    %add3A_1129 = vector.broadcast %slice3A_1007 : vector<128x1xf32> to vector<128x128xf32>
    %add3A_1130 = vector.broadcast %slice3A_1128 : vector<1x128xf32> to vector<128x128xf32>
    %add3A_1131 = arith.addf %add3A_1129, %add3A_1130 : vector<128x128xf32>
    %slice3A_1132 = vector.extract_strided_slice %dot_general3A_14 {offsets = [256, 1024], sizes = [128, 128], strides = [1, 1]} : vector<512x4096xf32> to vector<128x128xf32>
    %sub3A_1133 = arith.subf %add3A_1131, %slice3A_1132 : vector<128x128xf32>
    %mul3A_1134 = arith.constant 32 : i32
    %mul3A_1135 = arith.muli %arg1, %mul3A_1134 : i32
    %add3A_1136 = arith.constant 8 : i32
    %add3A_1137 = arith.addi %mul3A_1135, %add3A_1136 : i32
    %convert_element_type3A_1138 = arith.sitofp %add3A_1137 : i32 to f32
    %lt3A_1139 = arith.cmpf olt, %sub3A_1133, %select_n3A_1125 : vector<128x128xf32>
    %select_n3A_1140 = arith.select %lt3A_1139, %sub3A_1133, %select_n3A_1125 : vector<128x128xi1>, vector<128x128xf32>
    %broadcast_in_dim3A_1141 = vector.broadcast %convert_element_type3A_1138 : f32 to vector<128x128xf32>
    %select_n3A_1142 = arith.select %lt3A_1139, %broadcast_in_dim3A_1141, %select_n3A_1127 : vector<128x128xi1>, vector<128x128xf32>
    %slice3A_1143 = vector.extract_strided_slice %select_n3A {offsets = [0, 1152], sizes = [1, 128], strides = [1, 1]} : vector<1x4096xf32> to vector<1x128xf32>
    %add3A_1144 = vector.broadcast %slice3A_1007 : vector<128x1xf32> to vector<128x128xf32>
    %add3A_1145 = vector.broadcast %slice3A_1143 : vector<1x128xf32> to vector<128x128xf32>
    %add3A_1146 = arith.addf %add3A_1144, %add3A_1145 : vector<128x128xf32>
    %slice3A_1147 = vector.extract_strided_slice %dot_general3A_14 {offsets = [256, 1152], sizes = [128, 128], strides = [1, 1]} : vector<512x4096xf32> to vector<128x128xf32>
    %sub3A_1148 = arith.subf %add3A_1146, %slice3A_1147 : vector<128x128xf32>
    %mul3A_1149 = arith.constant 32 : i32
    %mul3A_1150 = arith.muli %arg1, %mul3A_1149 : i32
    %add3A_1151 = arith.constant 9 : i32
    %add3A_1152 = arith.addi %mul3A_1150, %add3A_1151 : i32
    %convert_element_type3A_1153 = arith.sitofp %add3A_1152 : i32 to f32
    %lt3A_1154 = arith.cmpf olt, %sub3A_1148, %select_n3A_1140 : vector<128x128xf32>
    %select_n3A_1155 = arith.select %lt3A_1154, %sub3A_1148, %select_n3A_1140 : vector<128x128xi1>, vector<128x128xf32>
    %broadcast_in_dim3A_1156 = vector.broadcast %convert_element_type3A_1153 : f32 to vector<128x128xf32>
    %select_n3A_1157 = arith.select %lt3A_1154, %broadcast_in_dim3A_1156, %select_n3A_1142 : vector<128x128xi1>, vector<128x128xf32>
    %slice3A_1158 = vector.extract_strided_slice %select_n3A {offsets = [0, 1280], sizes = [1, 128], strides = [1, 1]} : vector<1x4096xf32> to vector<1x128xf32>
    %add3A_1159 = vector.broadcast %slice3A_1007 : vector<128x1xf32> to vector<128x128xf32>
    %add3A_1160 = vector.broadcast %slice3A_1158 : vector<1x128xf32> to vector<128x128xf32>
    %add3A_1161 = arith.addf %add3A_1159, %add3A_1160 : vector<128x128xf32>
    %slice3A_1162 = vector.extract_strided_slice %dot_general3A_14 {offsets = [256, 1280], sizes = [128, 128], strides = [1, 1]} : vector<512x4096xf32> to vector<128x128xf32>
    %sub3A_1163 = arith.subf %add3A_1161, %slice3A_1162 : vector<128x128xf32>
    %mul3A_1164 = arith.constant 32 : i32
    %mul3A_1165 = arith.muli %arg1, %mul3A_1164 : i32
    %add3A_1166 = arith.constant 10 : i32
    %add3A_1167 = arith.addi %mul3A_1165, %add3A_1166 : i32
    %convert_element_type3A_1168 = arith.sitofp %add3A_1167 : i32 to f32
    %lt3A_1169 = arith.cmpf olt, %sub3A_1163, %select_n3A_1155 : vector<128x128xf32>
    %select_n3A_1170 = arith.select %lt3A_1169, %sub3A_1163, %select_n3A_1155 : vector<128x128xi1>, vector<128x128xf32>
    %broadcast_in_dim3A_1171 = vector.broadcast %convert_element_type3A_1168 : f32 to vector<128x128xf32>
    %select_n3A_1172 = arith.select %lt3A_1169, %broadcast_in_dim3A_1171, %select_n3A_1157 : vector<128x128xi1>, vector<128x128xf32>
    %slice3A_1173 = vector.extract_strided_slice %select_n3A {offsets = [0, 1408], sizes = [1, 128], strides = [1, 1]} : vector<1x4096xf32> to vector<1x128xf32>
    %add3A_1174 = vector.broadcast %slice3A_1007 : vector<128x1xf32> to vector<128x128xf32>
    %add3A_1175 = vector.broadcast %slice3A_1173 : vector<1x128xf32> to vector<128x128xf32>
    %add3A_1176 = arith.addf %add3A_1174, %add3A_1175 : vector<128x128xf32>
    %slice3A_1177 = vector.extract_strided_slice %dot_general3A_14 {offsets = [256, 1408], sizes = [128, 128], strides = [1, 1]} : vector<512x4096xf32> to vector<128x128xf32>
    %sub3A_1178 = arith.subf %add3A_1176, %slice3A_1177 : vector<128x128xf32>
    %mul3A_1179 = arith.constant 32 : i32
    %mul3A_1180 = arith.muli %arg1, %mul3A_1179 : i32
    %add3A_1181 = arith.constant 11 : i32
    %add3A_1182 = arith.addi %mul3A_1180, %add3A_1181 : i32
    %convert_element_type3A_1183 = arith.sitofp %add3A_1182 : i32 to f32
    %lt3A_1184 = arith.cmpf olt, %sub3A_1178, %select_n3A_1170 : vector<128x128xf32>
    %select_n3A_1185 = arith.select %lt3A_1184, %sub3A_1178, %select_n3A_1170 : vector<128x128xi1>, vector<128x128xf32>
    %broadcast_in_dim3A_1186 = vector.broadcast %convert_element_type3A_1183 : f32 to vector<128x128xf32>
    %select_n3A_1187 = arith.select %lt3A_1184, %broadcast_in_dim3A_1186, %select_n3A_1172 : vector<128x128xi1>, vector<128x128xf32>
    %slice3A_1188 = vector.extract_strided_slice %select_n3A {offsets = [0, 1536], sizes = [1, 128], strides = [1, 1]} : vector<1x4096xf32> to vector<1x128xf32>
    %add3A_1189 = vector.broadcast %slice3A_1007 : vector<128x1xf32> to vector<128x128xf32>
    %add3A_1190 = vector.broadcast %slice3A_1188 : vector<1x128xf32> to vector<128x128xf32>
    %add3A_1191 = arith.addf %add3A_1189, %add3A_1190 : vector<128x128xf32>
    %slice3A_1192 = vector.extract_strided_slice %dot_general3A_14 {offsets = [256, 1536], sizes = [128, 128], strides = [1, 1]} : vector<512x4096xf32> to vector<128x128xf32>
    %sub3A_1193 = arith.subf %add3A_1191, %slice3A_1192 : vector<128x128xf32>
    %mul3A_1194 = arith.constant 32 : i32
    %mul3A_1195 = arith.muli %arg1, %mul3A_1194 : i32
    %add3A_1196 = arith.constant 12 : i32
    %add3A_1197 = arith.addi %mul3A_1195, %add3A_1196 : i32
    %convert_element_type3A_1198 = arith.sitofp %add3A_1197 : i32 to f32
    %lt3A_1199 = arith.cmpf olt, %sub3A_1193, %select_n3A_1185 : vector<128x128xf32>
    %select_n3A_1200 = arith.select %lt3A_1199, %sub3A_1193, %select_n3A_1185 : vector<128x128xi1>, vector<128x128xf32>
    %broadcast_in_dim3A_1201 = vector.broadcast %convert_element_type3A_1198 : f32 to vector<128x128xf32>
    %select_n3A_1202 = arith.select %lt3A_1199, %broadcast_in_dim3A_1201, %select_n3A_1187 : vector<128x128xi1>, vector<128x128xf32>
    %slice3A_1203 = vector.extract_strided_slice %select_n3A {offsets = [0, 1664], sizes = [1, 128], strides = [1, 1]} : vector<1x4096xf32> to vector<1x128xf32>
    %add3A_1204 = vector.broadcast %slice3A_1007 : vector<128x1xf32> to vector<128x128xf32>
    %add3A_1205 = vector.broadcast %slice3A_1203 : vector<1x128xf32> to vector<128x128xf32>
    %add3A_1206 = arith.addf %add3A_1204, %add3A_1205 : vector<128x128xf32>
    %slice3A_1207 = vector.extract_strided_slice %dot_general3A_14 {offsets = [256, 1664], sizes = [128, 128], strides = [1, 1]} : vector<512x4096xf32> to vector<128x128xf32>
    %sub3A_1208 = arith.subf %add3A_1206, %slice3A_1207 : vector<128x128xf32>
    %mul3A_1209 = arith.constant 32 : i32
    %mul3A_1210 = arith.muli %arg1, %mul3A_1209 : i32
    %add3A_1211 = arith.constant 13 : i32
    %add3A_1212 = arith.addi %mul3A_1210, %add3A_1211 : i32
    %convert_element_type3A_1213 = arith.sitofp %add3A_1212 : i32 to f32
    %lt3A_1214 = arith.cmpf olt, %sub3A_1208, %select_n3A_1200 : vector<128x128xf32>
    %select_n3A_1215 = arith.select %lt3A_1214, %sub3A_1208, %select_n3A_1200 : vector<128x128xi1>, vector<128x128xf32>
    %broadcast_in_dim3A_1216 = vector.broadcast %convert_element_type3A_1213 : f32 to vector<128x128xf32>
    %select_n3A_1217 = arith.select %lt3A_1214, %broadcast_in_dim3A_1216, %select_n3A_1202 : vector<128x128xi1>, vector<128x128xf32>
    %slice3A_1218 = vector.extract_strided_slice %select_n3A {offsets = [0, 1792], sizes = [1, 128], strides = [1, 1]} : vector<1x4096xf32> to vector<1x128xf32>
    %add3A_1219 = vector.broadcast %slice3A_1007 : vector<128x1xf32> to vector<128x128xf32>
    %add3A_1220 = vector.broadcast %slice3A_1218 : vector<1x128xf32> to vector<128x128xf32>
    %add3A_1221 = arith.addf %add3A_1219, %add3A_1220 : vector<128x128xf32>
    %slice3A_1222 = vector.extract_strided_slice %dot_general3A_14 {offsets = [256, 1792], sizes = [128, 128], strides = [1, 1]} : vector<512x4096xf32> to vector<128x128xf32>
    %sub3A_1223 = arith.subf %add3A_1221, %slice3A_1222 : vector<128x128xf32>
    %mul3A_1224 = arith.constant 32 : i32
    %mul3A_1225 = arith.muli %arg1, %mul3A_1224 : i32
    %add3A_1226 = arith.constant 14 : i32
    %add3A_1227 = arith.addi %mul3A_1225, %add3A_1226 : i32
    %convert_element_type3A_1228 = arith.sitofp %add3A_1227 : i32 to f32
    %lt3A_1229 = arith.cmpf olt, %sub3A_1223, %select_n3A_1215 : vector<128x128xf32>
    %select_n3A_1230 = arith.select %lt3A_1229, %sub3A_1223, %select_n3A_1215 : vector<128x128xi1>, vector<128x128xf32>
    %broadcast_in_dim3A_1231 = vector.broadcast %convert_element_type3A_1228 : f32 to vector<128x128xf32>
    %select_n3A_1232 = arith.select %lt3A_1229, %broadcast_in_dim3A_1231, %select_n3A_1217 : vector<128x128xi1>, vector<128x128xf32>
    %slice3A_1233 = vector.extract_strided_slice %select_n3A {offsets = [0, 1920], sizes = [1, 128], strides = [1, 1]} : vector<1x4096xf32> to vector<1x128xf32>
    %add3A_1234 = vector.broadcast %slice3A_1007 : vector<128x1xf32> to vector<128x128xf32>
    %add3A_1235 = vector.broadcast %slice3A_1233 : vector<1x128xf32> to vector<128x128xf32>
    %add3A_1236 = arith.addf %add3A_1234, %add3A_1235 : vector<128x128xf32>
    %slice3A_1237 = vector.extract_strided_slice %dot_general3A_14 {offsets = [256, 1920], sizes = [128, 128], strides = [1, 1]} : vector<512x4096xf32> to vector<128x128xf32>
    %sub3A_1238 = arith.subf %add3A_1236, %slice3A_1237 : vector<128x128xf32>
    %mul3A_1239 = arith.constant 32 : i32
    %mul3A_1240 = arith.muli %arg1, %mul3A_1239 : i32
    %add3A_1241 = arith.constant 15 : i32
    %add3A_1242 = arith.addi %mul3A_1240, %add3A_1241 : i32
    %convert_element_type3A_1243 = arith.sitofp %add3A_1242 : i32 to f32
    %lt3A_1244 = arith.cmpf olt, %sub3A_1238, %select_n3A_1230 : vector<128x128xf32>
    %select_n3A_1245 = arith.select %lt3A_1244, %sub3A_1238, %select_n3A_1230 : vector<128x128xi1>, vector<128x128xf32>
    %broadcast_in_dim3A_1246 = vector.broadcast %convert_element_type3A_1243 : f32 to vector<128x128xf32>
    %select_n3A_1247 = arith.select %lt3A_1244, %broadcast_in_dim3A_1246, %select_n3A_1232 : vector<128x128xi1>, vector<128x128xf32>
    %slice3A_1248 = vector.extract_strided_slice %select_n3A {offsets = [0, 2048], sizes = [1, 128], strides = [1, 1]} : vector<1x4096xf32> to vector<1x128xf32>
    %add3A_1249 = vector.broadcast %slice3A_1007 : vector<128x1xf32> to vector<128x128xf32>
    %add3A_1250 = vector.broadcast %slice3A_1248 : vector<1x128xf32> to vector<128x128xf32>
    %add3A_1251 = arith.addf %add3A_1249, %add3A_1250 : vector<128x128xf32>
    %slice3A_1252 = vector.extract_strided_slice %dot_general3A_14 {offsets = [256, 2048], sizes = [128, 128], strides = [1, 1]} : vector<512x4096xf32> to vector<128x128xf32>
    %sub3A_1253 = arith.subf %add3A_1251, %slice3A_1252 : vector<128x128xf32>
    %mul3A_1254 = arith.constant 32 : i32
    %mul3A_1255 = arith.muli %arg1, %mul3A_1254 : i32
    %add3A_1256 = arith.constant 16 : i32
    %add3A_1257 = arith.addi %mul3A_1255, %add3A_1256 : i32
    %convert_element_type3A_1258 = arith.sitofp %add3A_1257 : i32 to f32
    %lt3A_1259 = arith.cmpf olt, %sub3A_1253, %select_n3A_1245 : vector<128x128xf32>
    %select_n3A_1260 = arith.select %lt3A_1259, %sub3A_1253, %select_n3A_1245 : vector<128x128xi1>, vector<128x128xf32>
    %broadcast_in_dim3A_1261 = vector.broadcast %convert_element_type3A_1258 : f32 to vector<128x128xf32>
    %select_n3A_1262 = arith.select %lt3A_1259, %broadcast_in_dim3A_1261, %select_n3A_1247 : vector<128x128xi1>, vector<128x128xf32>
    %slice3A_1263 = vector.extract_strided_slice %select_n3A {offsets = [0, 2176], sizes = [1, 128], strides = [1, 1]} : vector<1x4096xf32> to vector<1x128xf32>
    %add3A_1264 = vector.broadcast %slice3A_1007 : vector<128x1xf32> to vector<128x128xf32>
    %add3A_1265 = vector.broadcast %slice3A_1263 : vector<1x128xf32> to vector<128x128xf32>
    %add3A_1266 = arith.addf %add3A_1264, %add3A_1265 : vector<128x128xf32>
    %slice3A_1267 = vector.extract_strided_slice %dot_general3A_14 {offsets = [256, 2176], sizes = [128, 128], strides = [1, 1]} : vector<512x4096xf32> to vector<128x128xf32>
    %sub3A_1268 = arith.subf %add3A_1266, %slice3A_1267 : vector<128x128xf32>
    %mul3A_1269 = arith.constant 32 : i32
    %mul3A_1270 = arith.muli %arg1, %mul3A_1269 : i32
    %add3A_1271 = arith.constant 17 : i32
    %add3A_1272 = arith.addi %mul3A_1270, %add3A_1271 : i32
    %convert_element_type3A_1273 = arith.sitofp %add3A_1272 : i32 to f32
    %lt3A_1274 = arith.cmpf olt, %sub3A_1268, %select_n3A_1260 : vector<128x128xf32>
    %select_n3A_1275 = arith.select %lt3A_1274, %sub3A_1268, %select_n3A_1260 : vector<128x128xi1>, vector<128x128xf32>
    %broadcast_in_dim3A_1276 = vector.broadcast %convert_element_type3A_1273 : f32 to vector<128x128xf32>
    %select_n3A_1277 = arith.select %lt3A_1274, %broadcast_in_dim3A_1276, %select_n3A_1262 : vector<128x128xi1>, vector<128x128xf32>
    %slice3A_1278 = vector.extract_strided_slice %select_n3A {offsets = [0, 2304], sizes = [1, 128], strides = [1, 1]} : vector<1x4096xf32> to vector<1x128xf32>
    %add3A_1279 = vector.broadcast %slice3A_1007 : vector<128x1xf32> to vector<128x128xf32>
    %add3A_1280 = vector.broadcast %slice3A_1278 : vector<1x128xf32> to vector<128x128xf32>
    %add3A_1281 = arith.addf %add3A_1279, %add3A_1280 : vector<128x128xf32>
    %slice3A_1282 = vector.extract_strided_slice %dot_general3A_14 {offsets = [256, 2304], sizes = [128, 128], strides = [1, 1]} : vector<512x4096xf32> to vector<128x128xf32>
    %sub3A_1283 = arith.subf %add3A_1281, %slice3A_1282 : vector<128x128xf32>
    %mul3A_1284 = arith.constant 32 : i32
    %mul3A_1285 = arith.muli %arg1, %mul3A_1284 : i32
    %add3A_1286 = arith.constant 18 : i32
    %add3A_1287 = arith.addi %mul3A_1285, %add3A_1286 : i32
    %convert_element_type3A_1288 = arith.sitofp %add3A_1287 : i32 to f32
    %lt3A_1289 = arith.cmpf olt, %sub3A_1283, %select_n3A_1275 : vector<128x128xf32>
    %select_n3A_1290 = arith.select %lt3A_1289, %sub3A_1283, %select_n3A_1275 : vector<128x128xi1>, vector<128x128xf32>
    %broadcast_in_dim3A_1291 = vector.broadcast %convert_element_type3A_1288 : f32 to vector<128x128xf32>
    %select_n3A_1292 = arith.select %lt3A_1289, %broadcast_in_dim3A_1291, %select_n3A_1277 : vector<128x128xi1>, vector<128x128xf32>
    %slice3A_1293 = vector.extract_strided_slice %select_n3A {offsets = [0, 2432], sizes = [1, 128], strides = [1, 1]} : vector<1x4096xf32> to vector<1x128xf32>
    %add3A_1294 = vector.broadcast %slice3A_1007 : vector<128x1xf32> to vector<128x128xf32>
    %add3A_1295 = vector.broadcast %slice3A_1293 : vector<1x128xf32> to vector<128x128xf32>
    %add3A_1296 = arith.addf %add3A_1294, %add3A_1295 : vector<128x128xf32>
    %slice3A_1297 = vector.extract_strided_slice %dot_general3A_14 {offsets = [256, 2432], sizes = [128, 128], strides = [1, 1]} : vector<512x4096xf32> to vector<128x128xf32>
    %sub3A_1298 = arith.subf %add3A_1296, %slice3A_1297 : vector<128x128xf32>
    %mul3A_1299 = arith.constant 32 : i32
    %mul3A_1300 = arith.muli %arg1, %mul3A_1299 : i32
    %add3A_1301 = arith.constant 19 : i32
    %add3A_1302 = arith.addi %mul3A_1300, %add3A_1301 : i32
    %convert_element_type3A_1303 = arith.sitofp %add3A_1302 : i32 to f32
    %lt3A_1304 = arith.cmpf olt, %sub3A_1298, %select_n3A_1290 : vector<128x128xf32>
    %select_n3A_1305 = arith.select %lt3A_1304, %sub3A_1298, %select_n3A_1290 : vector<128x128xi1>, vector<128x128xf32>
    %broadcast_in_dim3A_1306 = vector.broadcast %convert_element_type3A_1303 : f32 to vector<128x128xf32>
    %select_n3A_1307 = arith.select %lt3A_1304, %broadcast_in_dim3A_1306, %select_n3A_1292 : vector<128x128xi1>, vector<128x128xf32>
    %slice3A_1308 = vector.extract_strided_slice %select_n3A {offsets = [0, 2560], sizes = [1, 128], strides = [1, 1]} : vector<1x4096xf32> to vector<1x128xf32>
    %add3A_1309 = vector.broadcast %slice3A_1007 : vector<128x1xf32> to vector<128x128xf32>
    %add3A_1310 = vector.broadcast %slice3A_1308 : vector<1x128xf32> to vector<128x128xf32>
    %add3A_1311 = arith.addf %add3A_1309, %add3A_1310 : vector<128x128xf32>
    %slice3A_1312 = vector.extract_strided_slice %dot_general3A_14 {offsets = [256, 2560], sizes = [128, 128], strides = [1, 1]} : vector<512x4096xf32> to vector<128x128xf32>
    %sub3A_1313 = arith.subf %add3A_1311, %slice3A_1312 : vector<128x128xf32>
    %mul3A_1314 = arith.constant 32 : i32
    %mul3A_1315 = arith.muli %arg1, %mul3A_1314 : i32
    %add3A_1316 = arith.constant 20 : i32
    %add3A_1317 = arith.addi %mul3A_1315, %add3A_1316 : i32
    %convert_element_type3A_1318 = arith.sitofp %add3A_1317 : i32 to f32
    %lt3A_1319 = arith.cmpf olt, %sub3A_1313, %select_n3A_1305 : vector<128x128xf32>
    %select_n3A_1320 = arith.select %lt3A_1319, %sub3A_1313, %select_n3A_1305 : vector<128x128xi1>, vector<128x128xf32>
    %broadcast_in_dim3A_1321 = vector.broadcast %convert_element_type3A_1318 : f32 to vector<128x128xf32>
    %select_n3A_1322 = arith.select %lt3A_1319, %broadcast_in_dim3A_1321, %select_n3A_1307 : vector<128x128xi1>, vector<128x128xf32>
    %slice3A_1323 = vector.extract_strided_slice %select_n3A {offsets = [0, 2688], sizes = [1, 128], strides = [1, 1]} : vector<1x4096xf32> to vector<1x128xf32>
    %add3A_1324 = vector.broadcast %slice3A_1007 : vector<128x1xf32> to vector<128x128xf32>
    %add3A_1325 = vector.broadcast %slice3A_1323 : vector<1x128xf32> to vector<128x128xf32>
    %add3A_1326 = arith.addf %add3A_1324, %add3A_1325 : vector<128x128xf32>
    %slice3A_1327 = vector.extract_strided_slice %dot_general3A_14 {offsets = [256, 2688], sizes = [128, 128], strides = [1, 1]} : vector<512x4096xf32> to vector<128x128xf32>
    %sub3A_1328 = arith.subf %add3A_1326, %slice3A_1327 : vector<128x128xf32>
    %mul3A_1329 = arith.constant 32 : i32
    %mul3A_1330 = arith.muli %arg1, %mul3A_1329 : i32
    %add3A_1331 = arith.constant 21 : i32
    %add3A_1332 = arith.addi %mul3A_1330, %add3A_1331 : i32
    %convert_element_type3A_1333 = arith.sitofp %add3A_1332 : i32 to f32
    %lt3A_1334 = arith.cmpf olt, %sub3A_1328, %select_n3A_1320 : vector<128x128xf32>
    %select_n3A_1335 = arith.select %lt3A_1334, %sub3A_1328, %select_n3A_1320 : vector<128x128xi1>, vector<128x128xf32>
    %broadcast_in_dim3A_1336 = vector.broadcast %convert_element_type3A_1333 : f32 to vector<128x128xf32>
    %select_n3A_1337 = arith.select %lt3A_1334, %broadcast_in_dim3A_1336, %select_n3A_1322 : vector<128x128xi1>, vector<128x128xf32>
    %slice3A_1338 = vector.extract_strided_slice %select_n3A {offsets = [0, 2816], sizes = [1, 128], strides = [1, 1]} : vector<1x4096xf32> to vector<1x128xf32>
    %add3A_1339 = vector.broadcast %slice3A_1007 : vector<128x1xf32> to vector<128x128xf32>
    %add3A_1340 = vector.broadcast %slice3A_1338 : vector<1x128xf32> to vector<128x128xf32>
    %add3A_1341 = arith.addf %add3A_1339, %add3A_1340 : vector<128x128xf32>
    %slice3A_1342 = vector.extract_strided_slice %dot_general3A_14 {offsets = [256, 2816], sizes = [128, 128], strides = [1, 1]} : vector<512x4096xf32> to vector<128x128xf32>
    %sub3A_1343 = arith.subf %add3A_1341, %slice3A_1342 : vector<128x128xf32>
    %mul3A_1344 = arith.constant 32 : i32
    %mul3A_1345 = arith.muli %arg1, %mul3A_1344 : i32
    %add3A_1346 = arith.constant 22 : i32
    %add3A_1347 = arith.addi %mul3A_1345, %add3A_1346 : i32
    %convert_element_type3A_1348 = arith.sitofp %add3A_1347 : i32 to f32
    %lt3A_1349 = arith.cmpf olt, %sub3A_1343, %select_n3A_1335 : vector<128x128xf32>
    %select_n3A_1350 = arith.select %lt3A_1349, %sub3A_1343, %select_n3A_1335 : vector<128x128xi1>, vector<128x128xf32>
    %broadcast_in_dim3A_1351 = vector.broadcast %convert_element_type3A_1348 : f32 to vector<128x128xf32>
    %select_n3A_1352 = arith.select %lt3A_1349, %broadcast_in_dim3A_1351, %select_n3A_1337 : vector<128x128xi1>, vector<128x128xf32>
    %slice3A_1353 = vector.extract_strided_slice %select_n3A {offsets = [0, 2944], sizes = [1, 128], strides = [1, 1]} : vector<1x4096xf32> to vector<1x128xf32>
    %add3A_1354 = vector.broadcast %slice3A_1007 : vector<128x1xf32> to vector<128x128xf32>
    %add3A_1355 = vector.broadcast %slice3A_1353 : vector<1x128xf32> to vector<128x128xf32>
    %add3A_1356 = arith.addf %add3A_1354, %add3A_1355 : vector<128x128xf32>
    %slice3A_1357 = vector.extract_strided_slice %dot_general3A_14 {offsets = [256, 2944], sizes = [128, 128], strides = [1, 1]} : vector<512x4096xf32> to vector<128x128xf32>
    %sub3A_1358 = arith.subf %add3A_1356, %slice3A_1357 : vector<128x128xf32>
    %mul3A_1359 = arith.constant 32 : i32
    %mul3A_1360 = arith.muli %arg1, %mul3A_1359 : i32
    %add3A_1361 = arith.constant 23 : i32
    %add3A_1362 = arith.addi %mul3A_1360, %add3A_1361 : i32
    %convert_element_type3A_1363 = arith.sitofp %add3A_1362 : i32 to f32
    %lt3A_1364 = arith.cmpf olt, %sub3A_1358, %select_n3A_1350 : vector<128x128xf32>
    %select_n3A_1365 = arith.select %lt3A_1364, %sub3A_1358, %select_n3A_1350 : vector<128x128xi1>, vector<128x128xf32>
    %broadcast_in_dim3A_1366 = vector.broadcast %convert_element_type3A_1363 : f32 to vector<128x128xf32>
    %select_n3A_1367 = arith.select %lt3A_1364, %broadcast_in_dim3A_1366, %select_n3A_1352 : vector<128x128xi1>, vector<128x128xf32>
    %slice3A_1368 = vector.extract_strided_slice %select_n3A {offsets = [0, 3072], sizes = [1, 128], strides = [1, 1]} : vector<1x4096xf32> to vector<1x128xf32>
    %add3A_1369 = vector.broadcast %slice3A_1007 : vector<128x1xf32> to vector<128x128xf32>
    %add3A_1370 = vector.broadcast %slice3A_1368 : vector<1x128xf32> to vector<128x128xf32>
    %add3A_1371 = arith.addf %add3A_1369, %add3A_1370 : vector<128x128xf32>
    %slice3A_1372 = vector.extract_strided_slice %dot_general3A_14 {offsets = [256, 3072], sizes = [128, 128], strides = [1, 1]} : vector<512x4096xf32> to vector<128x128xf32>
    %sub3A_1373 = arith.subf %add3A_1371, %slice3A_1372 : vector<128x128xf32>
    %mul3A_1374 = arith.constant 32 : i32
    %mul3A_1375 = arith.muli %arg1, %mul3A_1374 : i32
    %add3A_1376 = arith.constant 24 : i32
    %add3A_1377 = arith.addi %mul3A_1375, %add3A_1376 : i32
    %convert_element_type3A_1378 = arith.sitofp %add3A_1377 : i32 to f32
    %lt3A_1379 = arith.cmpf olt, %sub3A_1373, %select_n3A_1365 : vector<128x128xf32>
    %select_n3A_1380 = arith.select %lt3A_1379, %sub3A_1373, %select_n3A_1365 : vector<128x128xi1>, vector<128x128xf32>
    %broadcast_in_dim3A_1381 = vector.broadcast %convert_element_type3A_1378 : f32 to vector<128x128xf32>
    %select_n3A_1382 = arith.select %lt3A_1379, %broadcast_in_dim3A_1381, %select_n3A_1367 : vector<128x128xi1>, vector<128x128xf32>
    %slice3A_1383 = vector.extract_strided_slice %select_n3A {offsets = [0, 3200], sizes = [1, 128], strides = [1, 1]} : vector<1x4096xf32> to vector<1x128xf32>
    %add3A_1384 = vector.broadcast %slice3A_1007 : vector<128x1xf32> to vector<128x128xf32>
    %add3A_1385 = vector.broadcast %slice3A_1383 : vector<1x128xf32> to vector<128x128xf32>
    %add3A_1386 = arith.addf %add3A_1384, %add3A_1385 : vector<128x128xf32>
    %slice3A_1387 = vector.extract_strided_slice %dot_general3A_14 {offsets = [256, 3200], sizes = [128, 128], strides = [1, 1]} : vector<512x4096xf32> to vector<128x128xf32>
    %sub3A_1388 = arith.subf %add3A_1386, %slice3A_1387 : vector<128x128xf32>
    %mul3A_1389 = arith.constant 32 : i32
    %mul3A_1390 = arith.muli %arg1, %mul3A_1389 : i32
    %add3A_1391 = arith.constant 25 : i32
    %add3A_1392 = arith.addi %mul3A_1390, %add3A_1391 : i32
    %convert_element_type3A_1393 = arith.sitofp %add3A_1392 : i32 to f32
    %lt3A_1394 = arith.cmpf olt, %sub3A_1388, %select_n3A_1380 : vector<128x128xf32>
    %select_n3A_1395 = arith.select %lt3A_1394, %sub3A_1388, %select_n3A_1380 : vector<128x128xi1>, vector<128x128xf32>
    %broadcast_in_dim3A_1396 = vector.broadcast %convert_element_type3A_1393 : f32 to vector<128x128xf32>
    %select_n3A_1397 = arith.select %lt3A_1394, %broadcast_in_dim3A_1396, %select_n3A_1382 : vector<128x128xi1>, vector<128x128xf32>
    %slice3A_1398 = vector.extract_strided_slice %select_n3A {offsets = [0, 3328], sizes = [1, 128], strides = [1, 1]} : vector<1x4096xf32> to vector<1x128xf32>
    %add3A_1399 = vector.broadcast %slice3A_1007 : vector<128x1xf32> to vector<128x128xf32>
    %add3A_1400 = vector.broadcast %slice3A_1398 : vector<1x128xf32> to vector<128x128xf32>
    %add3A_1401 = arith.addf %add3A_1399, %add3A_1400 : vector<128x128xf32>
    %slice3A_1402 = vector.extract_strided_slice %dot_general3A_14 {offsets = [256, 3328], sizes = [128, 128], strides = [1, 1]} : vector<512x4096xf32> to vector<128x128xf32>
    %sub3A_1403 = arith.subf %add3A_1401, %slice3A_1402 : vector<128x128xf32>
    %mul3A_1404 = arith.constant 32 : i32
    %mul3A_1405 = arith.muli %arg1, %mul3A_1404 : i32
    %add3A_1406 = arith.constant 26 : i32
    %add3A_1407 = arith.addi %mul3A_1405, %add3A_1406 : i32
    %convert_element_type3A_1408 = arith.sitofp %add3A_1407 : i32 to f32
    %lt3A_1409 = arith.cmpf olt, %sub3A_1403, %select_n3A_1395 : vector<128x128xf32>
    %select_n3A_1410 = arith.select %lt3A_1409, %sub3A_1403, %select_n3A_1395 : vector<128x128xi1>, vector<128x128xf32>
    %broadcast_in_dim3A_1411 = vector.broadcast %convert_element_type3A_1408 : f32 to vector<128x128xf32>
    %select_n3A_1412 = arith.select %lt3A_1409, %broadcast_in_dim3A_1411, %select_n3A_1397 : vector<128x128xi1>, vector<128x128xf32>
    %slice3A_1413 = vector.extract_strided_slice %select_n3A {offsets = [0, 3456], sizes = [1, 128], strides = [1, 1]} : vector<1x4096xf32> to vector<1x128xf32>
    %add3A_1414 = vector.broadcast %slice3A_1007 : vector<128x1xf32> to vector<128x128xf32>
    %add3A_1415 = vector.broadcast %slice3A_1413 : vector<1x128xf32> to vector<128x128xf32>
    %add3A_1416 = arith.addf %add3A_1414, %add3A_1415 : vector<128x128xf32>
    %slice3A_1417 = vector.extract_strided_slice %dot_general3A_14 {offsets = [256, 3456], sizes = [128, 128], strides = [1, 1]} : vector<512x4096xf32> to vector<128x128xf32>
    %sub3A_1418 = arith.subf %add3A_1416, %slice3A_1417 : vector<128x128xf32>
    %mul3A_1419 = arith.constant 32 : i32
    %mul3A_1420 = arith.muli %arg1, %mul3A_1419 : i32
    %add3A_1421 = arith.constant 27 : i32
    %add3A_1422 = arith.addi %mul3A_1420, %add3A_1421 : i32
    %convert_element_type3A_1423 = arith.sitofp %add3A_1422 : i32 to f32
    %lt3A_1424 = arith.cmpf olt, %sub3A_1418, %select_n3A_1410 : vector<128x128xf32>
    %select_n3A_1425 = arith.select %lt3A_1424, %sub3A_1418, %select_n3A_1410 : vector<128x128xi1>, vector<128x128xf32>
    %broadcast_in_dim3A_1426 = vector.broadcast %convert_element_type3A_1423 : f32 to vector<128x128xf32>
    %select_n3A_1427 = arith.select %lt3A_1424, %broadcast_in_dim3A_1426, %select_n3A_1412 : vector<128x128xi1>, vector<128x128xf32>
    %slice3A_1428 = vector.extract_strided_slice %select_n3A {offsets = [0, 3584], sizes = [1, 128], strides = [1, 1]} : vector<1x4096xf32> to vector<1x128xf32>
    %add3A_1429 = vector.broadcast %slice3A_1007 : vector<128x1xf32> to vector<128x128xf32>
    %add3A_1430 = vector.broadcast %slice3A_1428 : vector<1x128xf32> to vector<128x128xf32>
    %add3A_1431 = arith.addf %add3A_1429, %add3A_1430 : vector<128x128xf32>
    %slice3A_1432 = vector.extract_strided_slice %dot_general3A_14 {offsets = [256, 3584], sizes = [128, 128], strides = [1, 1]} : vector<512x4096xf32> to vector<128x128xf32>
    %sub3A_1433 = arith.subf %add3A_1431, %slice3A_1432 : vector<128x128xf32>
    %mul3A_1434 = arith.constant 32 : i32
    %mul3A_1435 = arith.muli %arg1, %mul3A_1434 : i32
    %add3A_1436 = arith.constant 28 : i32
    %add3A_1437 = arith.addi %mul3A_1435, %add3A_1436 : i32
    %convert_element_type3A_1438 = arith.sitofp %add3A_1437 : i32 to f32
    %lt3A_1439 = arith.cmpf olt, %sub3A_1433, %select_n3A_1425 : vector<128x128xf32>
    %select_n3A_1440 = arith.select %lt3A_1439, %sub3A_1433, %select_n3A_1425 : vector<128x128xi1>, vector<128x128xf32>
    %broadcast_in_dim3A_1441 = vector.broadcast %convert_element_type3A_1438 : f32 to vector<128x128xf32>
    %select_n3A_1442 = arith.select %lt3A_1439, %broadcast_in_dim3A_1441, %select_n3A_1427 : vector<128x128xi1>, vector<128x128xf32>
    %slice3A_1443 = vector.extract_strided_slice %select_n3A {offsets = [0, 3712], sizes = [1, 128], strides = [1, 1]} : vector<1x4096xf32> to vector<1x128xf32>
    %add3A_1444 = vector.broadcast %slice3A_1007 : vector<128x1xf32> to vector<128x128xf32>
    %add3A_1445 = vector.broadcast %slice3A_1443 : vector<1x128xf32> to vector<128x128xf32>
    %add3A_1446 = arith.addf %add3A_1444, %add3A_1445 : vector<128x128xf32>
    %slice3A_1447 = vector.extract_strided_slice %dot_general3A_14 {offsets = [256, 3712], sizes = [128, 128], strides = [1, 1]} : vector<512x4096xf32> to vector<128x128xf32>
    %sub3A_1448 = arith.subf %add3A_1446, %slice3A_1447 : vector<128x128xf32>
    %mul3A_1449 = arith.constant 32 : i32
    %mul3A_1450 = arith.muli %arg1, %mul3A_1449 : i32
    %add3A_1451 = arith.constant 29 : i32
    %add3A_1452 = arith.addi %mul3A_1450, %add3A_1451 : i32
    %convert_element_type3A_1453 = arith.sitofp %add3A_1452 : i32 to f32
    %lt3A_1454 = arith.cmpf olt, %sub3A_1448, %select_n3A_1440 : vector<128x128xf32>
    %select_n3A_1455 = arith.select %lt3A_1454, %sub3A_1448, %select_n3A_1440 : vector<128x128xi1>, vector<128x128xf32>
    %broadcast_in_dim3A_1456 = vector.broadcast %convert_element_type3A_1453 : f32 to vector<128x128xf32>
    %select_n3A_1457 = arith.select %lt3A_1454, %broadcast_in_dim3A_1456, %select_n3A_1442 : vector<128x128xi1>, vector<128x128xf32>
    %slice3A_1458 = vector.extract_strided_slice %select_n3A {offsets = [0, 3840], sizes = [1, 128], strides = [1, 1]} : vector<1x4096xf32> to vector<1x128xf32>
    %add3A_1459 = vector.broadcast %slice3A_1007 : vector<128x1xf32> to vector<128x128xf32>
    %add3A_1460 = vector.broadcast %slice3A_1458 : vector<1x128xf32> to vector<128x128xf32>
    %add3A_1461 = arith.addf %add3A_1459, %add3A_1460 : vector<128x128xf32>
    %slice3A_1462 = vector.extract_strided_slice %dot_general3A_14 {offsets = [256, 3840], sizes = [128, 128], strides = [1, 1]} : vector<512x4096xf32> to vector<128x128xf32>
    %sub3A_1463 = arith.subf %add3A_1461, %slice3A_1462 : vector<128x128xf32>
    %mul3A_1464 = arith.constant 32 : i32
    %mul3A_1465 = arith.muli %arg1, %mul3A_1464 : i32
    %add3A_1466 = arith.constant 30 : i32
    %add3A_1467 = arith.addi %mul3A_1465, %add3A_1466 : i32
    %convert_element_type3A_1468 = arith.sitofp %add3A_1467 : i32 to f32
    %lt3A_1469 = arith.cmpf olt, %sub3A_1463, %select_n3A_1455 : vector<128x128xf32>
    %select_n3A_1470 = arith.select %lt3A_1469, %sub3A_1463, %select_n3A_1455 : vector<128x128xi1>, vector<128x128xf32>
    %broadcast_in_dim3A_1471 = vector.broadcast %convert_element_type3A_1468 : f32 to vector<128x128xf32>
    %select_n3A_1472 = arith.select %lt3A_1469, %broadcast_in_dim3A_1471, %select_n3A_1457 : vector<128x128xi1>, vector<128x128xf32>
    %slice3A_1473 = vector.extract_strided_slice %select_n3A {offsets = [0, 3968], sizes = [1, 128], strides = [1, 1]} : vector<1x4096xf32> to vector<1x128xf32>
    %add3A_1474 = vector.broadcast %slice3A_1007 : vector<128x1xf32> to vector<128x128xf32>
    %add3A_1475 = vector.broadcast %slice3A_1473 : vector<1x128xf32> to vector<128x128xf32>
    %add3A_1476 = arith.addf %add3A_1474, %add3A_1475 : vector<128x128xf32>
    %slice3A_1477 = vector.extract_strided_slice %dot_general3A_14 {offsets = [256, 3968], sizes = [128, 128], strides = [1, 1]} : vector<512x4096xf32> to vector<128x128xf32>
    %sub3A_1478 = arith.subf %add3A_1476, %slice3A_1477 : vector<128x128xf32>
    %mul3A_1479 = arith.constant 32 : i32
    %mul3A_1480 = arith.muli %arg1, %mul3A_1479 : i32
    %add3A_1481 = arith.constant 31 : i32
    %add3A_1482 = arith.addi %mul3A_1480, %add3A_1481 : i32
    %convert_element_type3A_1483 = arith.sitofp %add3A_1482 : i32 to f32
    %lt3A_1484 = arith.cmpf olt, %sub3A_1478, %select_n3A_1470 : vector<128x128xf32>
    %select_n3A_1485 = arith.select %lt3A_1484, %sub3A_1478, %select_n3A_1470 : vector<128x128xi1>, vector<128x128xf32>
    %broadcast_in_dim3A_1486 = vector.broadcast %convert_element_type3A_1483 : f32 to vector<128x128xf32>
    %select_n3A_1487 = arith.select %lt3A_1484, %broadcast_in_dim3A_1486, %select_n3A_1472 : vector<128x128xi1>, vector<128x128xf32>
    %swap3A_1488 = arith.constant 256 : index
    %swap3A_1489 = arith.constant 0 : index
    %swap3A_1490 = vector.load %arg6[%swap3A_1488, %swap3A_1489] : memref<512x128xf32, #tpu.memory_space<vmem>>, vector<128x128xf32>
    tpu.vector_store %arg6[%swap3A_1488, %swap3A_1489], %select_n3A_1485 {strides = array<i32>} : memref<512x128xf32, #tpu.memory_space<vmem>>, vector<128x128xf32>,
    %swap3A_1491 = arith.constant 256 : index
    %swap3A_1492 = arith.constant 0 : index
    %swap3A_1493 = vector.load %arg7[%swap3A_1491, %swap3A_1492] : memref<512x128xf32, #tpu.memory_space<vmem>>, vector<128x128xf32>
    tpu.vector_store %arg7[%swap3A_1491, %swap3A_1492], %select_n3A_1487 {strides = array<i32>} : memref<512x128xf32, #tpu.memory_space<vmem>>, vector<128x128xf32>,
    %get3A_1494 = arith.constant 384 : index
    %get3A_1495 = arith.constant 0 : index
    %get3A_1496 = vector.load %arg6[%get3A_1494, %get3A_1495] : memref<512x128xf32, #tpu.memory_space<vmem>>, vector<128x128xf32>
    %get3A_1497 = arith.constant 384 : index
    %get3A_1498 = arith.constant 0 : index
    %get3A_1499 = vector.load %arg7[%get3A_1497, %get3A_1498] : memref<512x128xf32, #tpu.memory_space<vmem>>, vector<128x128xf32>
    %slice3A_1500 = vector.extract_strided_slice %get3A_17 {offsets = [384, 0], sizes = [128, 1], strides = [1, 1]} : vector<512x1xf32> to vector<128x1xf32>
    %slice3A_1501 = vector.extract_strided_slice %select_n3A {offsets = [0, 0], sizes = [1, 128], strides = [1, 1]} : vector<1x4096xf32> to vector<1x128xf32>
    %add3A_1502 = vector.broadcast %slice3A_1500 : vector<128x1xf32> to vector<128x128xf32>
    %add3A_1503 = vector.broadcast %slice3A_1501 : vector<1x128xf32> to vector<128x128xf32>
    %add3A_1504 = arith.addf %add3A_1502, %add3A_1503 : vector<128x128xf32>
    %slice3A_1505 = vector.extract_strided_slice %dot_general3A_14 {offsets = [384, 0], sizes = [128, 128], strides = [1, 1]} : vector<512x4096xf32> to vector<128x128xf32>
    %sub3A_1506 = arith.subf %add3A_1504, %slice3A_1505 : vector<128x128xf32>
    %mul3A_1507 = arith.constant 32 : i32
    %mul3A_1508 = arith.muli %arg1, %mul3A_1507 : i32
    %add3A_1509 = arith.constant 0 : i32
    %add3A_1510 = arith.addi %mul3A_1508, %add3A_1509 : i32
    %convert_element_type3A_1511 = arith.sitofp %add3A_1510 : i32 to f32
    %lt3A_1512 = arith.cmpf olt, %sub3A_1506, %get3A_1496 : vector<128x128xf32>
    %select_n3A_1513 = arith.select %lt3A_1512, %sub3A_1506, %get3A_1496 : vector<128x128xi1>, vector<128x128xf32>
    %broadcast_in_dim3A_1514 = vector.broadcast %convert_element_type3A_1511 : f32 to vector<128x128xf32>
    %select_n3A_1515 = arith.select %lt3A_1512, %broadcast_in_dim3A_1514, %get3A_1499 : vector<128x128xi1>, vector<128x128xf32>
    %slice3A_1516 = vector.extract_strided_slice %select_n3A {offsets = [0, 128], sizes = [1, 128], strides = [1, 1]} : vector<1x4096xf32> to vector<1x128xf32>
    %add3A_1517 = vector.broadcast %slice3A_1500 : vector<128x1xf32> to vector<128x128xf32>
    %add3A_1518 = vector.broadcast %slice3A_1516 : vector<1x128xf32> to vector<128x128xf32>
    %add3A_1519 = arith.addf %add3A_1517, %add3A_1518 : vector<128x128xf32>
    %slice3A_1520 = vector.extract_strided_slice %dot_general3A_14 {offsets = [384, 128], sizes = [128, 128], strides = [1, 1]} : vector<512x4096xf32> to vector<128x128xf32>
    %sub3A_1521 = arith.subf %add3A_1519, %slice3A_1520 : vector<128x128xf32>
    %mul3A_1522 = arith.constant 32 : i32
    %mul3A_1523 = arith.muli %arg1, %mul3A_1522 : i32
    %add3A_1524 = arith.constant 1 : i32
    %add3A_1525 = arith.addi %mul3A_1523, %add3A_1524 : i32
    %convert_element_type3A_1526 = arith.sitofp %add3A_1525 : i32 to f32
    %lt3A_1527 = arith.cmpf olt, %sub3A_1521, %select_n3A_1513 : vector<128x128xf32>
    %select_n3A_1528 = arith.select %lt3A_1527, %sub3A_1521, %select_n3A_1513 : vector<128x128xi1>, vector<128x128xf32>
    %broadcast_in_dim3A_1529 = vector.broadcast %convert_element_type3A_1526 : f32 to vector<128x128xf32>
    %select_n3A_1530 = arith.select %lt3A_1527, %broadcast_in_dim3A_1529, %select_n3A_1515 : vector<128x128xi1>, vector<128x128xf32>
    %slice3A_1531 = vector.extract_strided_slice %select_n3A {offsets = [0, 256], sizes = [1, 128], strides = [1, 1]} : vector<1x4096xf32> to vector<1x128xf32>
    %add3A_1532 = vector.broadcast %slice3A_1500 : vector<128x1xf32> to vector<128x128xf32>
    %add3A_1533 = vector.broadcast %slice3A_1531 : vector<1x128xf32> to vector<128x128xf32>
    %add3A_1534 = arith.addf %add3A_1532, %add3A_1533 : vector<128x128xf32>
    %slice3A_1535 = vector.extract_strided_slice %dot_general3A_14 {offsets = [384, 256], sizes = [128, 128], strides = [1, 1]} : vector<512x4096xf32> to vector<128x128xf32>
    %sub3A_1536 = arith.subf %add3A_1534, %slice3A_1535 : vector<128x128xf32>
    %mul3A_1537 = arith.constant 32 : i32
    %mul3A_1538 = arith.muli %arg1, %mul3A_1537 : i32
    %add3A_1539 = arith.constant 2 : i32
    %add3A_1540 = arith.addi %mul3A_1538, %add3A_1539 : i32
    %convert_element_type3A_1541 = arith.sitofp %add3A_1540 : i32 to f32
    %lt3A_1542 = arith.cmpf olt, %sub3A_1536, %select_n3A_1528 : vector<128x128xf32>
    %select_n3A_1543 = arith.select %lt3A_1542, %sub3A_1536, %select_n3A_1528 : vector<128x128xi1>, vector<128x128xf32>
    %broadcast_in_dim3A_1544 = vector.broadcast %convert_element_type3A_1541 : f32 to vector<128x128xf32>
    %select_n3A_1545 = arith.select %lt3A_1542, %broadcast_in_dim3A_1544, %select_n3A_1530 : vector<128x128xi1>, vector<128x128xf32>
    %slice3A_1546 = vector.extract_strided_slice %select_n3A {offsets = [0, 384], sizes = [1, 128], strides = [1, 1]} : vector<1x4096xf32> to vector<1x128xf32>
    %add3A_1547 = vector.broadcast %slice3A_1500 : vector<128x1xf32> to vector<128x128xf32>
    %add3A_1548 = vector.broadcast %slice3A_1546 : vector<1x128xf32> to vector<128x128xf32>
    %add3A_1549 = arith.addf %add3A_1547, %add3A_1548 : vector<128x128xf32>
    %slice3A_1550 = vector.extract_strided_slice %dot_general3A_14 {offsets = [384, 384], sizes = [128, 128], strides = [1, 1]} : vector<512x4096xf32> to vector<128x128xf32>
    %sub3A_1551 = arith.subf %add3A_1549, %slice3A_1550 : vector<128x128xf32>
    %mul3A_1552 = arith.constant 32 : i32
    %mul3A_1553 = arith.muli %arg1, %mul3A_1552 : i32
    %add3A_1554 = arith.constant 3 : i32
    %add3A_1555 = arith.addi %mul3A_1553, %add3A_1554 : i32
    %convert_element_type3A_1556 = arith.sitofp %add3A_1555 : i32 to f32
    %lt3A_1557 = arith.cmpf olt, %sub3A_1551, %select_n3A_1543 : vector<128x128xf32>
    %select_n3A_1558 = arith.select %lt3A_1557, %sub3A_1551, %select_n3A_1543 : vector<128x128xi1>, vector<128x128xf32>
    %broadcast_in_dim3A_1559 = vector.broadcast %convert_element_type3A_1556 : f32 to vector<128x128xf32>
    %select_n3A_1560 = arith.select %lt3A_1557, %broadcast_in_dim3A_1559, %select_n3A_1545 : vector<128x128xi1>, vector<128x128xf32>
    %slice3A_1561 = vector.extract_strided_slice %select_n3A {offsets = [0, 512], sizes = [1, 128], strides = [1, 1]} : vector<1x4096xf32> to vector<1x128xf32>
    %add3A_1562 = vector.broadcast %slice3A_1500 : vector<128x1xf32> to vector<128x128xf32>
    %add3A_1563 = vector.broadcast %slice3A_1561 : vector<1x128xf32> to vector<128x128xf32>
    %add3A_1564 = arith.addf %add3A_1562, %add3A_1563 : vector<128x128xf32>
    %slice3A_1565 = vector.extract_strided_slice %dot_general3A_14 {offsets = [384, 512], sizes = [128, 128], strides = [1, 1]} : vector<512x4096xf32> to vector<128x128xf32>
    %sub3A_1566 = arith.subf %add3A_1564, %slice3A_1565 : vector<128x128xf32>
    %mul3A_1567 = arith.constant 32 : i32
    %mul3A_1568 = arith.muli %arg1, %mul3A_1567 : i32
    %add3A_1569 = arith.constant 4 : i32
    %add3A_1570 = arith.addi %mul3A_1568, %add3A_1569 : i32
    %convert_element_type3A_1571 = arith.sitofp %add3A_1570 : i32 to f32
    %lt3A_1572 = arith.cmpf olt, %sub3A_1566, %select_n3A_1558 : vector<128x128xf32>
    %select_n3A_1573 = arith.select %lt3A_1572, %sub3A_1566, %select_n3A_1558 : vector<128x128xi1>, vector<128x128xf32>
    %broadcast_in_dim3A_1574 = vector.broadcast %convert_element_type3A_1571 : f32 to vector<128x128xf32>
    %select_n3A_1575 = arith.select %lt3A_1572, %broadcast_in_dim3A_1574, %select_n3A_1560 : vector<128x128xi1>, vector<128x128xf32>
    %slice3A_1576 = vector.extract_strided_slice %select_n3A {offsets = [0, 640], sizes = [1, 128], strides = [1, 1]} : vector<1x4096xf32> to vector<1x128xf32>
    %add3A_1577 = vector.broadcast %slice3A_1500 : vector<128x1xf32> to vector<128x128xf32>
    %add3A_1578 = vector.broadcast %slice3A_1576 : vector<1x128xf32> to vector<128x128xf32>
    %add3A_1579 = arith.addf %add3A_1577, %add3A_1578 : vector<128x128xf32>
    %slice3A_1580 = vector.extract_strided_slice %dot_general3A_14 {offsets = [384, 640], sizes = [128, 128], strides = [1, 1]} : vector<512x4096xf32> to vector<128x128xf32>
    %sub3A_1581 = arith.subf %add3A_1579, %slice3A_1580 : vector<128x128xf32>
    %mul3A_1582 = arith.constant 32 : i32
    %mul3A_1583 = arith.muli %arg1, %mul3A_1582 : i32
    %add3A_1584 = arith.constant 5 : i32
    %add3A_1585 = arith.addi %mul3A_1583, %add3A_1584 : i32
    %convert_element_type3A_1586 = arith.sitofp %add3A_1585 : i32 to f32
    %lt3A_1587 = arith.cmpf olt, %sub3A_1581, %select_n3A_1573 : vector<128x128xf32>
    %select_n3A_1588 = arith.select %lt3A_1587, %sub3A_1581, %select_n3A_1573 : vector<128x128xi1>, vector<128x128xf32>
    %broadcast_in_dim3A_1589 = vector.broadcast %convert_element_type3A_1586 : f32 to vector<128x128xf32>
    %select_n3A_1590 = arith.select %lt3A_1587, %broadcast_in_dim3A_1589, %select_n3A_1575 : vector<128x128xi1>, vector<128x128xf32>
    %slice3A_1591 = vector.extract_strided_slice %select_n3A {offsets = [0, 768], sizes = [1, 128], strides = [1, 1]} : vector<1x4096xf32> to vector<1x128xf32>
    %add3A_1592 = vector.broadcast %slice3A_1500 : vector<128x1xf32> to vector<128x128xf32>
    %add3A_1593 = vector.broadcast %slice3A_1591 : vector<1x128xf32> to vector<128x128xf32>
    %add3A_1594 = arith.addf %add3A_1592, %add3A_1593 : vector<128x128xf32>
    %slice3A_1595 = vector.extract_strided_slice %dot_general3A_14 {offsets = [384, 768], sizes = [128, 128], strides = [1, 1]} : vector<512x4096xf32> to vector<128x128xf32>
    %sub3A_1596 = arith.subf %add3A_1594, %slice3A_1595 : vector<128x128xf32>
    %mul3A_1597 = arith.constant 32 : i32
    %mul3A_1598 = arith.muli %arg1, %mul3A_1597 : i32
    %add3A_1599 = arith.constant 6 : i32
    %add3A_1600 = arith.addi %mul3A_1598, %add3A_1599 : i32
    %convert_element_type3A_1601 = arith.sitofp %add3A_1600 : i32 to f32
    %lt3A_1602 = arith.cmpf olt, %sub3A_1596, %select_n3A_1588 : vector<128x128xf32>
    %select_n3A_1603 = arith.select %lt3A_1602, %sub3A_1596, %select_n3A_1588 : vector<128x128xi1>, vector<128x128xf32>
    %broadcast_in_dim3A_1604 = vector.broadcast %convert_element_type3A_1601 : f32 to vector<128x128xf32>
    %select_n3A_1605 = arith.select %lt3A_1602, %broadcast_in_dim3A_1604, %select_n3A_1590 : vector<128x128xi1>, vector<128x128xf32>
    %slice3A_1606 = vector.extract_strided_slice %select_n3A {offsets = [0, 896], sizes = [1, 128], strides = [1, 1]} : vector<1x4096xf32> to vector<1x128xf32>
    %add3A_1607 = vector.broadcast %slice3A_1500 : vector<128x1xf32> to vector<128x128xf32>
    %add3A_1608 = vector.broadcast %slice3A_1606 : vector<1x128xf32> to vector<128x128xf32>
    %add3A_1609 = arith.addf %add3A_1607, %add3A_1608 : vector<128x128xf32>
    %slice3A_1610 = vector.extract_strided_slice %dot_general3A_14 {offsets = [384, 896], sizes = [128, 128], strides = [1, 1]} : vector<512x4096xf32> to vector<128x128xf32>
    %sub3A_1611 = arith.subf %add3A_1609, %slice3A_1610 : vector<128x128xf32>
    %mul3A_1612 = arith.constant 32 : i32
    %mul3A_1613 = arith.muli %arg1, %mul3A_1612 : i32
    %add3A_1614 = arith.constant 7 : i32
    %add3A_1615 = arith.addi %mul3A_1613, %add3A_1614 : i32
    %convert_element_type3A_1616 = arith.sitofp %add3A_1615 : i32 to f32
    %lt3A_1617 = arith.cmpf olt, %sub3A_1611, %select_n3A_1603 : vector<128x128xf32>
    %select_n3A_1618 = arith.select %lt3A_1617, %sub3A_1611, %select_n3A_1603 : vector<128x128xi1>, vector<128x128xf32>
    %broadcast_in_dim3A_1619 = vector.broadcast %convert_element_type3A_1616 : f32 to vector<128x128xf32>
    %select_n3A_1620 = arith.select %lt3A_1617, %broadcast_in_dim3A_1619, %select_n3A_1605 : vector<128x128xi1>, vector<128x128xf32>
    %slice3A_1621 = vector.extract_strided_slice %select_n3A {offsets = [0, 1024], sizes = [1, 128], strides = [1, 1]} : vector<1x4096xf32> to vector<1x128xf32>
    %add3A_1622 = vector.broadcast %slice3A_1500 : vector<128x1xf32> to vector<128x128xf32>
    %add3A_1623 = vector.broadcast %slice3A_1621 : vector<1x128xf32> to vector<128x128xf32>
    %add3A_1624 = arith.addf %add3A_1622, %add3A_1623 : vector<128x128xf32>
    %slice3A_1625 = vector.extract_strided_slice %dot_general3A_14 {offsets = [384, 1024], sizes = [128, 128], strides = [1, 1]} : vector<512x4096xf32> to vector<128x128xf32>
    %sub3A_1626 = arith.subf %add3A_1624, %slice3A_1625 : vector<128x128xf32>
    %mul3A_1627 = arith.constant 32 : i32
    %mul3A_1628 = arith.muli %arg1, %mul3A_1627 : i32
    %add3A_1629 = arith.constant 8 : i32
    %add3A_1630 = arith.addi %mul3A_1628, %add3A_1629 : i32
    %convert_element_type3A_1631 = arith.sitofp %add3A_1630 : i32 to f32
    %lt3A_1632 = arith.cmpf olt, %sub3A_1626, %select_n3A_1618 : vector<128x128xf32>
    %select_n3A_1633 = arith.select %lt3A_1632, %sub3A_1626, %select_n3A_1618 : vector<128x128xi1>, vector<128x128xf32>
    %broadcast_in_dim3A_1634 = vector.broadcast %convert_element_type3A_1631 : f32 to vector<128x128xf32>
    %select_n3A_1635 = arith.select %lt3A_1632, %broadcast_in_dim3A_1634, %select_n3A_1620 : vector<128x128xi1>, vector<128x128xf32>
    %slice3A_1636 = vector.extract_strided_slice %select_n3A {offsets = [0, 1152], sizes = [1, 128], strides = [1, 1]} : vector<1x4096xf32> to vector<1x128xf32>
    %add3A_1637 = vector.broadcast %slice3A_1500 : vector<128x1xf32> to vector<128x128xf32>
    %add3A_1638 = vector.broadcast %slice3A_1636 : vector<1x128xf32> to vector<128x128xf32>
    %add3A_1639 = arith.addf %add3A_1637, %add3A_1638 : vector<128x128xf32>
    %slice3A_1640 = vector.extract_strided_slice %dot_general3A_14 {offsets = [384, 1152], sizes = [128, 128], strides = [1, 1]} : vector<512x4096xf32> to vector<128x128xf32>
    %sub3A_1641 = arith.subf %add3A_1639, %slice3A_1640 : vector<128x128xf32>
    %mul3A_1642 = arith.constant 32 : i32
    %mul3A_1643 = arith.muli %arg1, %mul3A_1642 : i32
    %add3A_1644 = arith.constant 9 : i32
    %add3A_1645 = arith.addi %mul3A_1643, %add3A_1644 : i32
    %convert_element_type3A_1646 = arith.sitofp %add3A_1645 : i32 to f32
    %lt3A_1647 = arith.cmpf olt, %sub3A_1641, %select_n3A_1633 : vector<128x128xf32>
    %select_n3A_1648 = arith.select %lt3A_1647, %sub3A_1641, %select_n3A_1633 : vector<128x128xi1>, vector<128x128xf32>
    %broadcast_in_dim3A_1649 = vector.broadcast %convert_element_type3A_1646 : f32 to vector<128x128xf32>
    %select_n3A_1650 = arith.select %lt3A_1647, %broadcast_in_dim3A_1649, %select_n3A_1635 : vector<128x128xi1>, vector<128x128xf32>
    %slice3A_1651 = vector.extract_strided_slice %select_n3A {offsets = [0, 1280], sizes = [1, 128], strides = [1, 1]} : vector<1x4096xf32> to vector<1x128xf32>
    %add3A_1652 = vector.broadcast %slice3A_1500 : vector<128x1xf32> to vector<128x128xf32>
    %add3A_1653 = vector.broadcast %slice3A_1651 : vector<1x128xf32> to vector<128x128xf32>
    %add3A_1654 = arith.addf %add3A_1652, %add3A_1653 : vector<128x128xf32>
    %slice3A_1655 = vector.extract_strided_slice %dot_general3A_14 {offsets = [384, 1280], sizes = [128, 128], strides = [1, 1]} : vector<512x4096xf32> to vector<128x128xf32>
    %sub3A_1656 = arith.subf %add3A_1654, %slice3A_1655 : vector<128x128xf32>
    %mul3A_1657 = arith.constant 32 : i32
    %mul3A_1658 = arith.muli %arg1, %mul3A_1657 : i32
    %add3A_1659 = arith.constant 10 : i32
    %add3A_1660 = arith.addi %mul3A_1658, %add3A_1659 : i32
    %convert_element_type3A_1661 = arith.sitofp %add3A_1660 : i32 to f32
    %lt3A_1662 = arith.cmpf olt, %sub3A_1656, %select_n3A_1648 : vector<128x128xf32>
    %select_n3A_1663 = arith.select %lt3A_1662, %sub3A_1656, %select_n3A_1648 : vector<128x128xi1>, vector<128x128xf32>
    %broadcast_in_dim3A_1664 = vector.broadcast %convert_element_type3A_1661 : f32 to vector<128x128xf32>
    %select_n3A_1665 = arith.select %lt3A_1662, %broadcast_in_dim3A_1664, %select_n3A_1650 : vector<128x128xi1>, vector<128x128xf32>
    %slice3A_1666 = vector.extract_strided_slice %select_n3A {offsets = [0, 1408], sizes = [1, 128], strides = [1, 1]} : vector<1x4096xf32> to vector<1x128xf32>
    %add3A_1667 = vector.broadcast %slice3A_1500 : vector<128x1xf32> to vector<128x128xf32>
    %add3A_1668 = vector.broadcast %slice3A_1666 : vector<1x128xf32> to vector<128x128xf32>
    %add3A_1669 = arith.addf %add3A_1667, %add3A_1668 : vector<128x128xf32>
    %slice3A_1670 = vector.extract_strided_slice %dot_general3A_14 {offsets = [384, 1408], sizes = [128, 128], strides = [1, 1]} : vector<512x4096xf32> to vector<128x128xf32>
    %sub3A_1671 = arith.subf %add3A_1669, %slice3A_1670 : vector<128x128xf32>
    %mul3A_1672 = arith.constant 32 : i32
    %mul3A_1673 = arith.muli %arg1, %mul3A_1672 : i32
    %add3A_1674 = arith.constant 11 : i32
    %add3A_1675 = arith.addi %mul3A_1673, %add3A_1674 : i32
    %convert_element_type3A_1676 = arith.sitofp %add3A_1675 : i32 to f32
    %lt3A_1677 = arith.cmpf olt, %sub3A_1671, %select_n3A_1663 : vector<128x128xf32>
    %select_n3A_1678 = arith.select %lt3A_1677, %sub3A_1671, %select_n3A_1663 : vector<128x128xi1>, vector<128x128xf32>
    %broadcast_in_dim3A_1679 = vector.broadcast %convert_element_type3A_1676 : f32 to vector<128x128xf32>
    %select_n3A_1680 = arith.select %lt3A_1677, %broadcast_in_dim3A_1679, %select_n3A_1665 : vector<128x128xi1>, vector<128x128xf32>
    %slice3A_1681 = vector.extract_strided_slice %select_n3A {offsets = [0, 1536], sizes = [1, 128], strides = [1, 1]} : vector<1x4096xf32> to vector<1x128xf32>
    %add3A_1682 = vector.broadcast %slice3A_1500 : vector<128x1xf32> to vector<128x128xf32>
    %add3A_1683 = vector.broadcast %slice3A_1681 : vector<1x128xf32> to vector<128x128xf32>
    %add3A_1684 = arith.addf %add3A_1682, %add3A_1683 : vector<128x128xf32>
    %slice3A_1685 = vector.extract_strided_slice %dot_general3A_14 {offsets = [384, 1536], sizes = [128, 128], strides = [1, 1]} : vector<512x4096xf32> to vector<128x128xf32>
    %sub3A_1686 = arith.subf %add3A_1684, %slice3A_1685 : vector<128x128xf32>
    %mul3A_1687 = arith.constant 32 : i32
    %mul3A_1688 = arith.muli %arg1, %mul3A_1687 : i32
    %add3A_1689 = arith.constant 12 : i32
    %add3A_1690 = arith.addi %mul3A_1688, %add3A_1689 : i32
    %convert_element_type3A_1691 = arith.sitofp %add3A_1690 : i32 to f32
    %lt3A_1692 = arith.cmpf olt, %sub3A_1686, %select_n3A_1678 : vector<128x128xf32>
    %select_n3A_1693 = arith.select %lt3A_1692, %sub3A_1686, %select_n3A_1678 : vector<128x128xi1>, vector<128x128xf32>
    %broadcast_in_dim3A_1694 = vector.broadcast %convert_element_type3A_1691 : f32 to vector<128x128xf32>
    %select_n3A_1695 = arith.select %lt3A_1692, %broadcast_in_dim3A_1694, %select_n3A_1680 : vector<128x128xi1>, vector<128x128xf32>
    %slice3A_1696 = vector.extract_strided_slice %select_n3A {offsets = [0, 1664], sizes = [1, 128], strides = [1, 1]} : vector<1x4096xf32> to vector<1x128xf32>
    %add3A_1697 = vector.broadcast %slice3A_1500 : vector<128x1xf32> to vector<128x128xf32>
    %add3A_1698 = vector.broadcast %slice3A_1696 : vector<1x128xf32> to vector<128x128xf32>
    %add3A_1699 = arith.addf %add3A_1697, %add3A_1698 : vector<128x128xf32>
    %slice3A_1700 = vector.extract_strided_slice %dot_general3A_14 {offsets = [384, 1664], sizes = [128, 128], strides = [1, 1]} : vector<512x4096xf32> to vector<128x128xf32>
    %sub3A_1701 = arith.subf %add3A_1699, %slice3A_1700 : vector<128x128xf32>
    %mul3A_1702 = arith.constant 32 : i32
    %mul3A_1703 = arith.muli %arg1, %mul3A_1702 : i32
    %add3A_1704 = arith.constant 13 : i32
    %add3A_1705 = arith.addi %mul3A_1703, %add3A_1704 : i32
    %convert_element_type3A_1706 = arith.sitofp %add3A_1705 : i32 to f32
    %lt3A_1707 = arith.cmpf olt, %sub3A_1701, %select_n3A_1693 : vector<128x128xf32>
    %select_n3A_1708 = arith.select %lt3A_1707, %sub3A_1701, %select_n3A_1693 : vector<128x128xi1>, vector<128x128xf32>
    %broadcast_in_dim3A_1709 = vector.broadcast %convert_element_type3A_1706 : f32 to vector<128x128xf32>
    %select_n3A_1710 = arith.select %lt3A_1707, %broadcast_in_dim3A_1709, %select_n3A_1695 : vector<128x128xi1>, vector<128x128xf32>
    %slice3A_1711 = vector.extract_strided_slice %select_n3A {offsets = [0, 1792], sizes = [1, 128], strides = [1, 1]} : vector<1x4096xf32> to vector<1x128xf32>
    %add3A_1712 = vector.broadcast %slice3A_1500 : vector<128x1xf32> to vector<128x128xf32>
    %add3A_1713 = vector.broadcast %slice3A_1711 : vector<1x128xf32> to vector<128x128xf32>
    %add3A_1714 = arith.addf %add3A_1712, %add3A_1713 : vector<128x128xf32>
    %slice3A_1715 = vector.extract_strided_slice %dot_general3A_14 {offsets = [384, 1792], sizes = [128, 128], strides = [1, 1]} : vector<512x4096xf32> to vector<128x128xf32>
    %sub3A_1716 = arith.subf %add3A_1714, %slice3A_1715 : vector<128x128xf32>
    %mul3A_1717 = arith.constant 32 : i32
    %mul3A_1718 = arith.muli %arg1, %mul3A_1717 : i32
    %add3A_1719 = arith.constant 14 : i32
    %add3A_1720 = arith.addi %mul3A_1718, %add3A_1719 : i32
    %convert_element_type3A_1721 = arith.sitofp %add3A_1720 : i32 to f32
    %lt3A_1722 = arith.cmpf olt, %sub3A_1716, %select_n3A_1708 : vector<128x128xf32>
    %select_n3A_1723 = arith.select %lt3A_1722, %sub3A_1716, %select_n3A_1708 : vector<128x128xi1>, vector<128x128xf32>
    %broadcast_in_dim3A_1724 = vector.broadcast %convert_element_type3A_1721 : f32 to vector<128x128xf32>
    %select_n3A_1725 = arith.select %lt3A_1722, %broadcast_in_dim3A_1724, %select_n3A_1710 : vector<128x128xi1>, vector<128x128xf32>
    %slice3A_1726 = vector.extract_strided_slice %select_n3A {offsets = [0, 1920], sizes = [1, 128], strides = [1, 1]} : vector<1x4096xf32> to vector<1x128xf32>
    %add3A_1727 = vector.broadcast %slice3A_1500 : vector<128x1xf32> to vector<128x128xf32>
    %add3A_1728 = vector.broadcast %slice3A_1726 : vector<1x128xf32> to vector<128x128xf32>
    %add3A_1729 = arith.addf %add3A_1727, %add3A_1728 : vector<128x128xf32>
    %slice3A_1730 = vector.extract_strided_slice %dot_general3A_14 {offsets = [384, 1920], sizes = [128, 128], strides = [1, 1]} : vector<512x4096xf32> to vector<128x128xf32>
    %sub3A_1731 = arith.subf %add3A_1729, %slice3A_1730 : vector<128x128xf32>
    %mul3A_1732 = arith.constant 32 : i32
    %mul3A_1733 = arith.muli %arg1, %mul3A_1732 : i32
    %add3A_1734 = arith.constant 15 : i32
    %add3A_1735 = arith.addi %mul3A_1733, %add3A_1734 : i32
    %convert_element_type3A_1736 = arith.sitofp %add3A_1735 : i32 to f32
    %lt3A_1737 = arith.cmpf olt, %sub3A_1731, %select_n3A_1723 : vector<128x128xf32>
    %select_n3A_1738 = arith.select %lt3A_1737, %sub3A_1731, %select_n3A_1723 : vector<128x128xi1>, vector<128x128xf32>
    %broadcast_in_dim3A_1739 = vector.broadcast %convert_element_type3A_1736 : f32 to vector<128x128xf32>
    %select_n3A_1740 = arith.select %lt3A_1737, %broadcast_in_dim3A_1739, %select_n3A_1725 : vector<128x128xi1>, vector<128x128xf32>
    %slice3A_1741 = vector.extract_strided_slice %select_n3A {offsets = [0, 2048], sizes = [1, 128], strides = [1, 1]} : vector<1x4096xf32> to vector<1x128xf32>
    %add3A_1742 = vector.broadcast %slice3A_1500 : vector<128x1xf32> to vector<128x128xf32>
    %add3A_1743 = vector.broadcast %slice3A_1741 : vector<1x128xf32> to vector<128x128xf32>
    %add3A_1744 = arith.addf %add3A_1742, %add3A_1743 : vector<128x128xf32>
    %slice3A_1745 = vector.extract_strided_slice %dot_general3A_14 {offsets = [384, 2048], sizes = [128, 128], strides = [1, 1]} : vector<512x4096xf32> to vector<128x128xf32>
    %sub3A_1746 = arith.subf %add3A_1744, %slice3A_1745 : vector<128x128xf32>
    %mul3A_1747 = arith.constant 32 : i32
    %mul3A_1748 = arith.muli %arg1, %mul3A_1747 : i32
    %add3A_1749 = arith.constant 16 : i32
    %add3A_1750 = arith.addi %mul3A_1748, %add3A_1749 : i32
    %convert_element_type3A_1751 = arith.sitofp %add3A_1750 : i32 to f32
    %lt3A_1752 = arith.cmpf olt, %sub3A_1746, %select_n3A_1738 : vector<128x128xf32>
    %select_n3A_1753 = arith.select %lt3A_1752, %sub3A_1746, %select_n3A_1738 : vector<128x128xi1>, vector<128x128xf32>
    %broadcast_in_dim3A_1754 = vector.broadcast %convert_element_type3A_1751 : f32 to vector<128x128xf32>
    %select_n3A_1755 = arith.select %lt3A_1752, %broadcast_in_dim3A_1754, %select_n3A_1740 : vector<128x128xi1>, vector<128x128xf32>
    %slice3A_1756 = vector.extract_strided_slice %select_n3A {offsets = [0, 2176], sizes = [1, 128], strides = [1, 1]} : vector<1x4096xf32> to vector<1x128xf32>
    %add3A_1757 = vector.broadcast %slice3A_1500 : vector<128x1xf32> to vector<128x128xf32>
    %add3A_1758 = vector.broadcast %slice3A_1756 : vector<1x128xf32> to vector<128x128xf32>
    %add3A_1759 = arith.addf %add3A_1757, %add3A_1758 : vector<128x128xf32>
    %slice3A_1760 = vector.extract_strided_slice %dot_general3A_14 {offsets = [384, 2176], sizes = [128, 128], strides = [1, 1]} : vector<512x4096xf32> to vector<128x128xf32>
    %sub3A_1761 = arith.subf %add3A_1759, %slice3A_1760 : vector<128x128xf32>
    %mul3A_1762 = arith.constant 32 : i32
    %mul3A_1763 = arith.muli %arg1, %mul3A_1762 : i32
    %add3A_1764 = arith.constant 17 : i32
    %add3A_1765 = arith.addi %mul3A_1763, %add3A_1764 : i32
    %convert_element_type3A_1766 = arith.sitofp %add3A_1765 : i32 to f32
    %lt3A_1767 = arith.cmpf olt, %sub3A_1761, %select_n3A_1753 : vector<128x128xf32>
    %select_n3A_1768 = arith.select %lt3A_1767, %sub3A_1761, %select_n3A_1753 : vector<128x128xi1>, vector<128x128xf32>
    %broadcast_in_dim3A_1769 = vector.broadcast %convert_element_type3A_1766 : f32 to vector<128x128xf32>
    %select_n3A_1770 = arith.select %lt3A_1767, %broadcast_in_dim3A_1769, %select_n3A_1755 : vector<128x128xi1>, vector<128x128xf32>
    %slice3A_1771 = vector.extract_strided_slice %select_n3A {offsets = [0, 2304], sizes = [1, 128], strides = [1, 1]} : vector<1x4096xf32> to vector<1x128xf32>
    %add3A_1772 = vector.broadcast %slice3A_1500 : vector<128x1xf32> to vector<128x128xf32>
    %add3A_1773 = vector.broadcast %slice3A_1771 : vector<1x128xf32> to vector<128x128xf32>
    %add3A_1774 = arith.addf %add3A_1772, %add3A_1773 : vector<128x128xf32>
    %slice3A_1775 = vector.extract_strided_slice %dot_general3A_14 {offsets = [384, 2304], sizes = [128, 128], strides = [1, 1]} : vector<512x4096xf32> to vector<128x128xf32>
    %sub3A_1776 = arith.subf %add3A_1774, %slice3A_1775 : vector<128x128xf32>
    %mul3A_1777 = arith.constant 32 : i32
    %mul3A_1778 = arith.muli %arg1, %mul3A_1777 : i32
    %add3A_1779 = arith.constant 18 : i32
    %add3A_1780 = arith.addi %mul3A_1778, %add3A_1779 : i32
    %convert_element_type3A_1781 = arith.sitofp %add3A_1780 : i32 to f32
    %lt3A_1782 = arith.cmpf olt, %sub3A_1776, %select_n3A_1768 : vector<128x128xf32>
    %select_n3A_1783 = arith.select %lt3A_1782, %sub3A_1776, %select_n3A_1768 : vector<128x128xi1>, vector<128x128xf32>
    %broadcast_in_dim3A_1784 = vector.broadcast %convert_element_type3A_1781 : f32 to vector<128x128xf32>
    %select_n3A_1785 = arith.select %lt3A_1782, %broadcast_in_dim3A_1784, %select_n3A_1770 : vector<128x128xi1>, vector<128x128xf32>
    %slice3A_1786 = vector.extract_strided_slice %select_n3A {offsets = [0, 2432], sizes = [1, 128], strides = [1, 1]} : vector<1x4096xf32> to vector<1x128xf32>
    %add3A_1787 = vector.broadcast %slice3A_1500 : vector<128x1xf32> to vector<128x128xf32>
    %add3A_1788 = vector.broadcast %slice3A_1786 : vector<1x128xf32> to vector<128x128xf32>
    %add3A_1789 = arith.addf %add3A_1787, %add3A_1788 : vector<128x128xf32>
    %slice3A_1790 = vector.extract_strided_slice %dot_general3A_14 {offsets = [384, 2432], sizes = [128, 128], strides = [1, 1]} : vector<512x4096xf32> to vector<128x128xf32>
    %sub3A_1791 = arith.subf %add3A_1789, %slice3A_1790 : vector<128x128xf32>
    %mul3A_1792 = arith.constant 32 : i32
    %mul3A_1793 = arith.muli %arg1, %mul3A_1792 : i32
    %add3A_1794 = arith.constant 19 : i32
    %add3A_1795 = arith.addi %mul3A_1793, %add3A_1794 : i32
    %convert_element_type3A_1796 = arith.sitofp %add3A_1795 : i32 to f32
    %lt3A_1797 = arith.cmpf olt, %sub3A_1791, %select_n3A_1783 : vector<128x128xf32>
    %select_n3A_1798 = arith.select %lt3A_1797, %sub3A_1791, %select_n3A_1783 : vector<128x128xi1>, vector<128x128xf32>
    %broadcast_in_dim3A_1799 = vector.broadcast %convert_element_type3A_1796 : f32 to vector<128x128xf32>
    %select_n3A_1800 = arith.select %lt3A_1797, %broadcast_in_dim3A_1799, %select_n3A_1785 : vector<128x128xi1>, vector<128x128xf32>
    %slice3A_1801 = vector.extract_strided_slice %select_n3A {offsets = [0, 2560], sizes = [1, 128], strides = [1, 1]} : vector<1x4096xf32> to vector<1x128xf32>
    %add3A_1802 = vector.broadcast %slice3A_1500 : vector<128x1xf32> to vector<128x128xf32>
    %add3A_1803 = vector.broadcast %slice3A_1801 : vector<1x128xf32> to vector<128x128xf32>
    %add3A_1804 = arith.addf %add3A_1802, %add3A_1803 : vector<128x128xf32>
    %slice3A_1805 = vector.extract_strided_slice %dot_general3A_14 {offsets = [384, 2560], sizes = [128, 128], strides = [1, 1]} : vector<512x4096xf32> to vector<128x128xf32>
    %sub3A_1806 = arith.subf %add3A_1804, %slice3A_1805 : vector<128x128xf32>
    %mul3A_1807 = arith.constant 32 : i32
    %mul3A_1808 = arith.muli %arg1, %mul3A_1807 : i32
    %add3A_1809 = arith.constant 20 : i32
    %add3A_1810 = arith.addi %mul3A_1808, %add3A_1809 : i32
    %convert_element_type3A_1811 = arith.sitofp %add3A_1810 : i32 to f32
    %lt3A_1812 = arith.cmpf olt, %sub3A_1806, %select_n3A_1798 : vector<128x128xf32>
    %select_n3A_1813 = arith.select %lt3A_1812, %sub3A_1806, %select_n3A_1798 : vector<128x128xi1>, vector<128x128xf32>
    %broadcast_in_dim3A_1814 = vector.broadcast %convert_element_type3A_1811 : f32 to vector<128x128xf32>
    %select_n3A_1815 = arith.select %lt3A_1812, %broadcast_in_dim3A_1814, %select_n3A_1800 : vector<128x128xi1>, vector<128x128xf32>
    %slice3A_1816 = vector.extract_strided_slice %select_n3A {offsets = [0, 2688], sizes = [1, 128], strides = [1, 1]} : vector<1x4096xf32> to vector<1x128xf32>
    %add3A_1817 = vector.broadcast %slice3A_1500 : vector<128x1xf32> to vector<128x128xf32>
    %add3A_1818 = vector.broadcast %slice3A_1816 : vector<1x128xf32> to vector<128x128xf32>
    %add3A_1819 = arith.addf %add3A_1817, %add3A_1818 : vector<128x128xf32>
    %slice3A_1820 = vector.extract_strided_slice %dot_general3A_14 {offsets = [384, 2688], sizes = [128, 128], strides = [1, 1]} : vector<512x4096xf32> to vector<128x128xf32>
    %sub3A_1821 = arith.subf %add3A_1819, %slice3A_1820 : vector<128x128xf32>
    %mul3A_1822 = arith.constant 32 : i32
    %mul3A_1823 = arith.muli %arg1, %mul3A_1822 : i32
    %add3A_1824 = arith.constant 21 : i32
    %add3A_1825 = arith.addi %mul3A_1823, %add3A_1824 : i32
    %convert_element_type3A_1826 = arith.sitofp %add3A_1825 : i32 to f32
    %lt3A_1827 = arith.cmpf olt, %sub3A_1821, %select_n3A_1813 : vector<128x128xf32>
    %select_n3A_1828 = arith.select %lt3A_1827, %sub3A_1821, %select_n3A_1813 : vector<128x128xi1>, vector<128x128xf32>
    %broadcast_in_dim3A_1829 = vector.broadcast %convert_element_type3A_1826 : f32 to vector<128x128xf32>
    %select_n3A_1830 = arith.select %lt3A_1827, %broadcast_in_dim3A_1829, %select_n3A_1815 : vector<128x128xi1>, vector<128x128xf32>
    %slice3A_1831 = vector.extract_strided_slice %select_n3A {offsets = [0, 2816], sizes = [1, 128], strides = [1, 1]} : vector<1x4096xf32> to vector<1x128xf32>
    %add3A_1832 = vector.broadcast %slice3A_1500 : vector<128x1xf32> to vector<128x128xf32>
    %add3A_1833 = vector.broadcast %slice3A_1831 : vector<1x128xf32> to vector<128x128xf32>
    %add3A_1834 = arith.addf %add3A_1832, %add3A_1833 : vector<128x128xf32>
    %slice3A_1835 = vector.extract_strided_slice %dot_general3A_14 {offsets = [384, 2816], sizes = [128, 128], strides = [1, 1]} : vector<512x4096xf32> to vector<128x128xf32>
    %sub3A_1836 = arith.subf %add3A_1834, %slice3A_1835 : vector<128x128xf32>
    %mul3A_1837 = arith.constant 32 : i32
    %mul3A_1838 = arith.muli %arg1, %mul3A_1837 : i32
    %add3A_1839 = arith.constant 22 : i32
    %add3A_1840 = arith.addi %mul3A_1838, %add3A_1839 : i32
    %convert_element_type3A_1841 = arith.sitofp %add3A_1840 : i32 to f32
    %lt3A_1842 = arith.cmpf olt, %sub3A_1836, %select_n3A_1828 : vector<128x128xf32>
    %select_n3A_1843 = arith.select %lt3A_1842, %sub3A_1836, %select_n3A_1828 : vector<128x128xi1>, vector<128x128xf32>
    %broadcast_in_dim3A_1844 = vector.broadcast %convert_element_type3A_1841 : f32 to vector<128x128xf32>
    %select_n3A_1845 = arith.select %lt3A_1842, %broadcast_in_dim3A_1844, %select_n3A_1830 : vector<128x128xi1>, vector<128x128xf32>
    %slice3A_1846 = vector.extract_strided_slice %select_n3A {offsets = [0, 2944], sizes = [1, 128], strides = [1, 1]} : vector<1x4096xf32> to vector<1x128xf32>
    %add3A_1847 = vector.broadcast %slice3A_1500 : vector<128x1xf32> to vector<128x128xf32>
    %add3A_1848 = vector.broadcast %slice3A_1846 : vector<1x128xf32> to vector<128x128xf32>
    %add3A_1849 = arith.addf %add3A_1847, %add3A_1848 : vector<128x128xf32>
    %slice3A_1850 = vector.extract_strided_slice %dot_general3A_14 {offsets = [384, 2944], sizes = [128, 128], strides = [1, 1]} : vector<512x4096xf32> to vector<128x128xf32>
    %sub3A_1851 = arith.subf %add3A_1849, %slice3A_1850 : vector<128x128xf32>
    %mul3A_1852 = arith.constant 32 : i32
    %mul3A_1853 = arith.muli %arg1, %mul3A_1852 : i32
    %add3A_1854 = arith.constant 23 : i32
    %add3A_1855 = arith.addi %mul3A_1853, %add3A_1854 : i32
    %convert_element_type3A_1856 = arith.sitofp %add3A_1855 : i32 to f32
    %lt3A_1857 = arith.cmpf olt, %sub3A_1851, %select_n3A_1843 : vector<128x128xf32>
    %select_n3A_1858 = arith.select %lt3A_1857, %sub3A_1851, %select_n3A_1843 : vector<128x128xi1>, vector<128x128xf32>
    %broadcast_in_dim3A_1859 = vector.broadcast %convert_element_type3A_1856 : f32 to vector<128x128xf32>
    %select_n3A_1860 = arith.select %lt3A_1857, %broadcast_in_dim3A_1859, %select_n3A_1845 : vector<128x128xi1>, vector<128x128xf32>
    %slice3A_1861 = vector.extract_strided_slice %select_n3A {offsets = [0, 3072], sizes = [1, 128], strides = [1, 1]} : vector<1x4096xf32> to vector<1x128xf32>
    %add3A_1862 = vector.broadcast %slice3A_1500 : vector<128x1xf32> to vector<128x128xf32>
    %add3A_1863 = vector.broadcast %slice3A_1861 : vector<1x128xf32> to vector<128x128xf32>
    %add3A_1864 = arith.addf %add3A_1862, %add3A_1863 : vector<128x128xf32>
    %slice3A_1865 = vector.extract_strided_slice %dot_general3A_14 {offsets = [384, 3072], sizes = [128, 128], strides = [1, 1]} : vector<512x4096xf32> to vector<128x128xf32>
    %sub3A_1866 = arith.subf %add3A_1864, %slice3A_1865 : vector<128x128xf32>
    %mul3A_1867 = arith.constant 32 : i32
    %mul3A_1868 = arith.muli %arg1, %mul3A_1867 : i32
    %add3A_1869 = arith.constant 24 : i32
    %add3A_1870 = arith.addi %mul3A_1868, %add3A_1869 : i32
    %convert_element_type3A_1871 = arith.sitofp %add3A_1870 : i32 to f32
    %lt3A_1872 = arith.cmpf olt, %sub3A_1866, %select_n3A_1858 : vector<128x128xf32>
    %select_n3A_1873 = arith.select %lt3A_1872, %sub3A_1866, %select_n3A_1858 : vector<128x128xi1>, vector<128x128xf32>
    %broadcast_in_dim3A_1874 = vector.broadcast %convert_element_type3A_1871 : f32 to vector<128x128xf32>
    %select_n3A_1875 = arith.select %lt3A_1872, %broadcast_in_dim3A_1874, %select_n3A_1860 : vector<128x128xi1>, vector<128x128xf32>
    %slice3A_1876 = vector.extract_strided_slice %select_n3A {offsets = [0, 3200], sizes = [1, 128], strides = [1, 1]} : vector<1x4096xf32> to vector<1x128xf32>
    %add3A_1877 = vector.broadcast %slice3A_1500 : vector<128x1xf32> to vector<128x128xf32>
    %add3A_1878 = vector.broadcast %slice3A_1876 : vector<1x128xf32> to vector<128x128xf32>
    %add3A_1879 = arith.addf %add3A_1877, %add3A_1878 : vector<128x128xf32>
    %slice3A_1880 = vector.extract_strided_slice %dot_general3A_14 {offsets = [384, 3200], sizes = [128, 128], strides = [1, 1]} : vector<512x4096xf32> to vector<128x128xf32>
    %sub3A_1881 = arith.subf %add3A_1879, %slice3A_1880 : vector<128x128xf32>
    %mul3A_1882 = arith.constant 32 : i32
    %mul3A_1883 = arith.muli %arg1, %mul3A_1882 : i32
    %add3A_1884 = arith.constant 25 : i32
    %add3A_1885 = arith.addi %mul3A_1883, %add3A_1884 : i32
    %convert_element_type3A_1886 = arith.sitofp %add3A_1885 : i32 to f32
    %lt3A_1887 = arith.cmpf olt, %sub3A_1881, %select_n3A_1873 : vector<128x128xf32>
    %select_n3A_1888 = arith.select %lt3A_1887, %sub3A_1881, %select_n3A_1873 : vector<128x128xi1>, vector<128x128xf32>
    %broadcast_in_dim3A_1889 = vector.broadcast %convert_element_type3A_1886 : f32 to vector<128x128xf32>
    %select_n3A_1890 = arith.select %lt3A_1887, %broadcast_in_dim3A_1889, %select_n3A_1875 : vector<128x128xi1>, vector<128x128xf32>
    %slice3A_1891 = vector.extract_strided_slice %select_n3A {offsets = [0, 3328], sizes = [1, 128], strides = [1, 1]} : vector<1x4096xf32> to vector<1x128xf32>
    %add3A_1892 = vector.broadcast %slice3A_1500 : vector<128x1xf32> to vector<128x128xf32>
    %add3A_1893 = vector.broadcast %slice3A_1891 : vector<1x128xf32> to vector<128x128xf32>
    %add3A_1894 = arith.addf %add3A_1892, %add3A_1893 : vector<128x128xf32>
    %slice3A_1895 = vector.extract_strided_slice %dot_general3A_14 {offsets = [384, 3328], sizes = [128, 128], strides = [1, 1]} : vector<512x4096xf32> to vector<128x128xf32>
    %sub3A_1896 = arith.subf %add3A_1894, %slice3A_1895 : vector<128x128xf32>
    %mul3A_1897 = arith.constant 32 : i32
    %mul3A_1898 = arith.muli %arg1, %mul3A_1897 : i32
    %add3A_1899 = arith.constant 26 : i32
    %add3A_1900 = arith.addi %mul3A_1898, %add3A_1899 : i32
    %convert_element_type3A_1901 = arith.sitofp %add3A_1900 : i32 to f32
    %lt3A_1902 = arith.cmpf olt, %sub3A_1896, %select_n3A_1888 : vector<128x128xf32>
    %select_n3A_1903 = arith.select %lt3A_1902, %sub3A_1896, %select_n3A_1888 : vector<128x128xi1>, vector<128x128xf32>
    %broadcast_in_dim3A_1904 = vector.broadcast %convert_element_type3A_1901 : f32 to vector<128x128xf32>
    %select_n3A_1905 = arith.select %lt3A_1902, %broadcast_in_dim3A_1904, %select_n3A_1890 : vector<128x128xi1>, vector<128x128xf32>
    %slice3A_1906 = vector.extract_strided_slice %select_n3A {offsets = [0, 3456], sizes = [1, 128], strides = [1, 1]} : vector<1x4096xf32> to vector<1x128xf32>
    %add3A_1907 = vector.broadcast %slice3A_1500 : vector<128x1xf32> to vector<128x128xf32>
    %add3A_1908 = vector.broadcast %slice3A_1906 : vector<1x128xf32> to vector<128x128xf32>
    %add3A_1909 = arith.addf %add3A_1907, %add3A_1908 : vector<128x128xf32>
    %slice3A_1910 = vector.extract_strided_slice %dot_general3A_14 {offsets = [384, 3456], sizes = [128, 128], strides = [1, 1]} : vector<512x4096xf32> to vector<128x128xf32>
    %sub3A_1911 = arith.subf %add3A_1909, %slice3A_1910 : vector<128x128xf32>
    %mul3A_1912 = arith.constant 32 : i32
    %mul3A_1913 = arith.muli %arg1, %mul3A_1912 : i32
    %add3A_1914 = arith.constant 27 : i32
    %add3A_1915 = arith.addi %mul3A_1913, %add3A_1914 : i32
    %convert_element_type3A_1916 = arith.sitofp %add3A_1915 : i32 to f32
    %lt3A_1917 = arith.cmpf olt, %sub3A_1911, %select_n3A_1903 : vector<128x128xf32>
    %select_n3A_1918 = arith.select %lt3A_1917, %sub3A_1911, %select_n3A_1903 : vector<128x128xi1>, vector<128x128xf32>
    %broadcast_in_dim3A_1919 = vector.broadcast %convert_element_type3A_1916 : f32 to vector<128x128xf32>
    %select_n3A_1920 = arith.select %lt3A_1917, %broadcast_in_dim3A_1919, %select_n3A_1905 : vector<128x128xi1>, vector<128x128xf32>
    %slice3A_1921 = vector.extract_strided_slice %select_n3A {offsets = [0, 3584], sizes = [1, 128], strides = [1, 1]} : vector<1x4096xf32> to vector<1x128xf32>
    %add3A_1922 = vector.broadcast %slice3A_1500 : vector<128x1xf32> to vector<128x128xf32>
    %add3A_1923 = vector.broadcast %slice3A_1921 : vector<1x128xf32> to vector<128x128xf32>
    %add3A_1924 = arith.addf %add3A_1922, %add3A_1923 : vector<128x128xf32>
    %slice3A_1925 = vector.extract_strided_slice %dot_general3A_14 {offsets = [384, 3584], sizes = [128, 128], strides = [1, 1]} : vector<512x4096xf32> to vector<128x128xf32>
    %sub3A_1926 = arith.subf %add3A_1924, %slice3A_1925 : vector<128x128xf32>
    %mul3A_1927 = arith.constant 32 : i32
    %mul3A_1928 = arith.muli %arg1, %mul3A_1927 : i32
    %add3A_1929 = arith.constant 28 : i32
    %add3A_1930 = arith.addi %mul3A_1928, %add3A_1929 : i32
    %convert_element_type3A_1931 = arith.sitofp %add3A_1930 : i32 to f32
    %lt3A_1932 = arith.cmpf olt, %sub3A_1926, %select_n3A_1918 : vector<128x128xf32>
    %select_n3A_1933 = arith.select %lt3A_1932, %sub3A_1926, %select_n3A_1918 : vector<128x128xi1>, vector<128x128xf32>
    %broadcast_in_dim3A_1934 = vector.broadcast %convert_element_type3A_1931 : f32 to vector<128x128xf32>
    %select_n3A_1935 = arith.select %lt3A_1932, %broadcast_in_dim3A_1934, %select_n3A_1920 : vector<128x128xi1>, vector<128x128xf32>
    %slice3A_1936 = vector.extract_strided_slice %select_n3A {offsets = [0, 3712], sizes = [1, 128], strides = [1, 1]} : vector<1x4096xf32> to vector<1x128xf32>
    %add3A_1937 = vector.broadcast %slice3A_1500 : vector<128x1xf32> to vector<128x128xf32>
    %add3A_1938 = vector.broadcast %slice3A_1936 : vector<1x128xf32> to vector<128x128xf32>
    %add3A_1939 = arith.addf %add3A_1937, %add3A_1938 : vector<128x128xf32>
    %slice3A_1940 = vector.extract_strided_slice %dot_general3A_14 {offsets = [384, 3712], sizes = [128, 128], strides = [1, 1]} : vector<512x4096xf32> to vector<128x128xf32>
    %sub3A_1941 = arith.subf %add3A_1939, %slice3A_1940 : vector<128x128xf32>
    %mul3A_1942 = arith.constant 32 : i32
    %mul3A_1943 = arith.muli %arg1, %mul3A_1942 : i32
    %add3A_1944 = arith.constant 29 : i32
    %add3A_1945 = arith.addi %mul3A_1943, %add3A_1944 : i32
    %convert_element_type3A_1946 = arith.sitofp %add3A_1945 : i32 to f32
    %lt3A_1947 = arith.cmpf olt, %sub3A_1941, %select_n3A_1933 : vector<128x128xf32>
    %select_n3A_1948 = arith.select %lt3A_1947, %sub3A_1941, %select_n3A_1933 : vector<128x128xi1>, vector<128x128xf32>
    %broadcast_in_dim3A_1949 = vector.broadcast %convert_element_type3A_1946 : f32 to vector<128x128xf32>
    %select_n3A_1950 = arith.select %lt3A_1947, %broadcast_in_dim3A_1949, %select_n3A_1935 : vector<128x128xi1>, vector<128x128xf32>
    %slice3A_1951 = vector.extract_strided_slice %select_n3A {offsets = [0, 3840], sizes = [1, 128], strides = [1, 1]} : vector<1x4096xf32> to vector<1x128xf32>
    %add3A_1952 = vector.broadcast %slice3A_1500 : vector<128x1xf32> to vector<128x128xf32>
    %add3A_1953 = vector.broadcast %slice3A_1951 : vector<1x128xf32> to vector<128x128xf32>
    %add3A_1954 = arith.addf %add3A_1952, %add3A_1953 : vector<128x128xf32>
    %slice3A_1955 = vector.extract_strided_slice %dot_general3A_14 {offsets = [384, 3840], sizes = [128, 128], strides = [1, 1]} : vector<512x4096xf32> to vector<128x128xf32>
    %sub3A_1956 = arith.subf %add3A_1954, %slice3A_1955 : vector<128x128xf32>
    %mul3A_1957 = arith.constant 32 : i32
    %mul3A_1958 = arith.muli %arg1, %mul3A_1957 : i32
    %add3A_1959 = arith.constant 30 : i32
    %add3A_1960 = arith.addi %mul3A_1958, %add3A_1959 : i32
    %convert_element_type3A_1961 = arith.sitofp %add3A_1960 : i32 to f32
    %lt3A_1962 = arith.cmpf olt, %sub3A_1956, %select_n3A_1948 : vector<128x128xf32>
    %select_n3A_1963 = arith.select %lt3A_1962, %sub3A_1956, %select_n3A_1948 : vector<128x128xi1>, vector<128x128xf32>
    %broadcast_in_dim3A_1964 = vector.broadcast %convert_element_type3A_1961 : f32 to vector<128x128xf32>
    %select_n3A_1965 = arith.select %lt3A_1962, %broadcast_in_dim3A_1964, %select_n3A_1950 : vector<128x128xi1>, vector<128x128xf32>
    %slice3A_1966 = vector.extract_strided_slice %select_n3A {offsets = [0, 3968], sizes = [1, 128], strides = [1, 1]} : vector<1x4096xf32> to vector<1x128xf32>
    %add3A_1967 = vector.broadcast %slice3A_1500 : vector<128x1xf32> to vector<128x128xf32>
    %add3A_1968 = vector.broadcast %slice3A_1966 : vector<1x128xf32> to vector<128x128xf32>
    %add3A_1969 = arith.addf %add3A_1967, %add3A_1968 : vector<128x128xf32>
    %slice3A_1970 = vector.extract_strided_slice %dot_general3A_14 {offsets = [384, 3968], sizes = [128, 128], strides = [1, 1]} : vector<512x4096xf32> to vector<128x128xf32>
    %sub3A_1971 = arith.subf %add3A_1969, %slice3A_1970 : vector<128x128xf32>
    %mul3A_1972 = arith.constant 32 : i32
    %mul3A_1973 = arith.muli %arg1, %mul3A_1972 : i32
    %add3A_1974 = arith.constant 31 : i32
    %add3A_1975 = arith.addi %mul3A_1973, %add3A_1974 : i32
    %convert_element_type3A_1976 = arith.sitofp %add3A_1975 : i32 to f32
    %lt3A_1977 = arith.cmpf olt, %sub3A_1971, %select_n3A_1963 : vector<128x128xf32>
    %select_n3A_1978 = arith.select %lt3A_1977, %sub3A_1971, %select_n3A_1963 : vector<128x128xi1>, vector<128x128xf32>
    %broadcast_in_dim3A_1979 = vector.broadcast %convert_element_type3A_1976 : f32 to vector<128x128xf32>
    %select_n3A_1980 = arith.select %lt3A_1977, %broadcast_in_dim3A_1979, %select_n3A_1965 : vector<128x128xi1>, vector<128x128xf32>
    %swap3A_1981 = arith.constant 384 : index
    %swap3A_1982 = arith.constant 0 : index
    %swap3A_1983 = vector.load %arg6[%swap3A_1981, %swap3A_1982] : memref<512x128xf32, #tpu.memory_space<vmem>>, vector<128x128xf32>
    tpu.vector_store %arg6[%swap3A_1981, %swap3A_1982], %select_n3A_1978 {strides = array<i32>} : memref<512x128xf32, #tpu.memory_space<vmem>>, vector<128x128xf32>,
    %swap3A_1984 = arith.constant 384 : index
    %swap3A_1985 = arith.constant 0 : index
    %swap3A_1986 = vector.load %arg7[%swap3A_1984, %swap3A_1985] : memref<512x128xf32, #tpu.memory_space<vmem>>, vector<128x128xf32>
    tpu.vector_store %arg7[%swap3A_1984, %swap3A_1985], %select_n3A_1980 {strides = array<i32>} : memref<512x128xf32, #tpu.memory_space<vmem>>, vector<128x128xf32>,
    %eq3A_1987 = arith.constant 4 : i32
    %eq3A_1988 = arith.cmpi eq, %arg1, %eq3A_1987 : i32
    %convert_element_type3A_1989 = arith.extui %eq3A_1988 : i1 to i32
    %cond3A_1990 = arith.constant 0 : i32
    %cond3A_1991 = arith.cmpi ne, %convert_element_type3A_1989, %cond3A_1990 : i32
    scf.if %cond3A_1991 {
      %get3A_1992 = arith.constant 0 : index
      %get3A_1993 = arith.constant 0 : index
      %get3A_1994 = vector.load %arg6[%get3A_1992, %get3A_1993] : memref<512x128xf32, #tpu.memory_space<vmem>>, vector<512x128xf32>
      %iota3A_1995 = tpu.iota {dimensions = array<i32: 1>} : vector<512x128xi32>
      %convert_element_type3A_1996 = arith.sitofp %iota3A_1995 : vector<512x128xi32> to vector<512x128xf32>
      %get3A_1997 = arith.constant 0 : index
      %get3A_1998 = arith.constant 0 : index
      %get3A_1999 = vector.load %arg7[%get3A_1997, %get3A_1998] : memref<512x128xf32, #tpu.memory_space<vmem>>, vector<512x128xf32>
      %mul3A_2000 = arith.constant 1.280000e+02 : f32
      %mul3A_2001 = vector.broadcast %mul3A_2000 : f32 to vector<512x128xf32>
      %mul3A_2002 = arith.mulf %get3A_1999, %mul3A_2001 : vector<512x128xf32>
      %add3A_2003 = arith.addf %mul3A_2002, %convert_element_type3A_1996 : vector<512x128xf32>
      %reduce_min3A = arith.constant dense<0x7F800000> : vector<512xf32>
      %reduce_min3A_2004 = vector.multi_reduction <minimumf>, %get3A_1994, %reduce_min3A [1] : vector<512x128xf32> to vector<512xf32>
      %broadcast_in_dim3A_2005 = vector.shape_cast %reduce_min3A_2004 : vector<512xf32> to vector<512x1xf32>
      %eq3A_2006 = vector.broadcast %broadcast_in_dim3A_2005 : vector<512x1xf32> to vector<512x128xf32>
      %eq3A_2007 = arith.cmpf oeq, %get3A_1994, %eq3A_2006 : vector<512x128xf32>
      %jit3A_2008 = arith.constant 1.07374182E+9 : f32
      %broadcast_in_dim3A_2009 = vector.broadcast %jit3A_2008 : f32 to vector<512x128xf32>
      %select_n3A_2010 = arith.select %eq3A_2007, %add3A_2003, %broadcast_in_dim3A_2009 : vector<512x128xi1>, vector<512x128xf32>
      %reduce_min3A_2011 = arith.constant dense<0x7F800000> : vector<512xf32>
      %reduce_min3A_2012 = vector.multi_reduction <minimumf>, %select_n3A_2010, %reduce_min3A_2011 [1] : vector<512x128xf32> to vector<512xf32>
      %broadcast_in_dim3A_2013 = vector.shape_cast %reduce_min3A_2012 : vector<512xf32> to vector<512x1xf32>
      %convert_element_type3A_2014 = arith.fptosi %broadcast_in_dim3A_2013 : vector<512x1xf32> to vector<512x1xi32>
      %swap3A_2015 = arith.constant 0 : index
      %swap3A_2016 = arith.constant 0 : index
      %swap3A_2017 = vector.load %arg5[%swap3A_2015, %swap3A_2016] : memref<512x1xi32, #tpu.memory_space<vmem>>, vector<512x1xi32>
      tpu.vector_store %arg5[%swap3A_2015, %swap3A_2016], %convert_element_type3A_2014 {strides = array<i32>} : memref<512x1xi32, #tpu.memory_space<vmem>>, vector<512x1xi32>,
    } else {
    }
    return
  }
  func.func @transform_0(%arg0: i32, %arg1: i32) -> (i32, i32) {
    %c0_i32 = arith.constant 0 : i32
    %c0_i32_0 = arith.constant 0 : i32
    return %arg0, %c0_i32 : i32, i32
  }
  func.func @transform_1(%arg0: i32, %arg1: i32) -> (i32, i32) {
    %c0_i32 = arith.constant 0 : i32
    %c0_i32_0 = arith.constant 0 : i32
    return %c0_i32, %arg1 : i32, i32
  }
  func.func @transform_2(%arg0: i32, %arg1: i32) -> (i32, i32) {
    %c0_i32 = arith.constant 0 : i32
    %c0_i32_0 = arith.constant 0 : i32
    return %arg0, %c0_i32 : i32, i32
  }
  func.func @transform_3(%arg0: i32, %arg1: i32) -> (i32, i32) {
    %c0_i32 = arith.constant 0 : i32
    %c0_i32_0 = arith.constant 0 : i32
    return %arg0, %c0_i32 : i32, i32
  }
}

</mosaic_0001>

<sc_bundles>
// kernel: kernel.4.cloned.1.call-start
scs
__scs_entry_jumppad:
0x0: {  	(pc) =	sbr.rel $0x88, $3  }
0x1: {  	(tag) =	ssettag $0x0;
	lr =	simm.s32 $0x1  }
0x2: {  	[smem:$0x3F9F] =	sst lr;
	_ =	strace $0xD0000000  }
0x3: {  	_ = 	snop  }
0x4: {  	_ = 	snop  }
0x5: {  	_ = 	snop  }
0x6: {  	_ = 	snop  }
0x7: {  	_ = 	snop  }
__scs_overlays_trampoline_lowered:
0x8: {  	[smem:$0x3FAE] =	sst s0  }
0x9: {  	[smem:$0x3FAF] =	sst s1  }
0xa: {  	[smem:$0x3FB0] =	sst s2  }
0xb: {  	[smem:$0x3FB1] =	sst s3  }
0xc: {  	[smem:$0x3FB2] =	sst s4  }
0xd: {  	[smem:$0x3FB3] =	sst s5  }
0xe: {  	[smem:$0x3FB4] =	sst s6  }
0xf: {  	[smem:$0x3FB5] =	sst s7  }
0x10: {  	[smem:$0x3FB6] =	sst s8  }
0x11: {  	[smem:$0x3FB7] =	sst s9;
	s0 =	simm.s32 @!p0 $0x0  }
0x12: {  	s1 =	sld [smem:$0x3F9D];
	s0 =	simm.s32 @p0 $0x1  }
0x13: {  	[smem:$0x3FB8] =	sst s0;
	s0 =	simm.s32 @!p1 $0x0  }
0x14: {  	s2 =	sld [smem:$0x3F9C];
	s0 =	simm.s32 @p1 $0x1  }
0x15: {  	[smem:$0x3FB9] =	sst s0;
	s0 =	simm.s32 @!p2 $0x0  }
0x16: {  	s3 =	sld [smem:$0x3FDB];
	s0 =	simm.s32 @p2 $0x1  }
0x17: {  	s4 =	simm.s32 $0x1BF5;
	[smem:$0x3FBB] =	sst s0  }
0x18: {  	s0 =	sld [smem:$0x3F9E];
	_ =	swait.ge [sflag:s4], $0x0  }
0x19: {  	s7 =	sld [smem:$0x3F9F]  }
0x1a: {  	s8 =	sadd.s32 $0xFFFFE003, lr  }
0x1b: {  	s9 =	sadd.s32 $0xFFFFFEF7, lr;
	s5 =	simm.s32 $0xFFFFFFFF;
	p2 =	slt.u32 s8, $0xFFFFF086  }
0x1c: {  	p1 =	slt.u32 s9, $0xF7A;
	s5 =	simm.s32 @!p2 $0x0  }
0x1d: {  	s5 =	simm.s32 @p1 $0x1;
	p0 =	seq.s32 s7, s2  }
0x1e: {  	s7 =	smul.u32 @!p0 $0xF7A, s2;
	p2 =	seq.s32 @!p0 s5, $0x0  }
0x1f: {  	s9 =	smul.u32 $0xF7A, s1;
	s8 =	simm.s32 @!p0 $0x1BF5;
	p2 =	por !p2, p0  }
0x20: {  	[sflag:s8] =	ssyncset.s32 @!p0 $0xFFFFF086;
	s6 =	sadd.s32 @!p0 s3, s7;
	s7 =	simm.s32 @!p0 $0x108  }
0x21: {  	s3 =	sadd.s32 s3, s9;
	s6 =	sadd.s32 @!p0 $0x88, s6;
	s7 =	simm.s32 @p2 $0x1082  }
0x22: {  	[simem:s7], [sflag:s8] =	dma.local @!p0 [hbm:s6], $0xF7A  }
0x23: {  	s9 =	sor.u32 $0xD0000000, s2;
	s6 =	simm.s32 $0x108;
	_ =	swait.ge @!p0 [sflag:s8], $0x0  }
0x24: {  	s3 =	sadd.s32 $0x88, s3;
	s6 =	simm.s32 @!p1 $0x1082;
	[sflag:s4] =	ssyncset.s32 $0xFFFFF086  }
0x25: {  	[simem:s6], [sflag:s4] =	dma.local [hbm:s3], $0xF7A  }
0x26: {  	[smem:$0x3F9F] =	sst s1;
	(tag) =	ssettag s2;
	_ =	strace s9  }
0x27: {  	s1 =	sld [smem:$0x3FAF]  }
0x28: {  	s2 =	sld [smem:$0x3FB0]  }
0x29: {  	s4 =	sld [smem:$0x3FB2]  }
0x2a: {  	p0 =	seq.s32 s5, $0x0;
	s5 =	sld [smem:$0x3FB3]  }
0x2b: {  	s6 =	sld [smem:$0x3FB4]  }
0x2c: {  	s7 =	sld [smem:$0x3FB5]  }
0x2d: {  	s3 =	simm.s32 $0x108;
	s8 =	sld [smem:$0x3FB6]  }
0x2e: {  	s3 =	simm.s32 @!p0 $0x1082;
	s9 =	sld [smem:$0x3FB7]  }
0x2f: {  	lr =	sadd.s32 s0, s3;
	s0 =	sld [smem:$0x3FAE]  }
0x30: {  	s3 =	sld [smem:$0x3FB1]  }
0x31: {  	[smem:$0x3FBA] =	sst s10  }
0x32: {  	s10 =	sld [smem:$0x3FB8];
	_ =	sdelay $0x3  }
0x33: {  	p0 =	seq.s32 s10, $0x1;
	s10 =	sld [smem:$0x3FBA];
	_ =	sdelay $0x3  }
0x34: {  	[smem:$0x3FBA] =	sst s10  }
0x35: {  	s10 =	sld [smem:$0x3FB9];
	_ =	sdelay $0x3  }
0x36: {  	p1 =	seq.s32 s10, $0x1;
	s10 =	sld [smem:$0x3FBA];
	_ =	sdelay $0x3  }
0x37: {  	[smem:$0x3FBA] =	sst s10  }
0x38: {  	s10 =	sld [smem:$0x3FBB]  }
0x39: {  	_ = 	snop;
	(pc) =	sbr.ind lr, $3  }
0x3a: {  	_ = 	snop  }
0x3b: {  	_ = 	snop  }
0x3c: {  	p2 =	seq.s32 s10, $0x1;
	s10 =	sld [smem:$0x3FBA]  }
0x3d: {  	_ =	shalt  }
0x3e: {  	_ =	shalt  }
0x3f: {  	_ =	shalt  }
0x40: {  	_ =	shalt  }
0x41: {  	_ =	shalt  }
0x42: {  	_ =	shalt  }
0x43: {  	_ =	shalt  }
0x44: {  	_ =	shalt  }
0x45: {  	_ =	shalt  }
0x46: {  	_ =	shalt  }
0x47: {  	_ =	shalt  }
0x48: {  	_ =	shalt  }
0x49: {  	_ =	shalt  }
0x4a: {  	_ =	shalt  }
0x4b: {  	_ =	shalt  }
0x4c: {  	_ =	shalt  }
0x4d: {  	_ =	shalt  }
0x4e: {  	_ =	shalt  }
0x4f: {  	_ =	shalt  }
0x50: {  	_ =	shalt  }
0x51: {  	_ =	shalt  }
0x52: {  	_ =	shalt  }
0x53: {  	_ =	shalt  }
0x54: {  	_ =	shalt  }
0x55: {  	_ =	shalt  }
0x56: {  	_ =	shalt  }
0x57: {  	_ =	shalt  }
0x58: {  	_ =	shalt  }
0x59: {  	_ =	shalt  }
0x5a: {  	_ =	shalt  }
0x5b: {  	_ =	shalt  }
0x5c: {  	_ =	shalt  }
0x5d: {  	_ =	shalt  }
0x5e: {  	_ =	shalt  }
0x5f: {  	_ =	shalt  }
0x60: {  	_ =	shalt  }
0x61: {  	_ =	shalt  }
0x62: {  	_ =	shalt  }
0x63: {  	_ =	shalt  }
0x64: {  	_ =	shalt  }
0x65: {  	_ =	shalt  }
0x66: {  	_ =	shalt  }
0x67: {  	_ =	shalt  }
0x68: {  	_ =	shalt  }
0x69: {  	_ =	shalt  }
0x6a: {  	_ =	shalt  }
0x6b: {  	_ =	shalt  }
0x6c: {  	_ =	shalt  }
0x6d: {  	_ =	shalt  }
0x6e: {  	_ =	shalt  }
0x6f: {  	_ =	shalt  }
0x70: {  	_ =	shalt  }
0x71: {  	_ =	shalt  }
0x72: {  	_ =	shalt  }
0x73: {  	_ =	shalt  }
0x74: {  	_ =	shalt  }
0x75: {  	_ =	shalt  }
0x76: {  	_ =	shalt  }
0x77: {  	_ =	shalt  }
0x78: {  	_ =	shalt  }
0x79: {  	_ =	shalt  }
0x7a: {  	_ =	shalt  }
0x7b: {  	_ =	shalt  }
0x7c: {  	_ =	shalt  }
0x7d: {  	_ =	shalt  }
0x7e: {  	_ =	shalt  }
0x7f: {  	_ =	shalt  }
0x80: {  	_ =	shalt  }
0x81: {  	_ =	shalt  }
0x82: {  	_ =	shalt  }
0x83: {  	_ =	shalt  }
0x84: {  	_ =	shalt  }
0x85: {  	_ =	shalt  }
0x86: {  	_ =	shalt  }
0x87: {  	_ =	shalt  }
.Lfunc_end0:
.L_simem_size_0:
called_computation_lowered:
.L_overlay_start_0:
0x88: {  	s2 =	sld [smem:$0x3FD9]  }
0x89: {  	s3 =	sld [smem:$0x3FFE];
	_ =	sdelay $0x1  }
0x8a: {  	s1 =	srdreg.scid  }
0x8b: {  	s0 =	sand.u32 $0x1, s1  }
0x8c: {  	s16 =	sshll.u32 s0, $0xA;
	s2 =	sadd.s32 s3, s2  }
0x8d: {  	s2 =	sadd.s32 s2, s16  }
0x8e: {  	[smem:$0x3FC6] =	sst s2  }
0x8f: {  	_ = 	snop  }
0x90: {  	(tm) =	ssettm $0x1  }
0x91: {  	s17 =	sld [smem:$0x3FFB];
	_ =	sdelay $0x3  }
0x92: {  	_ =	strace s17  }
0x93: {  	s2 =	sld [smem:$0x3FFC];
	_ =	sdelay $0x3  }
0x94: {  	_ =	strace s2  }
0x95: {  	s2 =	sld [smem:$0x3FFD];
	_ =	sdelay $0x3  }
0x96: {  	_ =	strace s2  }
0x97: {  	_ =	strace $0x8FFFFFFF  }
0x98: {  	s18 =	sld [smem:$0x3FDB];
	_ =	sdelay $0x1  }
0x99: {  	s19 =	simm.s32 $_scs_section_size  }
0x9a: {  	s4 =	simm.s32 $_size__tile_overlayer_lowered;
	s5 =	simm.s32 $_tile_overlayer_lowered  }
0x9b: {  	s22 =	simm.s32 $0x1BFF;
	s21 =	sshll.u32 s5, $0x1;
	s2 =	sadd.s32 s19, s18  }
0x9c: {  	s6 =	simm.s32 $0x0;
	s20 =	sshll.u32 s4, $0x1;
	s4 =	sadd.s32 s21, s2  }
0x9d: {  	[timem:s6], [sflag:s22] =	dma.local [hbm:s4], s20  }
0x9e: {  	_ =	swait.ge [sflag:s22], s20  }
0x9f: {  	s3 =	ssub.s32 $0x0, s20;
	[sflag:s22] =	ssyncset.done $0x0  }
0xa0: {  	[sflag:s22] =	ssyncadd.s32 s3;
	_ =	sdelay $0x1  }
0xa1: {  	s23 =	simm.s32 $0x1B8B  }
0xa2: {  	_ =	swait.ge [sflag:s23], $0x1  }
0xa3: {  	[sflag:s23] =	ssyncset.done $0x0  }
0xa4: {  	s25 =	simm.s32 $0x1B8E;
	s24 =	sld [smem:$0x3FFE];
	[sflag:s23] =	ssyncadd.s32 $0xFFFFFFFF  }
0xa5: {  	s26 =	simm.s32 $execute0_lowered;
	[smem:$0x3FD2] =	sst s25  }
0xa6: {  	s4 =	sshll.u32 s26, $0x1;
	_ =	strace $0x80000046;
	[dreg:$0x1] =	wrdreg $0xFFFFFFFF  }
0xa7: {  	s28 =	simm.s32 $_size_execute0_lowered;
	s2 =	sadd.s32 s2, s4;
	[dreg:$0x0] =	wrdreg $0x0  }
0xa8: {  	s4 =	sshll.u32 s28, $0x1;
	[dreg:$0x2] =	wrdreg s2  }
0xa9: {  	[dreg:$0x3] =	wrdreg s4  }
0xaa: {  	[dreg:$0x4] =	wrdreg $0xC0  }
0xab: {  	_ =	task [dreg:s6], $0x5FFFF  }
0xac: {  	[dreg:$0x1] =	wrdreg $0xFFFFFFFF  }
0xad: {  	[dreg:$0x0] =	wrdreg $0x60  }
0xae: {  	[dreg:$0x2] =	wrdreg s24  }
0xaf: {  	[dreg:$0x3] =	wrdreg $0x9  }
0xb0: {  	_ =	task.clear_ibuf [dreg:s6], $0x4FFFF;
	_ =	strace $0x90000046  }
0xb1: {  	s29 =	simm.s32 $0x9;
	_ =	strace $0x80000048  }
0xb2: {  	_ =	swait.ge [sflag:s29], $0x1  }
0xb3: {  	[sflag:s29] =	ssyncadd.s32 $0xFFFFFFFF  }
0xb4: {  	_ =	strace $0x90000048  }
0xb5: {  	_ =	sfence  }
0xb6: {  	s30 =	sld [smem:$0x0];
	_ =	sdelay $0x2  }
0xb7: {  	s31 =	sshll.u32 s1, $0xD;
	s1 =	sshrl.u32 s1, $0x2  }
0xb8: {  	s3 =	sand.u32 $0x4000, s31;
	s1 =	sadd.s32 s1, s30  }
0xb9: {  	s0 =	sor.u32 s3, s0;
	s1 =	sshll.u32 s1, $0x11  }
0xba: {  	s0 =	sor.u32 s1, s0  }
0xbb: {  	s0 =	sadd.s32 $0x8F2B, s0  }
0xbc: {  	[sflag:s0] =	ssyncadd.remote.s32 $0x1  }
0xbd: {  	_ =	sfence.sel $0xFFFF  }
0xbe: {  	[dreg:$0x0] =	wrdreg $0xFFFFFFFF;
	(pc) =	sbr.abs _section_cstart, $3  }
0xbf: {  	[dreg:$0x1] =	wrdreg $0xFFFFFFFF  }
0xc0: {  	_ =	task.clear_ibuf [dreg:s6], $0x2FFFF;
	_ =	strace $0x9FFFFFFF  }
0xc1: {  	(tm) =	ssettm $0x7FFFFFFF  }
tec
execute0_lowered:
.L_overlay_start_1:
0x0: {  	(tag) =	ssettag $0x1  }
0x1: {  	s1 =	srdreg.scid;
	s0 =	stileid.u32  }
0x2: {  	s10 =	sand.u32 $0x1, s1;
	s23 =	sshll.u32 s0, $0x1  }
0x3: {  	s11 =	sor.u32 s10, s23  }
0x4: {  	s9 =	smul.u32 $0xA0, s11  }
0x5: {  	s5 =	rddreg [dreg:$0x0]  }
0x6: {  	s2 =	simm.s32 $0x0;
	s1 =	rddreg [dreg:$0x1];
	s3 =	sshrl.u32 s9, $0x3  }
0x7: {  	[smem:$0x7FF] =	sst s2;
	s4 =	sadd.s32 s3, s5  }
0x8: {  	_ =	strace $0x80000047;
	s3 =	simm.s32 $0x1;
	s6 =	sadd.s32 $0xE00, s4  }
0x9: {  	[tilespmem:s2], [sflag:$0x1] =	stream.linear.gather [hbm4b:s6+s2], $0xA0, $0x38;
	[tilespmem:$0x5100] =	vst v63  }
0xa: {  	_ =	swait.ge [sflag:s3], $0xA0  }
0xb: {  	[sflag:s3] =	ssyncset.done $0x0  }
0xc: {  	s8 =	simm.s32 $0x100;
	s7 =	sadd.s32 $0xA00, s4;
	[sflag:s3] =	ssyncadd.s32 $0xFFFFFF60  }
0xd: {  	[tilespmem:s8], [sflag:$0x1] =	stream.linear.gather [hbm4b:s7+s2], $0xA0, $0x38;
	[tilespmem:$0x5100] =	vst v63  }
0xe: {  	_ =	swait.ge [sflag:s3], $0xA0  }
0xf: {  	[sflag:s3] =	ssyncset.done $0x0  }
0x10: {  	s4 =	simm.s32 $0x200;
	[sflag:s3] =	ssyncadd.s32 $0xFFFFFF60  }
0x11: {  	[tilespmem:s4], [sflag:$0x1] =	stream.linear.gather [hbm4b:s5+s2], $0x4E80, $0x38;
	[tilespmem:$0x5100] =	vst v63  }
0x12: {  	_ =	swait.ge [sflag:s3], $0x4E80  }
0x13: {  	[sflag:s3] =	ssyncset.done $0x0  }
0x14: {  	[sflag:s3] =	ssyncadd.s32 $0xFFFFB180  }
0x15: {  	v0 =	vld [tilespmem:$0x160]  }
0x16: {  	v3 =	vld [tilespmem:$0x120]  }
0x17: {  	s10 =	ssub.s32 $0x2, s10;
	v2 =	vld [tilespmem:$0x140]  }
0x18: {  	v5 =	vlaneseq.u32;
	s30 =	sshrl.u32 s10, $0x1;
	v4 =	vld [tilespmem:$0x50]  }
0x19: {  	v5 =	vmul.u32 $0xFFFFFFFF, v5;
	s10 =	ssub.s32 s10, s30;
	v10 =	vld [tilespmem:$0x40]  }
0x1a: {  	s12 =	sor.u32 $0x10, s9;
	s24 =	sadd.s32 $0x30, s9;
	s13 =	sadd.s32 $0x40, s9;
	v1 =	vld [tilespmem:$0x60]  }
0x1b: {  	v18 =	vadd.s32 $0x1388, v5;
	s25 =	sadd.s32 $0x50, s9;
	s26 =	sadd.s32 $0x60, s9;
	v62 =	vmov s9;
	v12 =	vmov s12;
	s12 =	smax.u32 s10, $0x1;
	v6 =	vld [tilespmem:$0x20]  }
0x1c: {  	s14 =	sadd.s32 $0x70, s9;
	s28 =	sadd.s32 $0x80, s9;
	v11 =	vmov s24;
	v13 =	vmov s13;
	v7 =	vmov s25;
	p0 =	sne.s32 s12, $0x1;
	v8 =	vld [tilespmem:$0x0]  }
.Ltmp0:
0x1d: {  	s29 =	sadd.s32 $0x90, s9;
	s9 =	sadd.s32 $0x20, s9;
	v14 =	vmov s26;
	v15 =	vmov s14;
	v16 =	vmov s28;
	v9 =	vld [tilespmem:$0x10];
	(pc) =	sbr.rel @!p0 .LBB2_2-.Ltmp0, $4  }
0x1e: {  	v17 =	vmov s29;
	v63 =	vmov s9;
	vm9 =	vlt.u32 v62, v18;
	v5 =	vld [tilespmem:$0x150]  }
0x1f: {  	s11 =	sshll.u32 s11, $0x4;
	vm0 =	vlt.u32 v17, v18;
	vm1 =	vlt.u32 v16, v18;
	vm4 =	vlt.u32 v7, v18;
	v7 =	vld [tilespmem:$0x110]  }
0x20: {  	s31 =	sadd.s32 s11, s5;
	vm2 =	vlt.u32 v15, v18;
	vm3 =	vlt.u32 v14, v18;
	vm6 =	vlt.u32 v11, v18;
	v11 =	vld [tilespmem:$0x30]  }
0x21: {  	s9 =	sadd.s32 $0x1200, s31;
	s10 =	simm.s32 $0x5080;
	vm5 =	vlt.u32 v13, v18;
	vm7 =	vlt.u32 v63, v18;
	vm8 =	vlt.u32 v12, v18;
	s11 =	sadd.s32 $0xFFFFFFFF, s12;
	v10 =	vld.idx.msk [tilespmem:v10+s4+$0x0], $0xffff  }
.LBB2_1:
0x22: {  	p0 =	sne.s32 s11, $0x1;
	s11 =	sadd.s32 $0xFFFFFFFF, s11;
	v12 =	vld [tilespmem:$0x100]  }
0x23: {  	v6 =	vld.idx.msk [tilespmem:v6+s4+$0x0], $0xffff  }
0x24: {  	v8 =	vld.idx.msk [tilespmem:v8+s4+$0x0], $0xffff  }
0x25: {  	v9 =	vld.idx.msk [tilespmem:v9+s4+$0x0], $0xffff  }
0x26: {  	v4 =	vld.idx.msk [tilespmem:v4+s4+$0x0], $0xffff  }
0x27: {  	v2 =	vsub.f32 v2, v10;
	v10 =	vld [tilespmem:$0x70]  }
0x28: {  	v11 =	vld.idx.msk [tilespmem:v11+s4+$0x0], $0xffff  }
0x29: {  	v3 =	vsub.f32 v3, v6;
	v2 =	vnsel vm5, $0x0, v2;
	v6 =	vld [tilespmem:$0x130]  }
0x2a: {  	v8 =	vsub.f32 v12, v8;
	v12 =	vld [tilespmem:$0x80]  }
0x2b: {  	v7 =	vsub.f32 v7, v9;
	v3 =	vnsel vm7, $0x0, v3;
	v9 =	vld [tilespmem:$0x90]  }
0x2c: {  	v8 =	vnsel vm9, $0x0, v8;
	v4 =	vsub.f32 v5, v4  }
0x2d: {  	v5 =	vnsel vm8, $0x0, v7  }
0x2e: {  	v7 =	vmul.f32 v8, v8;
	v5 =	vmul.f32 v5, v5;
	v6 =	vsub.f32 v6, v11;
	v8 =	vld [tilespmem:$0x190]  }
0x2f: {  	v4 =	vnsel vm4, $0x0, v4;
	v1 =	vld.idx.msk [tilespmem:v1+s4+$0x0], $0xffff  }
0x30: {  	v3 =	vmul.f32 v3, v3;
	v5 =	vadd.f32 v5, v7;
	v6 =	vnsel vm6, $0x0, v6;
	v7 =	vld.idx.msk [tilespmem:v10+s4+$0x0], $0xffff  }
0x31: {  	v10 =	vld [tilespmem:$0x170]  }
0x32: {  	v3 =	vadd.f32 v3, v5;
	v5 =	vmul.f32 v6, v6;
	v6 =	vld.idx.msk [tilespmem:v12+s4+$0x0], $0xffff  }
0x33: {  	v9 =	vld.idx.msk [tilespmem:v9+s4+$0x0], $0xffff  }
0x34: {  	v2 =	vmul.f32 v2, v2;
	v3 =	vadd.f32 v5, v3;
	v5 =	vld [tilespmem:$0x180]  }
0x35: {  	v0 =	vsub.f32 v0, v1  }
0x36: {  	v1 =	vadd.f32 v2, v3;
	v2 =	vmul.f32 v4, v4;
	v3 =	vsub.f32 v10, v7  }
0x37: {  	v0 =	vnsel vm3, $0x0, v0  }
0x38: {  	v1 =	vadd.f32 v2, v1;
	v0 =	vmul.f32 v0, v0;
	v2 =	vnsel vm2, $0x0, v3  }
0x39: {  	v4 =	vsub.f32 v8, v9;
	v3 =	vsub.f32 v5, v6  }
0x3a: {  	v0 =	vadd.f32 v0, v1;
	v1 =	vmul.f32 v2, v2  }
0x3b: {  	v2 =	vnsel vm1, $0x0, v3;
	v3 =	vnsel vm0, $0x0, v4  }
0x3c: {  	v0 =	vadd.f32 v1, v0;
	v1 =	vmul.f32 v2, v2;
	_ =	sdelay $0x1  }
0x3d: {  	v0 =	vadd.f32 v1, v0;
	v1 =	vmul.f32 v3, v3;
	_ =	sdelay $0x1  }
0x3e: {  	v0 =	vadd.f32 v1, v0;
	_ =	sdelay $0x1  }
0x3f: {  	[tilespmem:$0x5080] =	vst v0  }
0x40: {  	[hbm4b:s9+s2] =	stream.linear.scatter [tilespmem:s10], [sflag:$0x1], $0x80, $0x38;
	[tilespmem:$0x5100] =	vst v63  }
0x41: {  	_ =	swait.ge [sflag:s3], $0x80  }
0x42: {  	[sflag:s3] =	ssyncset.done $0x0  }
0x43: {  	[sflag:s3] =	ssyncadd.s32 $0xFFFFFF80  }
0x44: {  	[tilespmem:s2], [sflag:$0x1] =	stream.linear.gather [hbm4b:s6+s2], $0xA0, $0x38;
	[tilespmem:$0x5100] =	vst v63  }
0x45: {  	_ =	swait.ge [sflag:s3], $0xA0  }
0x46: {  	[sflag:s3] =	ssyncset.done $0x0  }
0x47: {  	[sflag:s3] =	ssyncadd.s32 $0xFFFFFF60  }
0x48: {  	[tilespmem:s8], [sflag:$0x1] =	stream.linear.gather [hbm4b:s7+s2], $0xA0, $0x38;
	[tilespmem:$0x5100] =	vst v63  }
0x49: {  	_ =	swait.ge [sflag:s3], $0xA0  }
0x4a: {  	[sflag:s3] =	ssyncset.done $0x0  }
0x4b: {  	[sflag:s3] =	ssyncadd.s32 $0xFFFFFF60  }
0x4c: {  	[tilespmem:s4], [sflag:$0x1] =	stream.linear.gather [hbm4b:s5+s2], $0x4E80, $0x38;
	[tilespmem:$0x5100] =	vst v63  }
0x4d: {  	_ =	swait.ge [sflag:s3], $0x4E80  }
0x4e: {  	[sflag:s3] =	ssyncset.done $0x0  }
0x4f: {  	[sflag:s3] =	ssyncadd.s32 $0xFFFFB180  }
0x50: {  	v0 =	vld [tilespmem:$0x160]  }
0x51: {  	v3 =	vld [tilespmem:$0x120]  }
0x52: {  	v2 =	vld [tilespmem:$0x140]  }
0x53: {  	v4 =	vld [tilespmem:$0x50]  }
0x54: {  	v10 =	vld [tilespmem:$0x40]  }
0x55: {  	v1 =	vld [tilespmem:$0x60]  }
0x56: {  	v6 =	vld [tilespmem:$0x20]  }
0x57: {  	v8 =	vld [tilespmem:$0x0]  }
.Ltmp1:
0x58: {  	v9 =	vld [tilespmem:$0x10];
	(pc) =	sbr.rel @p0 .LBB2_1-.Ltmp1, $4  }
0x59: {  	v5 =	vld [tilespmem:$0x150]  }
0x5a: {  	v7 =	vld [tilespmem:$0x110]  }
0x5b: {  	v11 =	vld [tilespmem:$0x30]  }
0x5c: {  	v10 =	vld.idx.msk [tilespmem:v10+s4+$0x0], $0xffff  }
.LBB2_2:
0x5d: {  	_ =	sdelay $0x2  }
0x5e: {  	v12 =	vld [tilespmem:$0x100]  }
0x5f: {  	v8 =	vld.idx.msk [tilespmem:v8+s4+$0x0], $0xffff  }
0x60: {  	v9 =	vld.idx.msk [tilespmem:v9+s4+$0x0], $0xffff  }
0x61: {  	v6 =	vld.idx.msk [tilespmem:v6+s4+$0x0], $0xffff  }
0x62: {  	v13 =	vld [tilespmem:$0x70]  }
0x63: {  	v14 =	vld [tilespmem:$0x130]  }
0x64: {  	v11 =	vld.idx.msk [tilespmem:v11+s4+$0x0], $0xffff  }
0x65: {  	v8 =	vsub.f32 v12, v8;
	v7 =	vsub.f32 v7, v9  }
0x66: {  	v46 =	vld [tilespmem:$0x80]  }
0x67: {  	v4 =	vld.idx.msk [tilespmem:v4+s4+$0x0], $0xffff;
	v3 =	vsub.f32 v3, v6;
	v47 =	vnsel vm9, $0x0, v8;
	v7 =	vnsel vm8, $0x0, v7  }
0x68: {  	v48 =	vld [tilespmem:$0x90];
	v6 =	vmul.f32 v47, v47;
	v7 =	vmul.f32 v7, v7  }
0x69: {  	v3 =	vnsel vm7, $0x0, v3;
	v11 =	vsub.f32 v14, v11  }
0x6a: {  	v1 =	vld.idx.msk [tilespmem:v1+s4+$0x0], $0xffff;
	v3 =	vmul.f32 v3, v3;
	v6 =	vadd.f32 v7, v6  }
0x6b: {  	v51 =	vld [tilespmem:$0x170];
	v2 =	vsub.f32 v2, v10;
	v49 =	vnsel vm6, $0x0, v11  }
0x6c: {  	v50 =	vld.idx.msk [tilespmem:v13+s4+$0x0], $0xffff;
	v52 =	vmul.f32 v49, v49;
	v3 =	vadd.f32 v3, v6  }
0x6d: {  	v54 =	vld [tilespmem:$0x180];
	v4 =	vsub.f32 v5, v4;
	v2 =	vnsel vm5, $0x0, v2  }
0x6e: {  	v2 =	vmul.f32 v2, v2;
	v53 =	vld.idx.msk [tilespmem:v46+s4+$0x0], $0xffff;
	v3 =	vadd.f32 v52, v3  }
0x6f: {  	v55 =	vld [tilespmem:$0x190];
	v0 =	vsub.f32 v0, v1;
	v4 =	vnsel vm4, $0x0, v4  }
0x70: {  	v56 =	vld.idx.msk [tilespmem:v48+s4+$0x0], $0xffff;
	v57 =	vmul.f32 v4, v4;
	v2 =	vadd.f32 v2, v3  }
0x71: {  	v0 =	vnsel vm3, $0x0, v0;
	v58 =	vsub.f32 v51, v50  }
0x72: {  	v0 =	vmul.f32 v0, v0;
	v2 =	vadd.f32 v57, v2  }
0x73: {  	v60 =	vsub.f32 v54, v53;
	v59 =	vnsel vm2, $0x0, v58  }
0x74: {  	v61 =	vmul.f32 v59, v59;
	v0 =	vadd.f32 v0, v2  }
0x75: {  	v1 =	vsub.f32 v55, v56;
	v62 =	vnsel vm1, $0x0, v60  }
0x76: {  	v63 =	vmul.f32 v62, v62;
	v0 =	vadd.f32 v61, v0  }
0x77: {  	v1 =	vnsel vm0, $0x0, v1  }
0x78: {  	v1 =	vmul.f32 v1, v1;
	v0 =	vadd.f32 v63, v0;
	_ =	sdelay $0x1  }
0x79: {  	v0 =	vadd.f32 v1, v0;
	_ =	sdelay $0x1  }
0x7a: {  	[tilespmem:$0x5080] =	vst v0  }
0x7b: {  	[hbm4b:s9+s2] =	stream.linear.scatter [tilespmem:s10], [sflag:$0x1], $0x80, $0x38;
	[tilespmem:$0x5100] =	vst v63  }
0x7c: {  	_ =	swait.ge [sflag:s3], $0x80  }
0x7d: {  	[sflag:s3] =	ssyncset.done $0x0  }
0x7e: {  	[sflag:s3] =	ssyncadd.s32 $0xFFFFFF80  }
0x7f: {  	_ =	sfence.sel $0x180000  }
0x80: {  	[bflag:$0x0] =	sbarrier.arrive $0xFFFF  }
0x81: {  	p0 =	sne.s32 s0, $0x0;
	_ =	strace $0x90000047  }
0x82: {  	s0 =	sadd.s32 @!p0 $0x100000, s1;
	[bflag:$0x2] =	sbarrier.arrive $0xFFFF  }
0x83: {  	[sflag:s0] =	ssyncadd.tile.s32 @!p0 $0x1;
	_ =	shalt  }
.Lfunc_end2:
_tile_overlayer_lowered:
.L_overlay_start_2:
0x84: {  	(tag) =	ssettag $0x2  }
0x85: {  	s0 =	rddreg [dreg:$0x0];
	s2 =	stileid.u32  }
0x86: {  	s1 =	rddreg [dreg:$0x1];
	p0 =	sne.s32 s2, $0x0  }
0x87: {  	s3 =	rddreg [dreg:$0x2];
	[bflag:$0x3] =	sbarrier.arrive $0xFFFF;
	s2 =	simm.s32 @!p0 $0x1C01  }
0x88: {  	[timem:s3], [sflag:s2] =	dma.local @!p0 [hbm:s0], s1  }
0x89: {  	s0 =	simm.s32 @!p0 $0x1  }
0x8a: {  	_ =	swait.ge @!p0 [sflag:s0], s1  }
0x8b: {  	s1 =	ssub.s32 @!p0 $0x0, s1;
	[sflag:s0] =	ssyncset.done @!p0 $0x0  }
0x8c: {  	[sflag:s0] =	ssyncadd.s32 @!p0 s1  }
0x8d: {  	[bflag:$0x3] =	sbarrier.arrive $0xFFFF  }
0x8e: {  	_ =	shalt  }

</sc_bundles>
